<compile_context>
chip_gen: v7x
topology: tpu7x:2x2x1
jax: 0.10.2.dev20260603
libtpu: 0.0.44.dev20260713+nightly
codegen_flags: <defaults>
</compile_context>

<pallas_src>
import jax
import jax.numpy as jnp
from jax import lax
from jax.experimental import pallas as pl
from jax.experimental.pallas import tpu as pltpu
from jax.experimental.pallas import tpu_sc as plsc

N = 10000
M = 160000
HID = 256
H = 16
D = 16
HH = 128

NC = 2
NS = 16
NW = NC * NS

M1 = 80640
M2 = M - M1
G_CH = 128

S_PER_T = M // NS
S_FULL = S_PER_T // G_CH
S_REM = S_PER_T - S_FULL * G_CH

ROWS_PER_T = N // NS
PW = 144

R1 = 400
R2 = 640

_BF = jnp.bfloat16
_F = jnp.float32
_U = jnp.uint32


def _rne_hi(x):
    u = lax.bitcast_convert_type(x, _U)
    r = u + jnp.uint32(0x7FFF) + ((u >> jnp.uint32(16)) & jnp.uint32(1))
    return r & jnp.uint32(0xFFFF0000)


def _pack(a, b):
    return lax.bitcast_convert_type(_rne_hi(a) | (_rne_hi(b) >> jnp.uint32(16)), _F)


def _unpack(x):
    u = lax.bitcast_convert_type(x, _U)
    a = lax.bitcast_convert_type(u & jnp.uint32(0xFFFF0000), _F)
    b = lax.bitcast_convert_type(u << jnp.uint32(16), _F)
    return a, b


def _proj_body(xq_ref, xk_ref, wqa, wqb, wka, wkb, wva, wvb,
               q_ref, k_ref, v_ref):
    dn = (((1,), (1,)), ((), ()))
    xq = xq_ref[...]
    xk = xk_ref[...]
    q_ref[...] = _pack(lax.dot_general(xq, wqa[...], dn),
                       lax.dot_general(xq, wqb[...], dn))
    k_ref[...] = _pack(lax.dot_general(xk, wka[...], dn),
                       lax.dot_general(xk, wkb[...], dn))
    v_ref[...] = _pack(lax.dot_general(xk, wva[...], dn),
                       lax.dot_general(xk, wvb[...], dn))


def _proj_call(xq, xk, *ws):
    grid = (N // R1,)
    row = pl.BlockSpec((R1, HID), lambda i: (i, 0))
    half = pl.BlockSpec((R1, HH), lambda i: (i, 0))
    wfull = pl.BlockSpec((HH, HID), lambda i: (0, 0))
    return pl.pallas_call(
        _proj_body,
        grid=grid,
        in_specs=[row, row] + [wfull] * 6,
        out_specs=[half] * 3,
        out_shape=[jax.ShapeDtypeStruct((N, HH), _F)] * 3,
    )(xq, xk, *ws)


def _make_gather_body(base0, per_w):
    g_full = per_w // G_CH
    g_rem = per_w - g_full * G_CH

    def _gather_body(ta, tb, tc_, qi, ki, oa, ob, oc,
                     qi_t, ki_t, ra, rb, rc, sem_g, sem_w):
        c = lax.axis_index("c")
        s = lax.axis_index("s")
        w = s * NC + c
        base = base0 + w * per_w
        obase = w * per_w

        pltpu.sync_copy(qi.at[pl.ds(base, per_w)], qi_t)
        pltpu.sync_copy(ki.at[pl.ds(base, per_w)], ki_t)

        tabs = (ta, tb, tc_)
        outs = (oa, ob, oc)
        rows = (ra, rb, rc)
        idx_for = (0, 1, 1)

        def body(i, _):
            e0 = obase + i * G_CH
            o = i * G_CH
            sl = (qi_t.at[pl.ds(o, G_CH)], ki_t.at[pl.ds(o, G_CH)])
            cps = [pltpu.async_copy(t.at[sl[ix]], r, sem_g)
                   for t, r, ix in zip(tabs, rows, idx_for)]
            for cp in cps:
                cp.wait()
            wps = [pltpu.async_copy(r, ot.at[pl.ds(e0, G_CH)], sem_w)
                   for r, ot in zip(rows, outs)]
            for wp in wps:
                wp.wait()
            return _

        lax.fori_loop(0, g_full, body, 0)

        e0 = obase + g_full * G_CH
        o = g_full * G_CH
        sl = (qi_t.at[pl.ds(o, g_rem)], ki_t.at[pl.ds(o, g_rem)])
        cps = [pltpu.async_copy(t.at[sl[ix]], r.at[pl.ds(0, g_rem)], sem_g)
               for t, r, ix in zip(tabs, rows, idx_for)]
        for cp in cps:
            cp.wait()
        for r, ot in zip(rows, outs):
            pltpu.sync_copy(r.at[pl.ds(0, g_rem)], ot.at[pl.ds(e0, g_rem)])

    return _gather_body


def _gather_call(q, k, v, qi, ki, base0, mh):
    per_w = mh // NW
    mesh = plsc.VectorSubcoreMesh(core_axis_name="c", subcore_axis_name="s")
    f = pl.kernel(
        _make_gather_body(base0, per_w),
        mesh=mesh,
        compiler_params=pltpu.CompilerParams(use_tc_tiling_on_sc=False),
        out_type=[jax.ShapeDtypeStruct((mh, HH), _F)] * 3,
        scratch_types=[
            pltpu.VMEM((per_w,), jnp.int32),
            pltpu.VMEM((per_w,), jnp.int32),
            pltpu.VMEM((G_CH, HH), _F),
            pltpu.VMEM((G_CH, HH), _F),
            pltpu.VMEM((G_CH, HH), _F),
            pltpu.SemaphoreType.DMA,
            pltpu.SemaphoreType.DMA,
        ],
    )
    return f(q, k, v, qi, ki)


def _edge_body(qg_ref, kg_ref, vg_ref, ir_ref,
               wbma, wbmb, wbaa, wbab, s8_ref, st8_ref, inv_ref,
               logit_ref, ex_ref, numa_ref, numb_ref):
    dnt = (((1,), (1,)), ((), ()))
    dn = (((1,), (0,)), ((), ()))
    ir = ir_ref[...]
    bma = lax.dot_general(ir, wbma[...], dnt)
    bmb = lax.dot_general(ir, wbmb[...], dnt)
    baa = lax.dot_general(ir, wbaa[...], dnt)
    bab = lax.dot_general(ir, wbab[...], dnt)
    qga, qgb = _unpack(qg_ref[...])
    kga, kgb = _unpack(kg_ref[...])
    vga, vgb = _unpack(vg_ref[...])
    ta = kga * (1.0 + bma) + baa
    tb = kgb * (1.0 + bmb) + bab
    pa = qga * ta
    pb = qgb * tb
    s8 = s8_ref[...]
    inv = inv_ref[0, 0]
    la = lax.dot_general(pa, s8, dn) * inv
    lb = lax.dot_general(pb, s8, dn) * inv
    logit_ref[...] = jnp.concatenate([la, lb], axis=1)
    exa = jnp.exp(la)
    exb = jnp.exp(lb)
    z = jnp.zeros((la.shape[0], HH - 2 * 8), _F)
    ex_ref[...] = jnp.concatenate([exa, exb, z], axis=1)
    st8 = st8_ref[...]
    numa_ref[...] = lax.dot_general(exa, st8, dn) * vga
    numb_ref[...] = lax.dot_general(exb, st8, dn) * vgb


def _edge_call(qg, kg, vg, ir, wbma, wbmb, wbaa, wbab, s8, st8, inv,
               off_blocks, mh, carry):
    grid = (mh // R2,)
    off = off_blocks
    half = pl.BlockSpec((R2, HH), lambda i: (i, 0))
    ohalf = pl.BlockSpec((R2, HH), lambda i: (i + off, 0))
    wfull = pl.BlockSpec((HH, HID), lambda i: (0, 0))
    in_specs = ([half] * 3
                + [pl.BlockSpec((R2, HID), lambda i: (i + off, 0))]
                + [wfull] * 4
                + [pl.BlockSpec((HH, 8), lambda i: (0, 0)),
                   pl.BlockSpec((8, HH), lambda i: (0, 0)),
                   pl.BlockSpec(memory_space=pltpu.SMEM)])
    args = [qg, kg, vg, ir, wbma, wbmb, wbaa, wbab, s8, st8, inv]
    aliases = {}
    if carry is not None:
        in_specs = in_specs + [pl.BlockSpec(memory_space=pl.ANY)] * 4
        args = args + list(carry)
        aliases = {11: 0, 12: 1, 13: 2, 14: 3}

    def body(*refs):
        _edge_body(*refs[:11], *refs[-4:])

    return pl.pallas_call(
        body,
        grid=grid,
        in_specs=in_specs,
        out_specs=[pl.BlockSpec((R2, H), lambda i: (i + off, 0)),
                   ohalf, ohalf, ohalf],
        out_shape=[jax.ShapeDtypeStruct((M, H), _F),
                   jax.ShapeDtypeStruct((M, HH), _F),
                   jax.ShapeDtypeStruct((M, HH), _F),
                   jax.ShapeDtypeStruct((M, HH), _F)],
        input_output_aliases=aliases,
    )(*args)


def _scatter_body(numa, numb, ex, qi, z128, z16, out_o, accum,
                  idx_a, pay_a, idx_b, pay_b, idx_r, pay_r, sem_f):
    c = lax.axis_index("c")
    s = lax.axis_index("s")
    r0 = s * ROWS_PER_T
    col0 = c * PW
    exc0 = c * 8

    pltpu.sync_copy(z128.at[pl.ds(r0, ROWS_PER_T)],
                    accum.at[pl.ds(r0, ROWS_PER_T), pl.ds(0, HH)])
    pltpu.sync_copy(z16.at[pl.ds(r0, ROWS_PER_T)],
                    accum.at[pl.ds(r0, ROWS_PER_T), pl.ds(HH, 16)])
    plsc.subcore_barrier()

    def make_loop(num_ref):
        def body(i, _):
            e0 = s * S_PER_T + 2 * i * G_CH
            e1 = e0 + G_CH
            fa = [pltpu.async_copy(qi.at[pl.ds(e0, G_CH)], idx_a, sem_f),
                  pltpu.async_copy(num_ref.at[pl.ds(e0, G_CH)],
                                   pay_a.at[pl.ds(0, G_CH), pl.ds(0, HH)], sem_f),
                  pltpu.async_copy(ex.at[pl.ds(e0, G_CH), pl.ds(exc0, 8)],
                                   pay_a.at[pl.ds(0, G_CH), pl.ds(HH, 8)], sem_f)]
            fb = [pltpu.async_copy(qi.at[pl.ds(e1, G_CH)], idx_b, sem_f),
                  pltpu.async_copy(num_ref.at[pl.ds(e1, G_CH)],
                                   pay_b.at[pl.ds(0, G_CH), pl.ds(0, HH)], sem_f),
                  pltpu.async_copy(ex.at[pl.ds(e1, G_CH), pl.ds(exc0, 8)],
                                   pay_b.at[pl.ds(0, G_CH), pl.ds(HH, 8)], sem_f)]
            for f_ in fa:
                f_.wait()
            pltpu.sync_copy(pay_a, accum.at[idx_a], add=True)
            for f_ in fb:
                f_.wait()
            pltpu.sync_copy(pay_b, accum.at[idx_b], add=True)
            return _

        lax.fori_loop(0, S_FULL // 2, body, 0)
        e0 = s * S_PER_T + S_FULL * G_CH
        pltpu.sync_copy(qi.at[pl.ds(e0, S_REM)], idx_r)
        pltpu.sync_copy(num_ref.at[pl.ds(e0, S_REM)],
                        pay_r.at[pl.ds(0, S_REM), pl.ds(0, HH)])
        pltpu.sync_copy(ex.at[pl.ds(e0, S_REM), pl.ds(exc0, 8)],
                        pay_r.at[pl.ds(0, S_REM), pl.ds(HH, 8)])
        pltpu.sync_copy(pay_r, accum.at[idx_r], add=True)

    @pl.when(c == 0)
    def _():
        make_loop(numa)

    @pl.when(c != 0)
    def _():
        make_loop(numb)

    plsc.subcore_barrier()
    pltpu.sync_copy(accum.at[pl.ds(r0, ROWS_PER_T)],
                    out_o.at[pl.ds(r0, ROWS_PER_T), pl.ds(col0, PW)])


def _scatter_call(numa, numb, ex, qi, z128, z16):
    mesh = plsc.VectorSubcoreMesh(core_axis_name="c", subcore_axis_name="s")
    f = pl.kernel(
        _scatter_body,
        mesh=mesh,
        compiler_params=pltpu.CompilerParams(use_tc_tiling_on_sc=False),
        out_type=jax.ShapeDtypeStruct((N, 2 * PW), _F),
        scratch_types=[
            pltpu.VMEM_SHARED((N, PW), _F),
            pltpu.VMEM((G_CH,), jnp.int32),
            pltpu.VMEM((G_CH, PW), _F),
            pltpu.VMEM((G_CH,), jnp.int32),
            pltpu.VMEM((G_CH, PW), _F),
            pltpu.VMEM((S_REM,), jnp.int32),
            pltpu.VMEM((S_REM, PW), _F),
            pltpu.SemaphoreType.DMA,
        ],
    )
    return f(numa, numb, ex, qi, z128, z16)


def _final_body(acc_ref, st8_ref, wo_ref, res_ref):
    a = acc_ref[...]
    dn = (((1,), (0,)), ((), ()))
    st8 = st8_ref[...]
    den_a = lax.dot_general(a[:, 128:136], st8, dn) + 1e-16
    den_b = lax.dot_general(a[:, 272:280], st8, dn) + 1e-16
    r = jnp.concatenate([a[:, 0:128] / den_a, a[:, 144:272] / den_b], axis=1)
    res_ref[...] = lax.dot_general(r, wo_ref[...], (((1,), (1,)), ((), ())))


def _final_call(acc, st8, wo):
    grid = (N // R1,)
    return pl.pallas_call(
        _final_body,
        grid=grid,
        in_specs=[pl.BlockSpec((R1, 2 * PW), lambda i: (i, 0)),
                  pl.BlockSpec((8, HH), lambda i: (0, 0)),
                  pl.BlockSpec((HID, HID), lambda i: (0, 0))],
        out_specs=pl.BlockSpec((R1, HID), lambda i: (i, 0)),
        out_shape=jax.ShapeDtypeStruct((N, HID), _F),
    )(acc, st8, wo)


def _head_major_rows(w):
    return w.reshape(D, H, HID).transpose(1, 0, 2).reshape(H * D, HID)


def kernel(query, key, query_index, key_index, interaction_repr,
           Wq, Wkv, Wb, Wo, normalizer):
    wq = _head_major_rows(Wq)
    wk = _head_major_rows(Wkv[:HID])
    wv = _head_major_rows(Wkv[HID:])
    wbm = _head_major_rows(Wb[:HID])
    wba = _head_major_rows(Wb[HID:])
    wo = Wo.reshape(HID, D, H).transpose(0, 2, 1).reshape(HID, HID)

    inv = (1.0 / jnp.clip(normalizer, 1.0, float(D))).reshape(1, 1)
    s8 = jnp.repeat(jnp.eye(8, dtype=_F), D, axis=0)
    st8 = jnp.repeat(jnp.eye(8, dtype=_F), D, axis=1)
    z128 = jnp.zeros((N, HH), _F)
    z16 = jnp.zeros((N, 16), _F)

    q, k, v = _proj_call(
        query, key, wq[:HH], wq[HH:], wk[:HH], wk[HH:], wv[:HH], wv[HH:])
    wb_args = (wbm[:HH], wbm[HH:], wba[:HH], wba[HH:], s8, st8, inv)
    qg1, kg1, vg1 = _gather_call(q, k, v, query_index, key_index, 0, M1)
    qg2, kg2, vg2 = _gather_call(q, k, v, query_index, key_index, M1, M2)
    carry = _edge_call(qg1, kg1, vg1, interaction_repr, *wb_args,
                       0, M1, None)
    logits, ex, numa, numb = _edge_call(qg2, kg2, vg2, interaction_repr,
                                        *wb_args, M1 // R2, M2, carry)
    acc = _scatter_call(numa, numb, ex, query_index, z128, z16)
    result = _final_call(acc, st8, wo)
    return (result, logits)

# --- scband reference (transcript-rebuilt; emitter-appended) ---
"""Pipeline reference for scband-sparse-attention-73091753443533 (READ-ONLY COPY).

The authoritative reference and input builder live on the scoring server;
editing this copy changes nothing except your own understanding.
"""

import jax, jax.numpy as jnp
import numpy as np

N = 10000
M = 160000
HID = 256
H = 16
D = HID // H  # 16 projected channels per head


def setup_inputs(seed: int = 0) -> dict:
    key = jax.random.key(seed)
    ks = jax.random.split(key, 10)
    query = jax.random.normal(ks[0], (N, HID), dtype=jnp.float32)
    key_feat = jax.random.normal(ks[1], (N, HID), dtype=jnp.float32)
    query_index = jax.random.randint(ks[2], (M,), 0, N, dtype=jnp.int32)
    key_index = jax.random.randint(ks[3], (M,), 0, N, dtype=jnp.int32)
    interaction_repr = jax.random.normal(ks[4], (M, HID), dtype=jnp.float32)
    s = 1.0 / np.sqrt(HID)
    Wq = jax.random.normal(ks[5], (D * H, HID), dtype=jnp.float32) * s
    Wkv = jax.random.normal(ks[6], (D * H * 2, HID), dtype=jnp.float32) * s
    Wb = jax.random.normal(ks[7], (D * H * 2, HID), dtype=jnp.float32) * s
    Wo = jax.random.normal(ks[8], (HID, D * H), dtype=jnp.float32) * s
    normalizer = jnp.array([np.sqrt(float(D))], dtype=jnp.float32)
    return {
        'query': query, 'key': key_feat,
        'query_index': query_index, 'key_index': key_index,
        'interaction_repr': interaction_repr,
        'Wq': Wq, 'Wkv': Wkv, 'Wb': Wb, 'Wo': Wo,
        'normalizer': normalizer,
    }


def _segment_softmax(logit, seg_ids, num_segments):
    seg_max = jax.ops.segment_max(logit, seg_ids, num_segments=num_segments)
    seg_max = jnp.where(jnp.isfinite(seg_max), seg_max, 0.0)
    ex = jnp.exp(logit - seg_max[seg_ids])
    seg_sum = jax.ops.segment_sum(ex, seg_ids, num_segments=num_segments)
    return ex / (seg_sum[seg_ids] + 1e-16)


def reference(query, key, query_index, key_index, interaction_repr, Wq, Wkv, Wb, Wo, normalizer):
    n = query.shape[0]
    m = query_index.shape[0]
    q = (query @ Wq.T).reshape(n, D, H)
    kv = key @ Wkv.T
    k, v = jnp.split(kv, 2, axis=1)
    k = k.reshape(n, D, H)
    v = v.reshape(n, D, H)
    q = q[query_index]
    k = k[key_index]
    v = v[key_index]
    b = interaction_repr @ Wb.T
    bias_mul, bias_add = jnp.split(b, 2, axis=1)
    bias_mul = bias_mul.reshape(m, D, H)
    bias_add = bias_add.reshape(m, D, H)
    norm = jnp.clip(normalizer, 1.0, float(D))
    attention_logit = (q * (k * (1.0 + bias_mul) + bias_add)).sum(axis=1) / norm  # (M, H)
    attention = _segment_softmax(attention_logit, query_index, n)
    result = jax.ops.segment_sum(attention[:, None, :] * v, query_index, num_segments=n)
    result = result.reshape(n, -1)
    result = result @ Wo.T
    pair_logits = attention_logit.reshape(m, -1)
    return (result, pair_logits)

if __name__ == "__main__":
    import jax
    _d = setup_inputs()
    print(jax.jit(kernel)(*tuple(_d.values())))

</pallas_src>

<mosaic_0001>
#map = affine_map<(d0, d1) -> (0, 0)>
#map1 = affine_map<(d0, d1) -> (0)>
module attributes {stable_mosaic.version = 14 : i64} {
  func.func @_scatter_body(%arg0: i32, %arg1: i32, %arg2: memref<160000x128xf32, #tpu.memory_space<hbm>>, %arg3: memref<160000x128xf32, #tpu.memory_space<hbm>>, %arg4: memref<160000x128xf32, #tpu.memory_space<hbm>>, %arg5: memref<160000xi32, #tpu.memory_space<hbm>>, %arg6: memref<10000x128xf32, #tpu.memory_space<hbm>>, %arg7: memref<10000x16xf32, #tpu.memory_space<hbm>>, %arg8: memref<10000x288xf32, #tpu.memory_space<hbm>>, %arg9: memref<10000x144xf32, #tpu.memory_space<vmem_shared>>, %arg10: memref<128xi32, #tpu.memory_space<vmem>>, %arg11: memref<128x144xf32, #tpu.memory_space<vmem>>, %arg12: memref<128xi32, #tpu.memory_space<vmem>>, %arg13: memref<128x144xf32, #tpu.memory_space<vmem>>, %arg14: memref<16xi32, #tpu.memory_space<vmem>>, %arg15: memref<16x144xf32, #tpu.memory_space<vmem>>, %arg16: memref<!tpu.dma_semaphore, #tpu.memory_space<semaphore_mem>>) attributes {dimension_semantics = [#tpu.dimension_semantics<core_parallel>, #tpu.dimension_semantics<subcore_parallel>], iteration_bounds = array<i64: 2, 16>, scalar_prefetch = 0 : i64, scratch_operands = 8 : i64, tpu.core_type = #tpu.core_type<sc_vector_subcore>, window_params = [{transform_indices = #map}, {transform_indices = #map}, {transform_indices = #map}, {transform_indices = #map1}, {transform_indices = #map}, {transform_indices = #map}, {transform_indices = #map}]} {
    %mul3A = arith.constant 625 : i32
    %mul3A_0 = arith.muli %arg1, %mul3A : i32
    %mul3A_1 = arith.constant 144 : i32
    %mul3A_2 = arith.muli %arg0, %mul3A_1 : i32
    %mul3A_3 = arith.constant 8 : i32
    %mul3A_4 = arith.muli %arg0, %mul3A_3 : i32
    "tpu.region"() ({
      %run_scoped3A = tpu.sem_alloc : memref<!tpu.dma_semaphore, #tpu.memory_space<semaphore_mem>>
      %dma_start3A = arith.constant 0 : i32
      %dma_start3A_12 = tpu.memref_slice %arg9[%mul3A_0, %dma_start3A] : memref<10000x144xf32, #tpu.memory_space<vmem_shared>> -> memref<625x128xf32, #tpu.memory_space<vmem_shared>>
      %dma_start3A_13 = arith.constant 0 : i32
      %dma_start3A_14 = tpu.memref_slice %arg6[%mul3A_0, %dma_start3A_13] : memref<10000x128xf32, #tpu.memory_space<hbm>> -> memref<625x128xf32, #tpu.memory_space<hbm>>
      tpu.enqueue_dma source(%dma_start3A_14 : memref<625x128xf32, #tpu.memory_space<hbm>>) target(%dma_start3A_12 : memref<625x128xf32, #tpu.memory_space<vmem_shared>>) target_semaphore(%run_scoped3A : memref<!tpu.dma_semaphore, #tpu.memory_space<semaphore_mem>>)
      %dma_wait3A = arith.constant 0 : i32
      %dma_wait3A_15 = tpu.memref_slice %arg9[%mul3A_0, %dma_wait3A] : memref<10000x144xf32, #tpu.memory_space<vmem_shared>> -> memref<625x128xf32, #tpu.memory_space<vmem_shared>>
      %dma_wait3A_16 = arith.constant 0 : i32
      %dma_wait3A_17 = tpu.memref_slice %arg6[%mul3A_0, %dma_wait3A_16] : memref<10000x128xf32, #tpu.memory_space<hbm>> -> memref<625x128xf32, #tpu.memory_space<hbm>>
      tpu.wait_dma2 semaphore(%run_scoped3A : memref<!tpu.dma_semaphore, #tpu.memory_space<semaphore_mem>>) src(%dma_wait3A_17 : memref<625x128xf32, #tpu.memory_space<hbm>>) dst(%dma_wait3A_15 : memref<625x128xf32, #tpu.memory_space<vmem_shared>>)
      tpu.yield
    }) : () -> ()
    "tpu.region"() ({
      %run_scoped3A = tpu.sem_alloc : memref<!tpu.dma_semaphore, #tpu.memory_space<semaphore_mem>>
      %dma_start3A = arith.constant 128 : i32
      %dma_start3A_12 = tpu.memref_slice %arg9[%mul3A_0, %dma_start3A] : memref<10000x144xf32, #tpu.memory_space<vmem_shared>> -> memref<625x16xf32, #tpu.memory_space<vmem_shared>>
      %dma_start3A_13 = arith.constant 0 : i32
      %dma_start3A_14 = tpu.memref_slice %arg7[%mul3A_0, %dma_start3A_13] : memref<10000x16xf32, #tpu.memory_space<hbm>> -> memref<625x16xf32, #tpu.memory_space<hbm>>
      tpu.enqueue_dma source(%dma_start3A_14 : memref<625x16xf32, #tpu.memory_space<hbm>>) target(%dma_start3A_12 : memref<625x16xf32, #tpu.memory_space<vmem_shared>>) target_semaphore(%run_scoped3A : memref<!tpu.dma_semaphore, #tpu.memory_space<semaphore_mem>>)
      %dma_wait3A = arith.constant 128 : i32
      %dma_wait3A_15 = tpu.memref_slice %arg9[%mul3A_0, %dma_wait3A] : memref<10000x144xf32, #tpu.memory_space<vmem_shared>> -> memref<625x16xf32, #tpu.memory_space<vmem_shared>>
      %dma_wait3A_16 = arith.constant 0 : i32
      %dma_wait3A_17 = tpu.memref_slice %arg7[%mul3A_0, %dma_wait3A_16] : memref<10000x16xf32, #tpu.memory_space<hbm>> -> memref<625x16xf32, #tpu.memory_space<hbm>>
      tpu.wait_dma2 semaphore(%run_scoped3A : memref<!tpu.dma_semaphore, #tpu.memory_space<semaphore_mem>>) src(%dma_wait3A_17 : memref<625x16xf32, #tpu.memory_space<hbm>>) dst(%dma_wait3A_15 : memref<625x16xf32, #tpu.memory_space<vmem_shared>>)
      tpu.yield
    }) : () -> ()
    %barrier3A = arith.constant 0 : index
    tpu.barrier barrier_id(%barrier3A)
    %eq3A = arith.constant 0 : i32
    %eq3A_5 = arith.cmpi eq, %arg0, %eq3A : i32
    %convert_element_type3A = arith.extui %eq3A_5 : i1 to i32
    %cond3A = arith.constant 0 : i32
    %cond3A_6 = arith.cmpi ne, %convert_element_type3A, %cond3A : i32
    scf.if %cond3A_6 {
      %scan3A = arith.constant 0 : i32
      %scan3A_12 = arith.constant 0 : i32
      %scan3A_13 = arith.constant 39 : i32
      %scan3A_14 = arith.addi %scan3A_12, %scan3A_13 : i32
      %scan3A_15 = arith.constant 1 : i32
      scf.for %scan3A_20 = %scan3A_12 to %scan3A_14 step %scan3A_15  : i32 {
        %mul3A_21 = arith.constant 10000 : i32
        %mul3A_22 = arith.muli %arg1, %mul3A_21 : i32
        %mul3A_23 = arith.constant 2 : i32
        %mul3A_24 = arith.muli %mul3A_23, %scan3A_20 : i32
        %mul3A_25 = arith.constant 128 : i32
        %mul3A_26 = arith.muli %mul3A_24, %mul3A_25 : i32
        %add3A_27 = arith.addi %mul3A_22, %mul3A_26 : i32
        %add3A_28 = arith.constant 128 : i32
        %add3A_29 = arith.addi %add3A_27, %add3A_28 : i32
        %dma_start3A = tpu.memref_slice %arg5[%add3A_27] : memref<160000xi32, #tpu.memory_space<hbm>> -> memref<128xi32, #tpu.memory_space<hbm>>
        %dma_start3A_30 = tpu.memref_slice %arg5[%add3A_27] : memref<160000xi32, #tpu.memory_space<hbm>> -> memref<128xi32, #tpu.memory_space<hbm>>
        tpu.enqueue_dma source(%dma_start3A_30 : memref<128xi32, #tpu.memory_space<hbm>>) target(%arg10 : memref<128xi32, #tpu.memory_space<vmem>>) target_semaphore(%arg16 : memref<!tpu.dma_semaphore, #tpu.memory_space<semaphore_mem>>)
        %dma_start3A_31 = arith.constant 0 : i32
        %dma_start3A_32 = arith.constant 0 : i32
        %dma_start3A_33 = tpu.memref_slice %arg11[%dma_start3A_31, %dma_start3A_32] : memref<128x144xf32, #tpu.memory_space<vmem>> -> memref<128x128xf32, #tpu.memory_space<vmem>>
        %dma_start3A_34 = arith.constant 0 : i32
        %dma_start3A_35 = tpu.memref_slice %arg2[%add3A_27, %dma_start3A_34] : memref<160000x128xf32, #tpu.memory_space<hbm>> -> memref<128x128xf32, #tpu.memory_space<hbm>>
        %dma_start3A_36 = arith.constant 0 : i32
        %dma_start3A_37 = arith.constant 0 : i32
        %dma_start3A_38 = tpu.memref_slice %arg11[%dma_start3A_36, %dma_start3A_37] : memref<128x144xf32, #tpu.memory_space<vmem>> -> memref<128x128xf32, #tpu.memory_space<vmem>>
        %dma_start3A_39 = arith.constant 0 : i32
        %dma_start3A_40 = tpu.memref_slice %arg2[%add3A_27, %dma_start3A_39] : memref<160000x128xf32, #tpu.memory_space<hbm>> -> memref<128x128xf32, #tpu.memory_space<hbm>>
        tpu.enqueue_dma source(%dma_start3A_40 : memref<128x128xf32, #tpu.memory_space<hbm>>) target(%dma_start3A_38 : memref<128x128xf32, #tpu.memory_space<vmem>>) target_semaphore(%arg16 : memref<!tpu.dma_semaphore, #tpu.memory_space<semaphore_mem>>)
        %dma_start3A_41 = arith.constant 0 : i32
        %dma_start3A_42 = arith.constant 128 : i32
        %dma_start3A_43 = tpu.memref_slice %arg11[%dma_start3A_41, %dma_start3A_42] : memref<128x144xf32, #tpu.memory_space<vmem>> -> memref<128x8xf32, #tpu.memory_space<vmem>>
        %dma_start3A_44 = tpu.memref_slice %arg4[%add3A_27, %mul3A_4] : memref<160000x128xf32, #tpu.memory_space<hbm>> -> memref<128x8xf32, #tpu.memory_space<hbm>>
        %dma_start3A_45 = arith.constant 0 : i32
        %dma_start3A_46 = arith.constant 128 : i32
        %dma_start3A_47 = tpu.memref_slice %arg11[%dma_start3A_45, %dma_start3A_46] : memref<128x144xf32, #tpu.memory_space<vmem>> -> memref<128x8xf32, #tpu.memory_space<vmem>>
        %dma_start3A_48 = tpu.memref_slice %arg4[%add3A_27, %mul3A_4] : memref<160000x128xf32, #tpu.memory_space<hbm>> -> memref<128x8xf32, #tpu.memory_space<hbm>>
        tpu.enqueue_dma source(%dma_start3A_48 : memref<128x8xf32, #tpu.memory_space<hbm>>) target(%dma_start3A_47 : memref<128x8xf32, #tpu.memory_space<vmem>>) target_semaphore(%arg16 : memref<!tpu.dma_semaphore, #tpu.memory_space<semaphore_mem>>)
        %dma_start3A_49 = tpu.memref_slice %arg5[%add3A_29] : memref<160000xi32, #tpu.memory_space<hbm>> -> memref<128xi32, #tpu.memory_space<hbm>>
        %dma_start3A_50 = tpu.memref_slice %arg5[%add3A_29] : memref<160000xi32, #tpu.memory_space<hbm>> -> memref<128xi32, #tpu.memory_space<hbm>>
        tpu.enqueue_dma source(%dma_start3A_50 : memref<128xi32, #tpu.memory_space<hbm>>) target(%arg12 : memref<128xi32, #tpu.memory_space<vmem>>) target_semaphore(%arg16 : memref<!tpu.dma_semaphore, #tpu.memory_space<semaphore_mem>>)
        %dma_start3A_51 = arith.constant 0 : i32
        %dma_start3A_52 = arith.constant 0 : i32
        %dma_start3A_53 = tpu.memref_slice %arg13[%dma_start3A_51, %dma_start3A_52] : memref<128x144xf32, #tpu.memory_space<vmem>> -> memref<128x128xf32, #tpu.memory_space<vmem>>
        %dma_start3A_54 = arith.constant 0 : i32
        %dma_start3A_55 = tpu.memref_slice %arg2[%add3A_29, %dma_start3A_54] : memref<160000x128xf32, #tpu.memory_space<hbm>> -> memref<128x128xf32, #tpu.memory_space<hbm>>
        %dma_start3A_56 = arith.constant 0 : i32
        %dma_start3A_57 = arith.constant 0 : i32
        %dma_start3A_58 = tpu.memref_slice %arg13[%dma_start3A_56, %dma_start3A_57] : memref<128x144xf32, #tpu.memory_space<vmem>> -> memref<128x128xf32, #tpu.memory_space<vmem>>
        %dma_start3A_59 = arith.constant 0 : i32
        %dma_start3A_60 = tpu.memref_slice %arg2[%add3A_29, %dma_start3A_59] : memref<160000x128xf32, #tpu.memory_space<hbm>> -> memref<128x128xf32, #tpu.memory_space<hbm>>
        tpu.enqueue_dma source(%dma_start3A_60 : memref<128x128xf32, #tpu.memory_space<hbm>>) target(%dma_start3A_58 : memref<128x128xf32, #tpu.memory_space<vmem>>) target_semaphore(%arg16 : memref<!tpu.dma_semaphore, #tpu.memory_space<semaphore_mem>>)
        %dma_start3A_61 = arith.constant 0 : i32
        %dma_start3A_62 = arith.constant 128 : i32
        %dma_start3A_63 = tpu.memref_slice %arg13[%dma_start3A_61, %dma_start3A_62] : memref<128x144xf32, #tpu.memory_space<vmem>> -> memref<128x8xf32, #tpu.memory_space<vmem>>
        %dma_start3A_64 = tpu.memref_slice %arg4[%add3A_29, %mul3A_4] : memref<160000x128xf32, #tpu.memory_space<hbm>> -> memref<128x8xf32, #tpu.memory_space<hbm>>
        %dma_start3A_65 = arith.constant 0 : i32
        %dma_start3A_66 = arith.constant 128 : i32
        %dma_start3A_67 = tpu.memref_slice %arg13[%dma_start3A_65, %dma_start3A_66] : memref<128x144xf32, #tpu.memory_space<vmem>> -> memref<128x8xf32, #tpu.memory_space<vmem>>
        %dma_start3A_68 = tpu.memref_slice %arg4[%add3A_29, %mul3A_4] : memref<160000x128xf32, #tpu.memory_space<hbm>> -> memref<128x8xf32, #tpu.memory_space<hbm>>
        tpu.enqueue_dma source(%dma_start3A_68 : memref<128x8xf32, #tpu.memory_space<hbm>>) target(%dma_start3A_67 : memref<128x8xf32, #tpu.memory_space<vmem>>) target_semaphore(%arg16 : memref<!tpu.dma_semaphore, #tpu.memory_space<semaphore_mem>>)
        %dma_wait3A = tpu.memref_slice %arg5[%add3A_27] : memref<160000xi32, #tpu.memory_space<hbm>> -> memref<128xi32, #tpu.memory_space<hbm>>
        %dma_wait3A_69 = tpu.memref_slice %arg5[%add3A_27] : memref<160000xi32, #tpu.memory_space<hbm>> -> memref<128xi32, #tpu.memory_space<hbm>>
        tpu.wait_dma2 semaphore(%arg16 : memref<!tpu.dma_semaphore, #tpu.memory_space<semaphore_mem>>) src(%dma_wait3A_69 : memref<128xi32, #tpu.memory_space<hbm>>) dst(%arg10 : memref<128xi32, #tpu.memory_space<vmem>>)
        %dma_wait3A_70 = arith.constant 0 : i32
        %dma_wait3A_71 = arith.constant 0 : i32
        %dma_wait3A_72 = tpu.memref_slice %arg11[%dma_wait3A_70, %dma_wait3A_71] : memref<128x144xf32, #tpu.memory_space<vmem>> -> memref<128x128xf32, #tpu.memory_space<vmem>>
        %dma_wait3A_73 = arith.constant 0 : i32
        %dma_wait3A_74 = tpu.memref_slice %arg2[%add3A_27, %dma_wait3A_73] : memref<160000x128xf32, #tpu.memory_space<hbm>> -> memref<128x128xf32, #tpu.memory_space<hbm>>
        %dma_wait3A_75 = arith.constant 0 : i32
        %dma_wait3A_76 = arith.constant 0 : i32
        %dma_wait3A_77 = tpu.memref_slice %arg11[%dma_wait3A_75, %dma_wait3A_76] : memref<128x144xf32, #tpu.memory_space<vmem>> -> memref<128x128xf32, #tpu.memory_space<vmem>>
        %dma_wait3A_78 = arith.constant 0 : i32
        %dma_wait3A_79 = tpu.memref_slice %arg2[%add3A_27, %dma_wait3A_78] : memref<160000x128xf32, #tpu.memory_space<hbm>> -> memref<128x128xf32, #tpu.memory_space<hbm>>
        tpu.wait_dma2 semaphore(%arg16 : memref<!tpu.dma_semaphore, #tpu.memory_space<semaphore_mem>>) src(%dma_wait3A_79 : memref<128x128xf32, #tpu.memory_space<hbm>>) dst(%dma_wait3A_77 : memref<128x128xf32, #tpu.memory_space<vmem>>)
        %dma_wait3A_80 = arith.constant 0 : i32
        %dma_wait3A_81 = arith.constant 128 : i32
        %dma_wait3A_82 = tpu.memref_slice %arg11[%dma_wait3A_80, %dma_wait3A_81] : memref<128x144xf32, #tpu.memory_space<vmem>> -> memref<128x8xf32, #tpu.memory_space<vmem>>
        %dma_wait3A_83 = tpu.memref_slice %arg4[%add3A_27, %mul3A_4] : memref<160000x128xf32, #tpu.memory_space<hbm>> -> memref<128x8xf32, #tpu.memory_space<hbm>>
        %dma_wait3A_84 = arith.constant 0 : i32
        %dma_wait3A_85 = arith.constant 128 : i32
        %dma_wait3A_86 = tpu.memref_slice %arg11[%dma_wait3A_84, %dma_wait3A_85] : memref<128x144xf32, #tpu.memory_space<vmem>> -> memref<128x8xf32, #tpu.memory_space<vmem>>
        %dma_wait3A_87 = tpu.memref_slice %arg4[%add3A_27, %mul3A_4] : memref<160000x128xf32, #tpu.memory_space<hbm>> -> memref<128x8xf32, #tpu.memory_space<hbm>>
        tpu.wait_dma2 semaphore(%arg16 : memref<!tpu.dma_semaphore, #tpu.memory_space<semaphore_mem>>) src(%dma_wait3A_87 : memref<128x8xf32, #tpu.memory_space<hbm>>) dst(%dma_wait3A_86 : memref<128x8xf32, #tpu.memory_space<vmem>>)
        "tpu.region"() ({
          %run_scoped3A = tpu.sem_alloc : memref<!tpu.dma_semaphore, #tpu.memory_space<semaphore_mem>>
          %dma_start3A_108 = arith.constant 0 : i32
          %dma_start3A_109 = arith.constant 0 : i32
          %dma_start3A_110 = tpu.memref_slice %arg9[%dma_start3A_108, %dma_start3A_109] : memref<10000x144xf32, #tpu.memory_space<vmem_shared>> -> memref<10000x144xf32, #tpu.memory_space<vmem_shared>>
          tpu.enqueue_indirect_dma source(%arg11 : memref<128x144xf32, #tpu.memory_space<vmem>>) target(%dma_start3A_110 : memref<10000x144xf32, #tpu.memory_space<vmem_shared>>) offsets(%arg10 : memref<128xi32, #tpu.memory_space<vmem>>) semaphore(%run_scoped3A : memref<!tpu.dma_semaphore, #tpu.memory_space<semaphore_mem>>) {add = true}
          %dma_wait3A_111 = arith.constant 0 : i32
          %dma_wait3A_112 = arith.constant 0 : i32
          %dma_wait3A_113 = tpu.memref_slice %arg9[%dma_wait3A_111, %dma_wait3A_112] : memref<10000x144xf32, #tpu.memory_space<vmem_shared>> -> memref<10000x144xf32, #tpu.memory_space<vmem_shared>>
          tpu.wait_indirect_dma semaphore(%run_scoped3A : memref<!tpu.dma_semaphore, #tpu.memory_space<semaphore_mem>>) src(%arg11 : memref<128x144xf32, #tpu.memory_space<vmem>>) dst(%dma_wait3A_113 : memref<10000x144xf32, #tpu.memory_space<vmem_shared>>)
          tpu.yield
        }) : () -> ()
        %dma_wait3A_88 = tpu.memref_slice %arg5[%add3A_29] : memref<160000xi32, #tpu.memory_space<hbm>> -> memref<128xi32, #tpu.memory_space<hbm>>
        %dma_wait3A_89 = tpu.memref_slice %arg5[%add3A_29] : memref<160000xi32, #tpu.memory_space<hbm>> -> memref<128xi32, #tpu.memory_space<hbm>>
        tpu.wait_dma2 semaphore(%arg16 : memref<!tpu.dma_semaphore, #tpu.memory_space<semaphore_mem>>) src(%dma_wait3A_89 : memref<128xi32, #tpu.memory_space<hbm>>) dst(%arg12 : memref<128xi32, #tpu.memory_space<vmem>>)
        %dma_wait3A_90 = arith.constant 0 : i32
        %dma_wait3A_91 = arith.constant 0 : i32
        %dma_wait3A_92 = tpu.memref_slice %arg13[%dma_wait3A_90, %dma_wait3A_91] : memref<128x144xf32, #tpu.memory_space<vmem>> -> memref<128x128xf32, #tpu.memory_space<vmem>>
        %dma_wait3A_93 = arith.constant 0 : i32
        %dma_wait3A_94 = tpu.memref_slice %arg2[%add3A_29, %dma_wait3A_93] : memref<160000x128xf32, #tpu.memory_space<hbm>> -> memref<128x128xf32, #tpu.memory_space<hbm>>
        %dma_wait3A_95 = arith.constant 0 : i32
        %dma_wait3A_96 = arith.constant 0 : i32
        %dma_wait3A_97 = tpu.memref_slice %arg13[%dma_wait3A_95, %dma_wait3A_96] : memref<128x144xf32, #tpu.memory_space<vmem>> -> memref<128x128xf32, #tpu.memory_space<vmem>>
        %dma_wait3A_98 = arith.constant 0 : i32
        %dma_wait3A_99 = tpu.memref_slice %arg2[%add3A_29, %dma_wait3A_98] : memref<160000x128xf32, #tpu.memory_space<hbm>> -> memref<128x128xf32, #tpu.memory_space<hbm>>
        tpu.wait_dma2 semaphore(%arg16 : memref<!tpu.dma_semaphore, #tpu.memory_space<semaphore_mem>>) src(%dma_wait3A_99 : memref<128x128xf32, #tpu.memory_space<hbm>>) dst(%dma_wait3A_97 : memref<128x128xf32, #tpu.memory_space<vmem>>)
        %dma_wait3A_100 = arith.constant 0 : i32
        %dma_wait3A_101 = arith.constant 128 : i32
        %dma_wait3A_102 = tpu.memref_slice %arg13[%dma_wait3A_100, %dma_wait3A_101] : memref<128x144xf32, #tpu.memory_space<vmem>> -> memref<128x8xf32, #tpu.memory_space<vmem>>
        %dma_wait3A_103 = tpu.memref_slice %arg4[%add3A_29, %mul3A_4] : memref<160000x128xf32, #tpu.memory_space<hbm>> -> memref<128x8xf32, #tpu.memory_space<hbm>>
        %dma_wait3A_104 = arith.constant 0 : i32
        %dma_wait3A_105 = arith.constant 128 : i32
        %dma_wait3A_106 = tpu.memref_slice %arg13[%dma_wait3A_104, %dma_wait3A_105] : memref<128x144xf32, #tpu.memory_space<vmem>> -> memref<128x8xf32, #tpu.memory_space<vmem>>
        %dma_wait3A_107 = tpu.memref_slice %arg4[%add3A_29, %mul3A_4] : memref<160000x128xf32, #tpu.memory_space<hbm>> -> memref<128x8xf32, #tpu.memory_space<hbm>>
        tpu.wait_dma2 semaphore(%arg16 : memref<!tpu.dma_semaphore, #tpu.memory_space<semaphore_mem>>) src(%dma_wait3A_107 : memref<128x8xf32, #tpu.memory_space<hbm>>) dst(%dma_wait3A_106 : memref<128x8xf32, #tpu.memory_space<vmem>>)
        "tpu.region"() ({
          %run_scoped3A = tpu.sem_alloc : memref<!tpu.dma_semaphore, #tpu.memory_space<semaphore_mem>>
          %dma_start3A_108 = arith.constant 0 : i32
          %dma_start3A_109 = arith.constant 0 : i32
          %dma_start3A_110 = tpu.memref_slice %arg9[%dma_start3A_108, %dma_start3A_109] : memref<10000x144xf32, #tpu.memory_space<vmem_shared>> -> memref<10000x144xf32, #tpu.memory_space<vmem_shared>>
          tpu.enqueue_indirect_dma source(%arg13 : memref<128x144xf32, #tpu.memory_space<vmem>>) target(%dma_start3A_110 : memref<10000x144xf32, #tpu.memory_space<vmem_shared>>) offsets(%arg12 : memref<128xi32, #tpu.memory_space<vmem>>) semaphore(%run_scoped3A : memref<!tpu.dma_semaphore, #tpu.memory_space<semaphore_mem>>) {add = true}
          %dma_wait3A_111 = arith.constant 0 : i32
          %dma_wait3A_112 = arith.constant 0 : i32
          %dma_wait3A_113 = tpu.memref_slice %arg9[%dma_wait3A_111, %dma_wait3A_112] : memref<10000x144xf32, #tpu.memory_space<vmem_shared>> -> memref<10000x144xf32, #tpu.memory_space<vmem_shared>>
          tpu.wait_indirect_dma semaphore(%run_scoped3A : memref<!tpu.dma_semaphore, #tpu.memory_space<semaphore_mem>>) src(%arg13 : memref<128x144xf32, #tpu.memory_space<vmem>>) dst(%dma_wait3A_113 : memref<10000x144xf32, #tpu.memory_space<vmem_shared>>)
          tpu.yield
        }) : () -> ()
      }
      %scan3A_16 = arith.constant 39 : i32
      %mul3A_17 = arith.constant 10000 : i32
      %mul3A_18 = arith.muli %arg1, %mul3A_17 : i32
      %add3A = arith.constant 9984 : i32
      %add3A_19 = arith.addi %mul3A_18, %add3A : i32
      "tpu.region"() ({
        %run_scoped3A = tpu.sem_alloc : memref<!tpu.dma_semaphore, #tpu.memory_space<semaphore_mem>>
        %dma_start3A = tpu.memref_slice %arg5[%add3A_19] : memref<160000xi32, #tpu.memory_space<hbm>> -> memref<16xi32, #tpu.memory_space<hbm>>
        %dma_start3A_20 = tpu.memref_slice %arg5[%add3A_19] : memref<160000xi32, #tpu.memory_space<hbm>> -> memref<16xi32, #tpu.memory_space<hbm>>
        tpu.enqueue_dma source(%dma_start3A_20 : memref<16xi32, #tpu.memory_space<hbm>>) target(%arg14 : memref<16xi32, #tpu.memory_space<vmem>>) target_semaphore(%run_scoped3A : memref<!tpu.dma_semaphore, #tpu.memory_space<semaphore_mem>>)
        %dma_wait3A = tpu.memref_slice %arg5[%add3A_19] : memref<160000xi32, #tpu.memory_space<hbm>> -> memref<16xi32, #tpu.memory_space<hbm>>
        %dma_wait3A_21 = tpu.memref_slice %arg5[%add3A_19] : memref<160000xi32, #tpu.memory_space<hbm>> -> memref<16xi32, #tpu.memory_space<hbm>>
        tpu.wait_dma2 semaphore(%run_scoped3A : memref<!tpu.dma_semaphore, #tpu.memory_space<semaphore_mem>>) src(%dma_wait3A_21 : memref<16xi32, #tpu.memory_space<hbm>>) dst(%arg14 : memref<16xi32, #tpu.memory_space<vmem>>)
        tpu.yield
      }) : () -> ()
      "tpu.region"() ({
        %run_scoped3A = tpu.sem_alloc : memref<!tpu.dma_semaphore, #tpu.memory_space<semaphore_mem>>
        %dma_start3A = arith.constant 0 : i32
        %dma_start3A_20 = arith.constant 0 : i32
        %dma_start3A_21 = tpu.memref_slice %arg15[%dma_start3A, %dma_start3A_20] : memref<16x144xf32, #tpu.memory_space<vmem>> -> memref<16x128xf32, #tpu.memory_space<vmem>>
        %dma_start3A_22 = arith.constant 0 : i32
        %dma_start3A_23 = tpu.memref_slice %arg2[%add3A_19, %dma_start3A_22] : memref<160000x128xf32, #tpu.memory_space<hbm>> -> memref<16x128xf32, #tpu.memory_space<hbm>>
        %dma_start3A_24 = arith.constant 0 : i32
        %dma_start3A_25 = arith.constant 0 : i32
        %dma_start3A_26 = tpu.memref_slice %arg15[%dma_start3A_24, %dma_start3A_25] : memref<16x144xf32, #tpu.memory_space<vmem>> -> memref<16x128xf32, #tpu.memory_space<vmem>>
        %dma_start3A_27 = arith.constant 0 : i32
        %dma_start3A_28 = tpu.memref_slice %arg2[%add3A_19, %dma_start3A_27] : memref<160000x128xf32, #tpu.memory_space<hbm>> -> memref<16x128xf32, #tpu.memory_space<hbm>>
        tpu.enqueue_dma source(%dma_start3A_28 : memref<16x128xf32, #tpu.memory_space<hbm>>) target(%dma_start3A_26 : memref<16x128xf32, #tpu.memory_space<vmem>>) target_semaphore(%run_scoped3A : memref<!tpu.dma_semaphore, #tpu.memory_space<semaphore_mem>>)
        %dma_wait3A = arith.constant 0 : i32
        %dma_wait3A_29 = arith.constant 0 : i32
        %dma_wait3A_30 = tpu.memref_slice %arg15[%dma_wait3A, %dma_wait3A_29] : memref<16x144xf32, #tpu.memory_space<vmem>> -> memref<16x128xf32, #tpu.memory_space<vmem>>
        %dma_wait3A_31 = arith.constant 0 : i32
        %dma_wait3A_32 = tpu.memref_slice %arg2[%add3A_19, %dma_wait3A_31] : memref<160000x128xf32, #tpu.memory_space<hbm>> -> memref<16x128xf32, #tpu.memory_space<hbm>>
        %dma_wait3A_33 = arith.constant 0 : i32
        %dma_wait3A_34 = arith.constant 0 : i32
        %dma_wait3A_35 = tpu.memref_slice %arg15[%dma_wait3A_33, %dma_wait3A_34] : memref<16x144xf32, #tpu.memory_space<vmem>> -> memref<16x128xf32, #tpu.memory_space<vmem>>
        %dma_wait3A_36 = arith.constant 0 : i32
        %dma_wait3A_37 = tpu.memref_slice %arg2[%add3A_19, %dma_wait3A_36] : memref<160000x128xf32, #tpu.memory_space<hbm>> -> memref<16x128xf32, #tpu.memory_space<hbm>>
        tpu.wait_dma2 semaphore(%run_scoped3A : memref<!tpu.dma_semaphore, #tpu.memory_space<semaphore_mem>>) src(%dma_wait3A_37 : memref<16x128xf32, #tpu.memory_space<hbm>>) dst(%dma_wait3A_35 : memref<16x128xf32, #tpu.memory_space<vmem>>)
        tpu.yield
      }) : () -> ()
      "tpu.region"() ({
        %run_scoped3A = tpu.sem_alloc : memref<!tpu.dma_semaphore, #tpu.memory_space<semaphore_mem>>
        %dma_start3A = arith.constant 0 : i32
        %dma_start3A_20 = arith.constant 128 : i32
        %dma_start3A_21 = tpu.memref_slice %arg15[%dma_start3A, %dma_start3A_20] : memref<16x144xf32, #tpu.memory_space<vmem>> -> memref<16x8xf32, #tpu.memory_space<vmem>>
        %dma_start3A_22 = tpu.memref_slice %arg4[%add3A_19, %mul3A_4] : memref<160000x128xf32, #tpu.memory_space<hbm>> -> memref<16x8xf32, #tpu.memory_space<hbm>>
        %dma_start3A_23 = arith.constant 0 : i32
        %dma_start3A_24 = arith.constant 128 : i32
        %dma_start3A_25 = tpu.memref_slice %arg15[%dma_start3A_23, %dma_start3A_24] : memref<16x144xf32, #tpu.memory_space<vmem>> -> memref<16x8xf32, #tpu.memory_space<vmem>>
        %dma_start3A_26 = tpu.memref_slice %arg4[%add3A_19, %mul3A_4] : memref<160000x128xf32, #tpu.memory_space<hbm>> -> memref<16x8xf32, #tpu.memory_space<hbm>>
        tpu.enqueue_dma source(%dma_start3A_26 : memref<16x8xf32, #tpu.memory_space<hbm>>) target(%dma_start3A_25 : memref<16x8xf32, #tpu.memory_space<vmem>>) target_semaphore(%run_scoped3A : memref<!tpu.dma_semaphore, #tpu.memory_space<semaphore_mem>>)
        %dma_wait3A = arith.constant 0 : i32
        %dma_wait3A_27 = arith.constant 128 : i32
        %dma_wait3A_28 = tpu.memref_slice %arg15[%dma_wait3A, %dma_wait3A_27] : memref<16x144xf32, #tpu.memory_space<vmem>> -> memref<16x8xf32, #tpu.memory_space<vmem>>
        %dma_wait3A_29 = tpu.memref_slice %arg4[%add3A_19, %mul3A_4] : memref<160000x128xf32, #tpu.memory_space<hbm>> -> memref<16x8xf32, #tpu.memory_space<hbm>>
        %dma_wait3A_30 = arith.constant 0 : i32
        %dma_wait3A_31 = arith.constant 128 : i32
        %dma_wait3A_32 = tpu.memref_slice %arg15[%dma_wait3A_30, %dma_wait3A_31] : memref<16x144xf32, #tpu.memory_space<vmem>> -> memref<16x8xf32, #tpu.memory_space<vmem>>
        %dma_wait3A_33 = tpu.memref_slice %arg4[%add3A_19, %mul3A_4] : memref<160000x128xf32, #tpu.memory_space<hbm>> -> memref<16x8xf32, #tpu.memory_space<hbm>>
        tpu.wait_dma2 semaphore(%run_scoped3A : memref<!tpu.dma_semaphore, #tpu.memory_space<semaphore_mem>>) src(%dma_wait3A_33 : memref<16x8xf32, #tpu.memory_space<hbm>>) dst(%dma_wait3A_32 : memref<16x8xf32, #tpu.memory_space<vmem>>)
        tpu.yield
      }) : () -> ()
      "tpu.region"() ({
        %run_scoped3A = tpu.sem_alloc : memref<!tpu.dma_semaphore, #tpu.memory_space<semaphore_mem>>
        %dma_start3A = arith.constant 0 : i32
        %dma_start3A_20 = arith.constant 0 : i32
        %dma_start3A_21 = tpu.memref_slice %arg9[%dma_start3A, %dma_start3A_20] : memref<10000x144xf32, #tpu.memory_space<vmem_shared>> -> memref<10000x144xf32, #tpu.memory_space<vmem_shared>>
        tpu.enqueue_indirect_dma source(%arg15 : memref<16x144xf32, #tpu.memory_space<vmem>>) target(%dma_start3A_21 : memref<10000x144xf32, #tpu.memory_space<vmem_shared>>) offsets(%arg14 : memref<16xi32, #tpu.memory_space<vmem>>) semaphore(%run_scoped3A : memref<!tpu.dma_semaphore, #tpu.memory_space<semaphore_mem>>) {add = true}
        %dma_wait3A = arith.constant 0 : i32
        %dma_wait3A_22 = arith.constant 0 : i32
        %dma_wait3A_23 = tpu.memref_slice %arg9[%dma_wait3A, %dma_wait3A_22] : memref<10000x144xf32, #tpu.memory_space<vmem_shared>> -> memref<10000x144xf32, #tpu.memory_space<vmem_shared>>
        tpu.wait_indirect_dma semaphore(%run_scoped3A : memref<!tpu.dma_semaphore, #tpu.memory_space<semaphore_mem>>) src(%arg15 : memref<16x144xf32, #tpu.memory_space<vmem>>) dst(%dma_wait3A_23 : memref<10000x144xf32, #tpu.memory_space<vmem_shared>>)
        tpu.yield
      }) : () -> ()
    } else {
    }
    %ne3A = arith.constant 0 : i32
    %ne3A_7 = arith.cmpi ne, %arg0, %ne3A : i32
    %convert_element_type3A_8 = arith.extui %ne3A_7 : i1 to i32
    %cond3A_9 = arith.constant 0 : i32
    %cond3A_10 = arith.cmpi ne, %convert_element_type3A_8, %cond3A_9 : i32
    scf.if %cond3A_10 {
      %scan3A = arith.constant 0 : i32
      %scan3A_12 = arith.constant 0 : i32
      %scan3A_13 = arith.constant 39 : i32
      %scan3A_14 = arith.addi %scan3A_12, %scan3A_13 : i32
      %scan3A_15 = arith.constant 1 : i32
      scf.for %scan3A_20 = %scan3A_12 to %scan3A_14 step %scan3A_15  : i32 {
        %mul3A_21 = arith.constant 10000 : i32
        %mul3A_22 = arith.muli %arg1, %mul3A_21 : i32
        %mul3A_23 = arith.constant 2 : i32
        %mul3A_24 = arith.muli %mul3A_23, %scan3A_20 : i32
        %mul3A_25 = arith.constant 128 : i32
        %mul3A_26 = arith.muli %mul3A_24, %mul3A_25 : i32
        %add3A_27 = arith.addi %mul3A_22, %mul3A_26 : i32
        %add3A_28 = arith.constant 128 : i32
        %add3A_29 = arith.addi %add3A_27, %add3A_28 : i32
        %dma_start3A = tpu.memref_slice %arg5[%add3A_27] : memref<160000xi32, #tpu.memory_space<hbm>> -> memref<128xi32, #tpu.memory_space<hbm>>
        %dma_start3A_30 = tpu.memref_slice %arg5[%add3A_27] : memref<160000xi32, #tpu.memory_space<hbm>> -> memref<128xi32, #tpu.memory_space<hbm>>
        tpu.enqueue_dma source(%dma_start3A_30 : memref<128xi32, #tpu.memory_space<hbm>>) target(%arg10 : memref<128xi32, #tpu.memory_space<vmem>>) target_semaphore(%arg16 : memref<!tpu.dma_semaphore, #tpu.memory_space<semaphore_mem>>)
        %dma_start3A_31 = arith.constant 0 : i32
        %dma_start3A_32 = arith.constant 0 : i32
        %dma_start3A_33 = tpu.memref_slice %arg11[%dma_start3A_31, %dma_start3A_32] : memref<128x144xf32, #tpu.memory_space<vmem>> -> memref<128x128xf32, #tpu.memory_space<vmem>>
        %dma_start3A_34 = arith.constant 0 : i32
        %dma_start3A_35 = tpu.memref_slice %arg3[%add3A_27, %dma_start3A_34] : memref<160000x128xf32, #tpu.memory_space<hbm>> -> memref<128x128xf32, #tpu.memory_space<hbm>>
        %dma_start3A_36 = arith.constant 0 : i32
        %dma_start3A_37 = arith.constant 0 : i32
        %dma_start3A_38 = tpu.memref_slice %arg11[%dma_start3A_36, %dma_start3A_37] : memref<128x144xf32, #tpu.memory_space<vmem>> -> memref<128x128xf32, #tpu.memory_space<vmem>>
        %dma_start3A_39 = arith.constant 0 : i32
        %dma_start3A_40 = tpu.memref_slice %arg3[%add3A_27, %dma_start3A_39] : memref<160000x128xf32, #tpu.memory_space<hbm>> -> memref<128x128xf32, #tpu.memory_space<hbm>>
        tpu.enqueue_dma source(%dma_start3A_40 : memref<128x128xf32, #tpu.memory_space<hbm>>) target(%dma_start3A_38 : memref<128x128xf32, #tpu.memory_space<vmem>>) target_semaphore(%arg16 : memref<!tpu.dma_semaphore, #tpu.memory_space<semaphore_mem>>)
        %dma_start3A_41 = arith.constant 0 : i32
        %dma_start3A_42 = arith.constant 128 : i32
        %dma_start3A_43 = tpu.memref_slice %arg11[%dma_start3A_41, %dma_start3A_42] : memref<128x144xf32, #tpu.memory_space<vmem>> -> memref<128x8xf32, #tpu.memory_space<vmem>>
        %dma_start3A_44 = tpu.memref_slice %arg4[%add3A_27, %mul3A_4] : memref<160000x128xf32, #tpu.memory_space<hbm>> -> memref<128x8xf32, #tpu.memory_space<hbm>>
        %dma_start3A_45 = arith.constant 0 : i32
        %dma_start3A_46 = arith.constant 128 : i32
        %dma_start3A_47 = tpu.memref_slice %arg11[%dma_start3A_45, %dma_start3A_46] : memref<128x144xf32, #tpu.memory_space<vmem>> -> memref<128x8xf32, #tpu.memory_space<vmem>>
        %dma_start3A_48 = tpu.memref_slice %arg4[%add3A_27, %mul3A_4] : memref<160000x128xf32, #tpu.memory_space<hbm>> -> memref<128x8xf32, #tpu.memory_space<hbm>>
        tpu.enqueue_dma source(%dma_start3A_48 : memref<128x8xf32, #tpu.memory_space<hbm>>) target(%dma_start3A_47 : memref<128x8xf32, #tpu.memory_space<vmem>>) target_semaphore(%arg16 : memref<!tpu.dma_semaphore, #tpu.memory_space<semaphore_mem>>)
        %dma_start3A_49 = tpu.memref_slice %arg5[%add3A_29] : memref<160000xi32, #tpu.memory_space<hbm>> -> memref<128xi32, #tpu.memory_space<hbm>>
        %dma_start3A_50 = tpu.memref_slice %arg5[%add3A_29] : memref<160000xi32, #tpu.memory_space<hbm>> -> memref<128xi32, #tpu.memory_space<hbm>>
        tpu.enqueue_dma source(%dma_start3A_50 : memref<128xi32, #tpu.memory_space<hbm>>) target(%arg12 : memref<128xi32, #tpu.memory_space<vmem>>) target_semaphore(%arg16 : memref<!tpu.dma_semaphore, #tpu.memory_space<semaphore_mem>>)
        %dma_start3A_51 = arith.constant 0 : i32
        %dma_start3A_52 = arith.constant 0 : i32
        %dma_start3A_53 = tpu.memref_slice %arg13[%dma_start3A_51, %dma_start3A_52] : memref<128x144xf32, #tpu.memory_space<vmem>> -> memref<128x128xf32, #tpu.memory_space<vmem>>
        %dma_start3A_54 = arith.constant 0 : i32
        %dma_start3A_55 = tpu.memref_slice %arg3[%add3A_29, %dma_start3A_54] : memref<160000x128xf32, #tpu.memory_space<hbm>> -> memref<128x128xf32, #tpu.memory_space<hbm>>
        %dma_start3A_56 = arith.constant 0 : i32
        %dma_start3A_57 = arith.constant 0 : i32
        %dma_start3A_58 = tpu.memref_slice %arg13[%dma_start3A_56, %dma_start3A_57] : memref<128x144xf32, #tpu.memory_space<vmem>> -> memref<128x128xf32, #tpu.memory_space<vmem>>
        %dma_start3A_59 = arith.constant 0 : i32
        %dma_start3A_60 = tpu.memref_slice %arg3[%add3A_29, %dma_start3A_59] : memref<160000x128xf32, #tpu.memory_space<hbm>> -> memref<128x128xf32, #tpu.memory_space<hbm>>
        tpu.enqueue_dma source(%dma_start3A_60 : memref<128x128xf32, #tpu.memory_space<hbm>>) target(%dma_start3A_58 : memref<128x128xf32, #tpu.memory_space<vmem>>) target_semaphore(%arg16 : memref<!tpu.dma_semaphore, #tpu.memory_space<semaphore_mem>>)
        %dma_start3A_61 = arith.constant 0 : i32
        %dma_start3A_62 = arith.constant 128 : i32
        %dma_start3A_63 = tpu.memref_slice %arg13[%dma_start3A_61, %dma_start3A_62] : memref<128x144xf32, #tpu.memory_space<vmem>> -> memref<128x8xf32, #tpu.memory_space<vmem>>
        %dma_start3A_64 = tpu.memref_slice %arg4[%add3A_29, %mul3A_4] : memref<160000x128xf32, #tpu.memory_space<hbm>> -> memref<128x8xf32, #tpu.memory_space<hbm>>
        %dma_start3A_65 = arith.constant 0 : i32
        %dma_start3A_66 = arith.constant 128 : i32
        %dma_start3A_67 = tpu.memref_slice %arg13[%dma_start3A_65, %dma_start3A_66] : memref<128x144xf32, #tpu.memory_space<vmem>> -> memref<128x8xf32, #tpu.memory_space<vmem>>
        %dma_start3A_68 = tpu.memref_slice %arg4[%add3A_29, %mul3A_4] : memref<160000x128xf32, #tpu.memory_space<hbm>> -> memref<128x8xf32, #tpu.memory_space<hbm>>
        tpu.enqueue_dma source(%dma_start3A_68 : memref<128x8xf32, #tpu.memory_space<hbm>>) target(%dma_start3A_67 : memref<128x8xf32, #tpu.memory_space<vmem>>) target_semaphore(%arg16 : memref<!tpu.dma_semaphore, #tpu.memory_space<semaphore_mem>>)
        %dma_wait3A = tpu.memref_slice %arg5[%add3A_27] : memref<160000xi32, #tpu.memory_space<hbm>> -> memref<128xi32, #tpu.memory_space<hbm>>
        %dma_wait3A_69 = tpu.memref_slice %arg5[%add3A_27] : memref<160000xi32, #tpu.memory_space<hbm>> -> memref<128xi32, #tpu.memory_space<hbm>>
        tpu.wait_dma2 semaphore(%arg16 : memref<!tpu.dma_semaphore, #tpu.memory_space<semaphore_mem>>) src(%dma_wait3A_69 : memref<128xi32, #tpu.memory_space<hbm>>) dst(%arg10 : memref<128xi32, #tpu.memory_space<vmem>>)
        %dma_wait3A_70 = arith.constant 0 : i32
        %dma_wait3A_71 = arith.constant 0 : i32
        %dma_wait3A_72 = tpu.memref_slice %arg11[%dma_wait3A_70, %dma_wait3A_71] : memref<128x144xf32, #tpu.memory_space<vmem>> -> memref<128x128xf32, #tpu.memory_space<vmem>>
        %dma_wait3A_73 = arith.constant 0 : i32
        %dma_wait3A_74 = tpu.memref_slice %arg3[%add3A_27, %dma_wait3A_73] : memref<160000x128xf32, #tpu.memory_space<hbm>> -> memref<128x128xf32, #tpu.memory_space<hbm>>
        %dma_wait3A_75 = arith.constant 0 : i32
        %dma_wait3A_76 = arith.constant 0 : i32
        %dma_wait3A_77 = tpu.memref_slice %arg11[%dma_wait3A_75, %dma_wait3A_76] : memref<128x144xf32, #tpu.memory_space<vmem>> -> memref<128x128xf32, #tpu.memory_space<vmem>>
        %dma_wait3A_78 = arith.constant 0 : i32
        %dma_wait3A_79 = tpu.memref_slice %arg3[%add3A_27, %dma_wait3A_78] : memref<160000x128xf32, #tpu.memory_space<hbm>> -> memref<128x128xf32, #tpu.memory_space<hbm>>
        tpu.wait_dma2 semaphore(%arg16 : memref<!tpu.dma_semaphore, #tpu.memory_space<semaphore_mem>>) src(%dma_wait3A_79 : memref<128x128xf32, #tpu.memory_space<hbm>>) dst(%dma_wait3A_77 : memref<128x128xf32, #tpu.memory_space<vmem>>)
        %dma_wait3A_80 = arith.constant 0 : i32
        %dma_wait3A_81 = arith.constant 128 : i32
        %dma_wait3A_82 = tpu.memref_slice %arg11[%dma_wait3A_80, %dma_wait3A_81] : memref<128x144xf32, #tpu.memory_space<vmem>> -> memref<128x8xf32, #tpu.memory_space<vmem>>
        %dma_wait3A_83 = tpu.memref_slice %arg4[%add3A_27, %mul3A_4] : memref<160000x128xf32, #tpu.memory_space<hbm>> -> memref<128x8xf32, #tpu.memory_space<hbm>>
        %dma_wait3A_84 = arith.constant 0 : i32
        %dma_wait3A_85 = arith.constant 128 : i32
        %dma_wait3A_86 = tpu.memref_slice %arg11[%dma_wait3A_84, %dma_wait3A_85] : memref<128x144xf32, #tpu.memory_space<vmem>> -> memref<128x8xf32, #tpu.memory_space<vmem>>
        %dma_wait3A_87 = tpu.memref_slice %arg4[%add3A_27, %mul3A_4] : memref<160000x128xf32, #tpu.memory_space<hbm>> -> memref<128x8xf32, #tpu.memory_space<hbm>>
        tpu.wait_dma2 semaphore(%arg16 : memref<!tpu.dma_semaphore, #tpu.memory_space<semaphore_mem>>) src(%dma_wait3A_87 : memref<128x8xf32, #tpu.memory_space<hbm>>) dst(%dma_wait3A_86 : memref<128x8xf32, #tpu.memory_space<vmem>>)
        "tpu.region"() ({
          %run_scoped3A = tpu.sem_alloc : memref<!tpu.dma_semaphore, #tpu.memory_space<semaphore_mem>>
          %dma_start3A_108 = arith.constant 0 : i32
          %dma_start3A_109 = arith.constant 0 : i32
          %dma_start3A_110 = tpu.memref_slice %arg9[%dma_start3A_108, %dma_start3A_109] : memref<10000x144xf32, #tpu.memory_space<vmem_shared>> -> memref<10000x144xf32, #tpu.memory_space<vmem_shared>>
          tpu.enqueue_indirect_dma source(%arg11 : memref<128x144xf32, #tpu.memory_space<vmem>>) target(%dma_start3A_110 : memref<10000x144xf32, #tpu.memory_space<vmem_shared>>) offsets(%arg10 : memref<128xi32, #tpu.memory_space<vmem>>) semaphore(%run_scoped3A : memref<!tpu.dma_semaphore, #tpu.memory_space<semaphore_mem>>) {add = true}
          %dma_wait3A_111 = arith.constant 0 : i32
          %dma_wait3A_112 = arith.constant 0 : i32
          %dma_wait3A_113 = tpu.memref_slice %arg9[%dma_wait3A_111, %dma_wait3A_112] : memref<10000x144xf32, #tpu.memory_space<vmem_shared>> -> memref<10000x144xf32, #tpu.memory_space<vmem_shared>>
          tpu.wait_indirect_dma semaphore(%run_scoped3A : memref<!tpu.dma_semaphore, #tpu.memory_space<semaphore_mem>>) src(%arg11 : memref<128x144xf32, #tpu.memory_space<vmem>>) dst(%dma_wait3A_113 : memref<10000x144xf32, #tpu.memory_space<vmem_shared>>)
          tpu.yield
        }) : () -> ()
        %dma_wait3A_88 = tpu.memref_slice %arg5[%add3A_29] : memref<160000xi32, #tpu.memory_space<hbm>> -> memref<128xi32, #tpu.memory_space<hbm>>
        %dma_wait3A_89 = tpu.memref_slice %arg5[%add3A_29] : memref<160000xi32, #tpu.memory_space<hbm>> -> memref<128xi32, #tpu.memory_space<hbm>>
        tpu.wait_dma2 semaphore(%arg16 : memref<!tpu.dma_semaphore, #tpu.memory_space<semaphore_mem>>) src(%dma_wait3A_89 : memref<128xi32, #tpu.memory_space<hbm>>) dst(%arg12 : memref<128xi32, #tpu.memory_space<vmem>>)
        %dma_wait3A_90 = arith.constant 0 : i32
        %dma_wait3A_91 = arith.constant 0 : i32
        %dma_wait3A_92 = tpu.memref_slice %arg13[%dma_wait3A_90, %dma_wait3A_91] : memref<128x144xf32, #tpu.memory_space<vmem>> -> memref<128x128xf32, #tpu.memory_space<vmem>>
        %dma_wait3A_93 = arith.constant 0 : i32
        %dma_wait3A_94 = tpu.memref_slice %arg3[%add3A_29, %dma_wait3A_93] : memref<160000x128xf32, #tpu.memory_space<hbm>> -> memref<128x128xf32, #tpu.memory_space<hbm>>
        %dma_wait3A_95 = arith.constant 0 : i32
        %dma_wait3A_96 = arith.constant 0 : i32
        %dma_wait3A_97 = tpu.memref_slice %arg13[%dma_wait3A_95, %dma_wait3A_96] : memref<128x144xf32, #tpu.memory_space<vmem>> -> memref<128x128xf32, #tpu.memory_space<vmem>>
        %dma_wait3A_98 = arith.constant 0 : i32
        %dma_wait3A_99 = tpu.memref_slice %arg3[%add3A_29, %dma_wait3A_98] : memref<160000x128xf32, #tpu.memory_space<hbm>> -> memref<128x128xf32, #tpu.memory_space<hbm>>
        tpu.wait_dma2 semaphore(%arg16 : memref<!tpu.dma_semaphore, #tpu.memory_space<semaphore_mem>>) src(%dma_wait3A_99 : memref<128x128xf32, #tpu.memory_space<hbm>>) dst(%dma_wait3A_97 : memref<128x128xf32, #tpu.memory_space<vmem>>)
        %dma_wait3A_100 = arith.constant 0 : i32
        %dma_wait3A_101 = arith.constant 128 : i32
        %dma_wait3A_102 = tpu.memref_slice %arg13[%dma_wait3A_100, %dma_wait3A_101] : memref<128x144xf32, #tpu.memory_space<vmem>> -> memref<128x8xf32, #tpu.memory_space<vmem>>
        %dma_wait3A_103 = tpu.memref_slice %arg4[%add3A_29, %mul3A_4] : memref<160000x128xf32, #tpu.memory_space<hbm>> -> memref<128x8xf32, #tpu.memory_space<hbm>>
        %dma_wait3A_104 = arith.constant 0 : i32
        %dma_wait3A_105 = arith.constant 128 : i32
        %dma_wait3A_106 = tpu.memref_slice %arg13[%dma_wait3A_104, %dma_wait3A_105] : memref<128x144xf32, #tpu.memory_space<vmem>> -> memref<128x8xf32, #tpu.memory_space<vmem>>
        %dma_wait3A_107 = tpu.memref_slice %arg4[%add3A_29, %mul3A_4] : memref<160000x128xf32, #tpu.memory_space<hbm>> -> memref<128x8xf32, #tpu.memory_space<hbm>>
        tpu.wait_dma2 semaphore(%arg16 : memref<!tpu.dma_semaphore, #tpu.memory_space<semaphore_mem>>) src(%dma_wait3A_107 : memref<128x8xf32, #tpu.memory_space<hbm>>) dst(%dma_wait3A_106 : memref<128x8xf32, #tpu.memory_space<vmem>>)
        "tpu.region"() ({
          %run_scoped3A = tpu.sem_alloc : memref<!tpu.dma_semaphore, #tpu.memory_space<semaphore_mem>>
          %dma_start3A_108 = arith.constant 0 : i32
          %dma_start3A_109 = arith.constant 0 : i32
          %dma_start3A_110 = tpu.memref_slice %arg9[%dma_start3A_108, %dma_start3A_109] : memref<10000x144xf32, #tpu.memory_space<vmem_shared>> -> memref<10000x144xf32, #tpu.memory_space<vmem_shared>>
          tpu.enqueue_indirect_dma source(%arg13 : memref<128x144xf32, #tpu.memory_space<vmem>>) target(%dma_start3A_110 : memref<10000x144xf32, #tpu.memory_space<vmem_shared>>) offsets(%arg12 : memref<128xi32, #tpu.memory_space<vmem>>) semaphore(%run_scoped3A : memref<!tpu.dma_semaphore, #tpu.memory_space<semaphore_mem>>) {add = true}
          %dma_wait3A_111 = arith.constant 0 : i32
          %dma_wait3A_112 = arith.constant 0 : i32
          %dma_wait3A_113 = tpu.memref_slice %arg9[%dma_wait3A_111, %dma_wait3A_112] : memref<10000x144xf32, #tpu.memory_space<vmem_shared>> -> memref<10000x144xf32, #tpu.memory_space<vmem_shared>>
          tpu.wait_indirect_dma semaphore(%run_scoped3A : memref<!tpu.dma_semaphore, #tpu.memory_space<semaphore_mem>>) src(%arg13 : memref<128x144xf32, #tpu.memory_space<vmem>>) dst(%dma_wait3A_113 : memref<10000x144xf32, #tpu.memory_space<vmem_shared>>)
          tpu.yield
        }) : () -> ()
      }
      %scan3A_16 = arith.constant 39 : i32
      %mul3A_17 = arith.constant 10000 : i32
      %mul3A_18 = arith.muli %arg1, %mul3A_17 : i32
      %add3A = arith.constant 9984 : i32
      %add3A_19 = arith.addi %mul3A_18, %add3A : i32
      "tpu.region"() ({
        %run_scoped3A = tpu.sem_alloc : memref<!tpu.dma_semaphore, #tpu.memory_space<semaphore_mem>>
        %dma_start3A = tpu.memref_slice %arg5[%add3A_19] : memref<160000xi32, #tpu.memory_space<hbm>> -> memref<16xi32, #tpu.memory_space<hbm>>
        %dma_start3A_20 = tpu.memref_slice %arg5[%add3A_19] : memref<160000xi32, #tpu.memory_space<hbm>> -> memref<16xi32, #tpu.memory_space<hbm>>
        tpu.enqueue_dma source(%dma_start3A_20 : memref<16xi32, #tpu.memory_space<hbm>>) target(%arg14 : memref<16xi32, #tpu.memory_space<vmem>>) target_semaphore(%run_scoped3A : memref<!tpu.dma_semaphore, #tpu.memory_space<semaphore_mem>>)
        %dma_wait3A = tpu.memref_slice %arg5[%add3A_19] : memref<160000xi32, #tpu.memory_space<hbm>> -> memref<16xi32, #tpu.memory_space<hbm>>
        %dma_wait3A_21 = tpu.memref_slice %arg5[%add3A_19] : memref<160000xi32, #tpu.memory_space<hbm>> -> memref<16xi32, #tpu.memory_space<hbm>>
        tpu.wait_dma2 semaphore(%run_scoped3A : memref<!tpu.dma_semaphore, #tpu.memory_space<semaphore_mem>>) src(%dma_wait3A_21 : memref<16xi32, #tpu.memory_space<hbm>>) dst(%arg14 : memref<16xi32, #tpu.memory_space<vmem>>)
        tpu.yield
      }) : () -> ()
      "tpu.region"() ({
        %run_scoped3A = tpu.sem_alloc : memref<!tpu.dma_semaphore, #tpu.memory_space<semaphore_mem>>
        %dma_start3A = arith.constant 0 : i32
        %dma_start3A_20 = arith.constant 0 : i32
        %dma_start3A_21 = tpu.memref_slice %arg15[%dma_start3A, %dma_start3A_20] : memref<16x144xf32, #tpu.memory_space<vmem>> -> memref<16x128xf32, #tpu.memory_space<vmem>>
        %dma_start3A_22 = arith.constant 0 : i32
        %dma_start3A_23 = tpu.memref_slice %arg3[%add3A_19, %dma_start3A_22] : memref<160000x128xf32, #tpu.memory_space<hbm>> -> memref<16x128xf32, #tpu.memory_space<hbm>>
        %dma_start3A_24 = arith.constant 0 : i32
        %dma_start3A_25 = arith.constant 0 : i32
        %dma_start3A_26 = tpu.memref_slice %arg15[%dma_start3A_24, %dma_start3A_25] : memref<16x144xf32, #tpu.memory_space<vmem>> -> memref<16x128xf32, #tpu.memory_space<vmem>>
        %dma_start3A_27 = arith.constant 0 : i32
        %dma_start3A_28 = tpu.memref_slice %arg3[%add3A_19, %dma_start3A_27] : memref<160000x128xf32, #tpu.memory_space<hbm>> -> memref<16x128xf32, #tpu.memory_space<hbm>>
        tpu.enqueue_dma source(%dma_start3A_28 : memref<16x128xf32, #tpu.memory_space<hbm>>) target(%dma_start3A_26 : memref<16x128xf32, #tpu.memory_space<vmem>>) target_semaphore(%run_scoped3A : memref<!tpu.dma_semaphore, #tpu.memory_space<semaphore_mem>>)
        %dma_wait3A = arith.constant 0 : i32
        %dma_wait3A_29 = arith.constant 0 : i32
        %dma_wait3A_30 = tpu.memref_slice %arg15[%dma_wait3A, %dma_wait3A_29] : memref<16x144xf32, #tpu.memory_space<vmem>> -> memref<16x128xf32, #tpu.memory_space<vmem>>
        %dma_wait3A_31 = arith.constant 0 : i32
        %dma_wait3A_32 = tpu.memref_slice %arg3[%add3A_19, %dma_wait3A_31] : memref<160000x128xf32, #tpu.memory_space<hbm>> -> memref<16x128xf32, #tpu.memory_space<hbm>>
        %dma_wait3A_33 = arith.constant 0 : i32
        %dma_wait3A_34 = arith.constant 0 : i32
        %dma_wait3A_35 = tpu.memref_slice %arg15[%dma_wait3A_33, %dma_wait3A_34] : memref<16x144xf32, #tpu.memory_space<vmem>> -> memref<16x128xf32, #tpu.memory_space<vmem>>
        %dma_wait3A_36 = arith.constant 0 : i32
        %dma_wait3A_37 = tpu.memref_slice %arg3[%add3A_19, %dma_wait3A_36] : memref<160000x128xf32, #tpu.memory_space<hbm>> -> memref<16x128xf32, #tpu.memory_space<hbm>>
        tpu.wait_dma2 semaphore(%run_scoped3A : memref<!tpu.dma_semaphore, #tpu.memory_space<semaphore_mem>>) src(%dma_wait3A_37 : memref<16x128xf32, #tpu.memory_space<hbm>>) dst(%dma_wait3A_35 : memref<16x128xf32, #tpu.memory_space<vmem>>)
        tpu.yield
      }) : () -> ()
      "tpu.region"() ({
        %run_scoped3A = tpu.sem_alloc : memref<!tpu.dma_semaphore, #tpu.memory_space<semaphore_mem>>
        %dma_start3A = arith.constant 0 : i32
        %dma_start3A_20 = arith.constant 128 : i32
        %dma_start3A_21 = tpu.memref_slice %arg15[%dma_start3A, %dma_start3A_20] : memref<16x144xf32, #tpu.memory_space<vmem>> -> memref<16x8xf32, #tpu.memory_space<vmem>>
        %dma_start3A_22 = tpu.memref_slice %arg4[%add3A_19, %mul3A_4] : memref<160000x128xf32, #tpu.memory_space<hbm>> -> memref<16x8xf32, #tpu.memory_space<hbm>>
        %dma_start3A_23 = arith.constant 0 : i32
        %dma_start3A_24 = arith.constant 128 : i32
        %dma_start3A_25 = tpu.memref_slice %arg15[%dma_start3A_23, %dma_start3A_24] : memref<16x144xf32, #tpu.memory_space<vmem>> -> memref<16x8xf32, #tpu.memory_space<vmem>>
        %dma_start3A_26 = tpu.memref_slice %arg4[%add3A_19, %mul3A_4] : memref<160000x128xf32, #tpu.memory_space<hbm>> -> memref<16x8xf32, #tpu.memory_space<hbm>>
        tpu.enqueue_dma source(%dma_start3A_26 : memref<16x8xf32, #tpu.memory_space<hbm>>) target(%dma_start3A_25 : memref<16x8xf32, #tpu.memory_space<vmem>>) target_semaphore(%run_scoped3A : memref<!tpu.dma_semaphore, #tpu.memory_space<semaphore_mem>>)
        %dma_wait3A = arith.constant 0 : i32
        %dma_wait3A_27 = arith.constant 128 : i32
        %dma_wait3A_28 = tpu.memref_slice %arg15[%dma_wait3A, %dma_wait3A_27] : memref<16x144xf32, #tpu.memory_space<vmem>> -> memref<16x8xf32, #tpu.memory_space<vmem>>
        %dma_wait3A_29 = tpu.memref_slice %arg4[%add3A_19, %mul3A_4] : memref<160000x128xf32, #tpu.memory_space<hbm>> -> memref<16x8xf32, #tpu.memory_space<hbm>>
        %dma_wait3A_30 = arith.constant 0 : i32
        %dma_wait3A_31 = arith.constant 128 : i32
        %dma_wait3A_32 = tpu.memref_slice %arg15[%dma_wait3A_30, %dma_wait3A_31] : memref<16x144xf32, #tpu.memory_space<vmem>> -> memref<16x8xf32, #tpu.memory_space<vmem>>
        %dma_wait3A_33 = tpu.memref_slice %arg4[%add3A_19, %mul3A_4] : memref<160000x128xf32, #tpu.memory_space<hbm>> -> memref<16x8xf32, #tpu.memory_space<hbm>>
        tpu.wait_dma2 semaphore(%run_scoped3A : memref<!tpu.dma_semaphore, #tpu.memory_space<semaphore_mem>>) src(%dma_wait3A_33 : memref<16x8xf32, #tpu.memory_space<hbm>>) dst(%dma_wait3A_32 : memref<16x8xf32, #tpu.memory_space<vmem>>)
        tpu.yield
      }) : () -> ()
      "tpu.region"() ({
        %run_scoped3A = tpu.sem_alloc : memref<!tpu.dma_semaphore, #tpu.memory_space<semaphore_mem>>
        %dma_start3A = arith.constant 0 : i32
        %dma_start3A_20 = arith.constant 0 : i32
        %dma_start3A_21 = tpu.memref_slice %arg9[%dma_start3A, %dma_start3A_20] : memref<10000x144xf32, #tpu.memory_space<vmem_shared>> -> memref<10000x144xf32, #tpu.memory_space<vmem_shared>>
        tpu.enqueue_indirect_dma source(%arg15 : memref<16x144xf32, #tpu.memory_space<vmem>>) target(%dma_start3A_21 : memref<10000x144xf32, #tpu.memory_space<vmem_shared>>) offsets(%arg14 : memref<16xi32, #tpu.memory_space<vmem>>) semaphore(%run_scoped3A : memref<!tpu.dma_semaphore, #tpu.memory_space<semaphore_mem>>) {add = true}
        %dma_wait3A = arith.constant 0 : i32
        %dma_wait3A_22 = arith.constant 0 : i32
        %dma_wait3A_23 = tpu.memref_slice %arg9[%dma_wait3A, %dma_wait3A_22] : memref<10000x144xf32, #tpu.memory_space<vmem_shared>> -> memref<10000x144xf32, #tpu.memory_space<vmem_shared>>
        tpu.wait_indirect_dma semaphore(%run_scoped3A : memref<!tpu.dma_semaphore, #tpu.memory_space<semaphore_mem>>) src(%arg15 : memref<16x144xf32, #tpu.memory_space<vmem>>) dst(%dma_wait3A_23 : memref<10000x144xf32, #tpu.memory_space<vmem_shared>>)
        tpu.yield
      }) : () -> ()
    } else {
    }
    %barrier3A_11 = arith.constant 0 : index
    tpu.barrier barrier_id(%barrier3A_11)
    "tpu.region"() ({
      %run_scoped3A = tpu.sem_alloc : memref<!tpu.dma_semaphore, #tpu.memory_space<semaphore_mem>>
      %dma_start3A = tpu.memref_slice %arg8[%mul3A_0, %mul3A_2] : memref<10000x288xf32, #tpu.memory_space<hbm>> -> memref<625x144xf32, #tpu.memory_space<hbm>>
      %dma_start3A_12 = arith.constant 0 : i32
      %dma_start3A_13 = tpu.memref_slice %arg9[%mul3A_0, %dma_start3A_12] : memref<10000x144xf32, #tpu.memory_space<vmem_shared>> -> memref<625x144xf32, #tpu.memory_space<vmem_shared>>
      tpu.enqueue_dma source(%dma_start3A_13 : memref<625x144xf32, #tpu.memory_space<vmem_shared>>) target(%dma_start3A : memref<625x144xf32, #tpu.memory_space<hbm>>) target_semaphore(%run_scoped3A : memref<!tpu.dma_semaphore, #tpu.memory_space<semaphore_mem>>)
      %dma_wait3A = tpu.memref_slice %arg8[%mul3A_0, %mul3A_2] : memref<10000x288xf32, #tpu.memory_space<hbm>> -> memref<625x144xf32, #tpu.memory_space<hbm>>
      %dma_wait3A_14 = arith.constant 0 : i32
      %dma_wait3A_15 = tpu.memref_slice %arg9[%mul3A_0, %dma_wait3A_14] : memref<10000x144xf32, #tpu.memory_space<vmem_shared>> -> memref<625x144xf32, #tpu.memory_space<vmem_shared>>
      tpu.wait_dma2 semaphore(%run_scoped3A : memref<!tpu.dma_semaphore, #tpu.memory_space<semaphore_mem>>) src(%dma_wait3A_15 : memref<625x144xf32, #tpu.memory_space<vmem_shared>>) dst(%dma_wait3A : memref<625x144xf32, #tpu.memory_space<hbm>>)
      tpu.yield
    }) : () -> ()
    return
  }
}

#map = affine_map<(d0, d1) -> (0, 0)>
#map1 = affine_map<(d0, d1) -> (0)>
module attributes {stable_mosaic.version = 14 : i64} {
  func.func @_gather_body(%arg0: i32, %arg1: i32, %arg2: memref<10000x128xf32, #tpu.memory_space<hbm>>, %arg3: memref<10000x128xf32, #tpu.memory_space<hbm>>, %arg4: memref<10000x128xf32, #tpu.memory_space<hbm>>, %arg5: memref<160000xi32, #tpu.memory_space<hbm>>, %arg6: memref<160000xi32, #tpu.memory_space<hbm>>, %arg7: memref<79360x128xf32, #tpu.memory_space<hbm>>, %arg8: memref<79360x128xf32, #tpu.memory_space<hbm>>, %arg9: memref<79360x128xf32, #tpu.memory_space<hbm>>, %arg10: memref<2480xi32, #tpu.memory_space<vmem>>, %arg11: memref<2480xi32, #tpu.memory_space<vmem>>, %arg12: memref<128x128xf32, #tpu.memory_space<vmem>>, %arg13: memref<128x128xf32, #tpu.memory_space<vmem>>, %arg14: memref<128x128xf32, #tpu.memory_space<vmem>>, %arg15: memref<!tpu.dma_semaphore, #tpu.memory_space<semaphore_mem>>, %arg16: memref<!tpu.dma_semaphore, #tpu.memory_space<semaphore_mem>>) attributes {dimension_semantics = [#tpu.dimension_semantics<core_parallel>, #tpu.dimension_semantics<subcore_parallel>], iteration_bounds = array<i64: 2, 16>, scalar_prefetch = 0 : i64, scratch_operands = 7 : i64, tpu.core_type = #tpu.core_type<sc_vector_subcore>, window_params = [{transform_indices = #map}, {transform_indices = #map}, {transform_indices = #map}, {transform_indices = #map1}, {transform_indices = #map1}, {transform_indices = #map}, {transform_indices = #map}, {transform_indices = #map}]} {
    %mul3A = arith.constant 2 : i32
    %mul3A_0 = arith.muli %arg1, %mul3A : i32
    %add3A = arith.addi %mul3A_0, %arg0 : i32
    %mul3A_1 = arith.constant 2480 : i32
    %mul3A_2 = arith.muli %add3A, %mul3A_1 : i32
    %add3A_3 = arith.constant 80640 : i32
    %add3A_4 = arith.addi %add3A_3, %mul3A_2 : i32
    %mul3A_5 = arith.constant 2480 : i32
    %mul3A_6 = arith.muli %add3A, %mul3A_5 : i32
    "tpu.region"() ({
      %run_scoped3A = tpu.sem_alloc : memref<!tpu.dma_semaphore, #tpu.memory_space<semaphore_mem>>
      %dma_start3A_60 = tpu.memref_slice %arg5[%add3A_4] : memref<160000xi32, #tpu.memory_space<hbm>> -> memref<2480xi32, #tpu.memory_space<hbm>>
      %dma_start3A_61 = tpu.memref_slice %arg5[%add3A_4] : memref<160000xi32, #tpu.memory_space<hbm>> -> memref<2480xi32, #tpu.memory_space<hbm>>
      tpu.enqueue_dma source(%dma_start3A_61 : memref<2480xi32, #tpu.memory_space<hbm>>) target(%arg10 : memref<2480xi32, #tpu.memory_space<vmem>>) target_semaphore(%run_scoped3A : memref<!tpu.dma_semaphore, #tpu.memory_space<semaphore_mem>>)
      %dma_wait3A_62 = tpu.memref_slice %arg5[%add3A_4] : memref<160000xi32, #tpu.memory_space<hbm>> -> memref<2480xi32, #tpu.memory_space<hbm>>
      %dma_wait3A_63 = tpu.memref_slice %arg5[%add3A_4] : memref<160000xi32, #tpu.memory_space<hbm>> -> memref<2480xi32, #tpu.memory_space<hbm>>
      tpu.wait_dma2 semaphore(%run_scoped3A : memref<!tpu.dma_semaphore, #tpu.memory_space<semaphore_mem>>) src(%dma_wait3A_63 : memref<2480xi32, #tpu.memory_space<hbm>>) dst(%arg10 : memref<2480xi32, #tpu.memory_space<vmem>>)
      tpu.yield
    }) : () -> ()
    "tpu.region"() ({
      %run_scoped3A = tpu.sem_alloc : memref<!tpu.dma_semaphore, #tpu.memory_space<semaphore_mem>>
      %dma_start3A_60 = tpu.memref_slice %arg6[%add3A_4] : memref<160000xi32, #tpu.memory_space<hbm>> -> memref<2480xi32, #tpu.memory_space<hbm>>
      %dma_start3A_61 = tpu.memref_slice %arg6[%add3A_4] : memref<160000xi32, #tpu.memory_space<hbm>> -> memref<2480xi32, #tpu.memory_space<hbm>>
      tpu.enqueue_dma source(%dma_start3A_61 : memref<2480xi32, #tpu.memory_space<hbm>>) target(%arg11 : memref<2480xi32, #tpu.memory_space<vmem>>) target_semaphore(%run_scoped3A : memref<!tpu.dma_semaphore, #tpu.memory_space<semaphore_mem>>)
      %dma_wait3A_62 = tpu.memref_slice %arg6[%add3A_4] : memref<160000xi32, #tpu.memory_space<hbm>> -> memref<2480xi32, #tpu.memory_space<hbm>>
      %dma_wait3A_63 = tpu.memref_slice %arg6[%add3A_4] : memref<160000xi32, #tpu.memory_space<hbm>> -> memref<2480xi32, #tpu.memory_space<hbm>>
      tpu.wait_dma2 semaphore(%run_scoped3A : memref<!tpu.dma_semaphore, #tpu.memory_space<semaphore_mem>>) src(%dma_wait3A_63 : memref<2480xi32, #tpu.memory_space<hbm>>) dst(%arg11 : memref<2480xi32, #tpu.memory_space<vmem>>)
      tpu.yield
    }) : () -> ()
    %scan3A = arith.constant 0 : i32
    %scan3A_7 = arith.constant 0 : i32
    %scan3A_8 = arith.constant 19 : i32
    %scan3A_9 = arith.addi %scan3A_7, %scan3A_8 : i32
    %scan3A_10 = arith.constant 1 : i32
    scf.for %scan3A_60 = %scan3A_7 to %scan3A_9 step %scan3A_10  : i32 {
      %mul3A_61 = arith.constant 128 : i32
      %mul3A_62 = arith.muli %scan3A_60, %mul3A_61 : i32
      %add3A_63 = arith.addi %mul3A_6, %mul3A_62 : i32
      %mul3A_64 = arith.constant 128 : i32
      %mul3A_65 = arith.muli %scan3A_60, %mul3A_64 : i32
      %dma_start3A_66 = tpu.memref_slice %arg10[%mul3A_65] : memref<2480xi32, #tpu.memory_space<vmem>> -> memref<128xi32, #tpu.memory_space<vmem>>
      %dma_start3A_67 = arith.constant 0 : i32
      %dma_start3A_68 = arith.constant 0 : i32
      %dma_start3A_69 = tpu.memref_slice %arg2[%dma_start3A_67, %dma_start3A_68] : memref<10000x128xf32, #tpu.memory_space<hbm>> -> memref<10000x128xf32, #tpu.memory_space<hbm>>
      tpu.enqueue_indirect_dma source(%dma_start3A_69 : memref<10000x128xf32, #tpu.memory_space<hbm>>) target(%arg12 : memref<128x128xf32, #tpu.memory_space<vmem>>) offsets(%dma_start3A_66 : memref<128xi32, #tpu.memory_space<vmem>>) semaphore(%arg15 : memref<!tpu.dma_semaphore, #tpu.memory_space<semaphore_mem>>)
      %dma_start3A_70 = tpu.memref_slice %arg11[%mul3A_65] : memref<2480xi32, #tpu.memory_space<vmem>> -> memref<128xi32, #tpu.memory_space<vmem>>
      %dma_start3A_71 = arith.constant 0 : i32
      %dma_start3A_72 = arith.constant 0 : i32
      %dma_start3A_73 = tpu.memref_slice %arg3[%dma_start3A_71, %dma_start3A_72] : memref<10000x128xf32, #tpu.memory_space<hbm>> -> memref<10000x128xf32, #tpu.memory_space<hbm>>
      tpu.enqueue_indirect_dma source(%dma_start3A_73 : memref<10000x128xf32, #tpu.memory_space<hbm>>) target(%arg13 : memref<128x128xf32, #tpu.memory_space<vmem>>) offsets(%dma_start3A_70 : memref<128xi32, #tpu.memory_space<vmem>>) semaphore(%arg15 : memref<!tpu.dma_semaphore, #tpu.memory_space<semaphore_mem>>)
      %dma_start3A_74 = tpu.memref_slice %arg11[%mul3A_65] : memref<2480xi32, #tpu.memory_space<vmem>> -> memref<128xi32, #tpu.memory_space<vmem>>
      %dma_start3A_75 = arith.constant 0 : i32
      %dma_start3A_76 = arith.constant 0 : i32
      %dma_start3A_77 = tpu.memref_slice %arg4[%dma_start3A_75, %dma_start3A_76] : memref<10000x128xf32, #tpu.memory_space<hbm>> -> memref<10000x128xf32, #tpu.memory_space<hbm>>
      tpu.enqueue_indirect_dma source(%dma_start3A_77 : memref<10000x128xf32, #tpu.memory_space<hbm>>) target(%arg14 : memref<128x128xf32, #tpu.memory_space<vmem>>) offsets(%dma_start3A_74 : memref<128xi32, #tpu.memory_space<vmem>>) semaphore(%arg15 : memref<!tpu.dma_semaphore, #tpu.memory_space<semaphore_mem>>)
      %dma_wait3A_78 = tpu.memref_slice %arg10[%mul3A_65] : memref<2480xi32, #tpu.memory_space<vmem>> -> memref<128xi32, #tpu.memory_space<vmem>>
      %dma_wait3A_79 = arith.constant 0 : i32
      %dma_wait3A_80 = arith.constant 0 : i32
      %dma_wait3A_81 = tpu.memref_slice %arg2[%dma_wait3A_79, %dma_wait3A_80] : memref<10000x128xf32, #tpu.memory_space<hbm>> -> memref<10000x128xf32, #tpu.memory_space<hbm>>
      tpu.wait_indirect_dma semaphore(%arg15 : memref<!tpu.dma_semaphore, #tpu.memory_space<semaphore_mem>>) src(%dma_wait3A_81 : memref<10000x128xf32, #tpu.memory_space<hbm>>) dst(%arg12 : memref<128x128xf32, #tpu.memory_space<vmem>>)
      %dma_wait3A_82 = tpu.memref_slice %arg11[%mul3A_65] : memref<2480xi32, #tpu.memory_space<vmem>> -> memref<128xi32, #tpu.memory_space<vmem>>
      %dma_wait3A_83 = arith.constant 0 : i32
      %dma_wait3A_84 = arith.constant 0 : i32
      %dma_wait3A_85 = tpu.memref_slice %arg3[%dma_wait3A_83, %dma_wait3A_84] : memref<10000x128xf32, #tpu.memory_space<hbm>> -> memref<10000x128xf32, #tpu.memory_space<hbm>>
      tpu.wait_indirect_dma semaphore(%arg15 : memref<!tpu.dma_semaphore, #tpu.memory_space<semaphore_mem>>) src(%dma_wait3A_85 : memref<10000x128xf32, #tpu.memory_space<hbm>>) dst(%arg13 : memref<128x128xf32, #tpu.memory_space<vmem>>)
      %dma_wait3A_86 = tpu.memref_slice %arg11[%mul3A_65] : memref<2480xi32, #tpu.memory_space<vmem>> -> memref<128xi32, #tpu.memory_space<vmem>>
      %dma_wait3A_87 = arith.constant 0 : i32
      %dma_wait3A_88 = arith.constant 0 : i32
      %dma_wait3A_89 = tpu.memref_slice %arg4[%dma_wait3A_87, %dma_wait3A_88] : memref<10000x128xf32, #tpu.memory_space<hbm>> -> memref<10000x128xf32, #tpu.memory_space<hbm>>
      tpu.wait_indirect_dma semaphore(%arg15 : memref<!tpu.dma_semaphore, #tpu.memory_space<semaphore_mem>>) src(%dma_wait3A_89 : memref<10000x128xf32, #tpu.memory_space<hbm>>) dst(%arg14 : memref<128x128xf32, #tpu.memory_space<vmem>>)
      %dma_start3A_90 = arith.constant 0 : i32
      %dma_start3A_91 = tpu.memref_slice %arg7[%add3A_63, %dma_start3A_90] : memref<79360x128xf32, #tpu.memory_space<hbm>> -> memref<128x128xf32, #tpu.memory_space<hbm>>
      %dma_start3A_92 = arith.constant 0 : i32
      %dma_start3A_93 = tpu.memref_slice %arg7[%add3A_63, %dma_start3A_92] : memref<79360x128xf32, #tpu.memory_space<hbm>> -> memref<128x128xf32, #tpu.memory_space<hbm>>
      tpu.enqueue_dma source(%arg12 : memref<128x128xf32, #tpu.memory_space<vmem>>) target(%dma_start3A_93 : memref<128x128xf32, #tpu.memory_space<hbm>>) target_semaphore(%arg16 : memref<!tpu.dma_semaphore, #tpu.memory_space<semaphore_mem>>)
      %dma_start3A_94 = arith.constant 0 : i32
      %dma_start3A_95 = tpu.memref_slice %arg8[%add3A_63, %dma_start3A_94] : memref<79360x128xf32, #tpu.memory_space<hbm>> -> memref<128x128xf32, #tpu.memory_space<hbm>>
      %dma_start3A_96 = arith.constant 0 : i32
      %dma_start3A_97 = tpu.memref_slice %arg8[%add3A_63, %dma_start3A_96] : memref<79360x128xf32, #tpu.memory_space<hbm>> -> memref<128x128xf32, #tpu.memory_space<hbm>>
      tpu.enqueue_dma source(%arg13 : memref<128x128xf32, #tpu.memory_space<vmem>>) target(%dma_start3A_97 : memref<128x128xf32, #tpu.memory_space<hbm>>) target_semaphore(%arg16 : memref<!tpu.dma_semaphore, #tpu.memory_space<semaphore_mem>>)
      %dma_start3A_98 = arith.constant 0 : i32
      %dma_start3A_99 = tpu.memref_slice %arg9[%add3A_63, %dma_start3A_98] : memref<79360x128xf32, #tpu.memory_space<hbm>> -> memref<128x128xf32, #tpu.memory_space<hbm>>
      %dma_start3A_100 = arith.constant 0 : i32
      %dma_start3A_101 = tpu.memref_slice %arg9[%add3A_63, %dma_start3A_100] : memref<79360x128xf32, #tpu.memory_space<hbm>> -> memref<128x128xf32, #tpu.memory_space<hbm>>
      tpu.enqueue_dma source(%arg14 : memref<128x128xf32, #tpu.memory_space<vmem>>) target(%dma_start3A_101 : memref<128x128xf32, #tpu.memory_space<hbm>>) target_semaphore(%arg16 : memref<!tpu.dma_semaphore, #tpu.memory_space<semaphore_mem>>)
      %dma_wait3A_102 = arith.constant 0 : i32
      %dma_wait3A_103 = tpu.memref_slice %arg7[%add3A_63, %dma_wait3A_102] : memref<79360x128xf32, #tpu.memory_space<hbm>> -> memref<128x128xf32, #tpu.memory_space<hbm>>
      %dma_wait3A_104 = arith.constant 0 : i32
      %dma_wait3A_105 = tpu.memref_slice %arg7[%add3A_63, %dma_wait3A_104] : memref<79360x128xf32, #tpu.memory_space<hbm>> -> memref<128x128xf32, #tpu.memory_space<hbm>>
      tpu.wait_dma2 semaphore(%arg16 : memref<!tpu.dma_semaphore, #tpu.memory_space<semaphore_mem>>) src(%arg12 : memref<128x128xf32, #tpu.memory_space<vmem>>) dst(%dma_wait3A_105 : memref<128x128xf32, #tpu.memory_space<hbm>>)
      %dma_wait3A_106 = arith.constant 0 : i32
      %dma_wait3A_107 = tpu.memref_slice %arg8[%add3A_63, %dma_wait3A_106] : memref<79360x128xf32, #tpu.memory_space<hbm>> -> memref<128x128xf32, #tpu.memory_space<hbm>>
      %dma_wait3A_108 = arith.constant 0 : i32
      %dma_wait3A_109 = tpu.memref_slice %arg8[%add3A_63, %dma_wait3A_108] : memref<79360x128xf32, #tpu.memory_space<hbm>> -> memref<128x128xf32, #tpu.memory_space<hbm>>
      tpu.wait_dma2 semaphore(%arg16 : memref<!tpu.dma_semaphore, #tpu.memory_space<semaphore_mem>>) src(%arg13 : memref<128x128xf32, #tpu.memory_space<vmem>>) dst(%dma_wait3A_109 : memref<128x128xf32, #tpu.memory_space<hbm>>)
      %dma_wait3A_110 = arith.constant 0 : i32
      %dma_wait3A_111 = tpu.memref_slice %arg9[%add3A_63, %dma_wait3A_110] : memref<79360x128xf32, #tpu.memory_space<hbm>> -> memref<128x128xf32, #tpu.memory_space<hbm>>
      %dma_wait3A_112 = arith.constant 0 : i32
      %dma_wait3A_113 = tpu.memref_slice %arg9[%add3A_63, %dma_wait3A_112] : memref<79360x128xf32, #tpu.memory_space<hbm>> -> memref<128x128xf32, #tpu.memory_space<hbm>>
      tpu.wait_dma2 semaphore(%arg16 : memref<!tpu.dma_semaphore, #tpu.memory_space<semaphore_mem>>) src(%arg14 : memref<128x128xf32, #tpu.memory_space<vmem>>) dst(%dma_wait3A_113 : memref<128x128xf32, #tpu.memory_space<hbm>>)
    }
    %scan3A_11 = arith.constant 19 : i32
    %add3A_12 = arith.constant 2432 : i32
    %add3A_13 = arith.addi %mul3A_6, %add3A_12 : i32
    %dma_start3A = arith.constant 0 : i32
    %dma_start3A_14 = arith.constant 0 : i32
    %dma_start3A_15 = tpu.memref_slice %arg12[%dma_start3A, %dma_start3A_14] : memref<128x128xf32, #tpu.memory_space<vmem>> -> memref<48x128xf32, #tpu.memory_space<vmem>>
    %dma_start3A_16 = arith.constant 2432 : i32
    %dma_start3A_17 = tpu.memref_slice %arg10[%dma_start3A_16] : memref<2480xi32, #tpu.memory_space<vmem>> -> memref<48xi32, #tpu.memory_space<vmem>>
    %dma_start3A_18 = arith.constant 0 : i32
    %dma_start3A_19 = arith.constant 0 : i32
    %dma_start3A_20 = tpu.memref_slice %arg2[%dma_start3A_18, %dma_start3A_19] : memref<10000x128xf32, #tpu.memory_space<hbm>> -> memref<10000x128xf32, #tpu.memory_space<hbm>>
    tpu.enqueue_indirect_dma source(%dma_start3A_20 : memref<10000x128xf32, #tpu.memory_space<hbm>>) target(%dma_start3A_15 : memref<48x128xf32, #tpu.memory_space<vmem>>) offsets(%dma_start3A_17 : memref<48xi32, #tpu.memory_space<vmem>>) semaphore(%arg15 : memref<!tpu.dma_semaphore, #tpu.memory_space<semaphore_mem>>)
    %dma_start3A_21 = arith.constant 0 : i32
    %dma_start3A_22 = arith.constant 0 : i32
    %dma_start3A_23 = tpu.memref_slice %arg13[%dma_start3A_21, %dma_start3A_22] : memref<128x128xf32, #tpu.memory_space<vmem>> -> memref<48x128xf32, #tpu.memory_space<vmem>>
    %dma_start3A_24 = arith.constant 2432 : i32
    %dma_start3A_25 = tpu.memref_slice %arg11[%dma_start3A_24] : memref<2480xi32, #tpu.memory_space<vmem>> -> memref<48xi32, #tpu.memory_space<vmem>>
    %dma_start3A_26 = arith.constant 0 : i32
    %dma_start3A_27 = arith.constant 0 : i32
    %dma_start3A_28 = tpu.memref_slice %arg3[%dma_start3A_26, %dma_start3A_27] : memref<10000x128xf32, #tpu.memory_space<hbm>> -> memref<10000x128xf32, #tpu.memory_space<hbm>>
    tpu.enqueue_indirect_dma source(%dma_start3A_28 : memref<10000x128xf32, #tpu.memory_space<hbm>>) target(%dma_start3A_23 : memref<48x128xf32, #tpu.memory_space<vmem>>) offsets(%dma_start3A_25 : memref<48xi32, #tpu.memory_space<vmem>>) semaphore(%arg15 : memref<!tpu.dma_semaphore, #tpu.memory_space<semaphore_mem>>)
    %dma_start3A_29 = arith.constant 0 : i32
    %dma_start3A_30 = arith.constant 0 : i32
    %dma_start3A_31 = tpu.memref_slice %arg14[%dma_start3A_29, %dma_start3A_30] : memref<128x128xf32, #tpu.memory_space<vmem>> -> memref<48x128xf32, #tpu.memory_space<vmem>>
    %dma_start3A_32 = arith.constant 2432 : i32
    %dma_start3A_33 = tpu.memref_slice %arg11[%dma_start3A_32] : memref<2480xi32, #tpu.memory_space<vmem>> -> memref<48xi32, #tpu.memory_space<vmem>>
    %dma_start3A_34 = arith.constant 0 : i32
    %dma_start3A_35 = arith.constant 0 : i32
    %dma_start3A_36 = tpu.memref_slice %arg4[%dma_start3A_34, %dma_start3A_35] : memref<10000x128xf32, #tpu.memory_space<hbm>> -> memref<10000x128xf32, #tpu.memory_space<hbm>>
    tpu.enqueue_indirect_dma source(%dma_start3A_36 : memref<10000x128xf32, #tpu.memory_space<hbm>>) target(%dma_start3A_31 : memref<48x128xf32, #tpu.memory_space<vmem>>) offsets(%dma_start3A_33 : memref<48xi32, #tpu.memory_space<vmem>>) semaphore(%arg15 : memref<!tpu.dma_semaphore, #tpu.memory_space<semaphore_mem>>)
    %dma_wait3A = arith.constant 0 : i32
    %dma_wait3A_37 = arith.constant 0 : i32
    %dma_wait3A_38 = tpu.memref_slice %arg12[%dma_wait3A, %dma_wait3A_37] : memref<128x128xf32, #tpu.memory_space<vmem>> -> memref<48x128xf32, #tpu.memory_space<vmem>>
    %dma_wait3A_39 = arith.constant 2432 : i32
    %dma_wait3A_40 = tpu.memref_slice %arg10[%dma_wait3A_39] : memref<2480xi32, #tpu.memory_space<vmem>> -> memref<48xi32, #tpu.memory_space<vmem>>
    %dma_wait3A_41 = arith.constant 0 : i32
    %dma_wait3A_42 = arith.constant 0 : i32
    %dma_wait3A_43 = tpu.memref_slice %arg2[%dma_wait3A_41, %dma_wait3A_42] : memref<10000x128xf32, #tpu.memory_space<hbm>> -> memref<10000x128xf32, #tpu.memory_space<hbm>>
    tpu.wait_indirect_dma semaphore(%arg15 : memref<!tpu.dma_semaphore, #tpu.memory_space<semaphore_mem>>) src(%dma_wait3A_43 : memref<10000x128xf32, #tpu.memory_space<hbm>>) dst(%dma_wait3A_38 : memref<48x128xf32, #tpu.memory_space<vmem>>)
    %dma_wait3A_44 = arith.constant 0 : i32
    %dma_wait3A_45 = arith.constant 0 : i32
    %dma_wait3A_46 = tpu.memref_slice %arg13[%dma_wait3A_44, %dma_wait3A_45] : memref<128x128xf32, #tpu.memory_space<vmem>> -> memref<48x128xf32, #tpu.memory_space<vmem>>
    %dma_wait3A_47 = arith.constant 2432 : i32
    %dma_wait3A_48 = tpu.memref_slice %arg11[%dma_wait3A_47] : memref<2480xi32, #tpu.memory_space<vmem>> -> memref<48xi32, #tpu.memory_space<vmem>>
    %dma_wait3A_49 = arith.constant 0 : i32
    %dma_wait3A_50 = arith.constant 0 : i32
    %dma_wait3A_51 = tpu.memref_slice %arg3[%dma_wait3A_49, %dma_wait3A_50] : memref<10000x128xf32, #tpu.memory_space<hbm>> -> memref<10000x128xf32, #tpu.memory_space<hbm>>
    tpu.wait_indirect_dma semaphore(%arg15 : memref<!tpu.dma_semaphore, #tpu.memory_space<semaphore_mem>>) src(%dma_wait3A_51 : memref<10000x128xf32, #tpu.memory_space<hbm>>) dst(%dma_wait3A_46 : memref<48x128xf32, #tpu.memory_space<vmem>>)
    %dma_wait3A_52 = arith.constant 0 : i32
    %dma_wait3A_53 = arith.constant 0 : i32
    %dma_wait3A_54 = tpu.memref_slice %arg14[%dma_wait3A_52, %dma_wait3A_53] : memref<128x128xf32, #tpu.memory_space<vmem>> -> memref<48x128xf32, #tpu.memory_space<vmem>>
    %dma_wait3A_55 = arith.constant 2432 : i32
    %dma_wait3A_56 = tpu.memref_slice %arg11[%dma_wait3A_55] : memref<2480xi32, #tpu.memory_space<vmem>> -> memref<48xi32, #tpu.memory_space<vmem>>
    %dma_wait3A_57 = arith.constant 0 : i32
    %dma_wait3A_58 = arith.constant 0 : i32
    %dma_wait3A_59 = tpu.memref_slice %arg4[%dma_wait3A_57, %dma_wait3A_58] : memref<10000x128xf32, #tpu.memory_space<hbm>> -> memref<10000x128xf32, #tpu.memory_space<hbm>>
    tpu.wait_indirect_dma semaphore(%arg15 : memref<!tpu.dma_semaphore, #tpu.memory_space<semaphore_mem>>) src(%dma_wait3A_59 : memref<10000x128xf32, #tpu.memory_space<hbm>>) dst(%dma_wait3A_54 : memref<48x128xf32, #tpu.memory_space<vmem>>)
    "tpu.region"() ({
      %run_scoped3A = tpu.sem_alloc : memref<!tpu.dma_semaphore, #tpu.memory_space<semaphore_mem>>
      %dma_start3A_60 = arith.constant 0 : i32
      %dma_start3A_61 = arith.constant 0 : i32
      %dma_start3A_62 = tpu.memref_slice %arg12[%dma_start3A_60, %dma_start3A_61] : memref<128x128xf32, #tpu.memory_space<vmem>> -> memref<48x128xf32, #tpu.memory_space<vmem>>
      %dma_start3A_63 = arith.constant 0 : i32
      %dma_start3A_64 = tpu.memref_slice %arg7[%add3A_13, %dma_start3A_63] : memref<79360x128xf32, #tpu.memory_space<hbm>> -> memref<48x128xf32, #tpu.memory_space<hbm>>
      %dma_start3A_65 = arith.constant 0 : i32
      %dma_start3A_66 = tpu.memref_slice %arg7[%add3A_13, %dma_start3A_65] : memref<79360x128xf32, #tpu.memory_space<hbm>> -> memref<48x128xf32, #tpu.memory_space<hbm>>
      %dma_start3A_67 = arith.constant 0 : i32
      %dma_start3A_68 = arith.constant 0 : i32
      %dma_start3A_69 = tpu.memref_slice %arg12[%dma_start3A_67, %dma_start3A_68] : memref<128x128xf32, #tpu.memory_space<vmem>> -> memref<48x128xf32, #tpu.memory_space<vmem>>
      tpu.enqueue_dma source(%dma_start3A_69 : memref<48x128xf32, #tpu.memory_space<vmem>>) target(%dma_start3A_66 : memref<48x128xf32, #tpu.memory_space<hbm>>) target_semaphore(%run_scoped3A : memref<!tpu.dma_semaphore, #tpu.memory_space<semaphore_mem>>)
      %dma_wait3A_70 = arith.constant 0 : i32
      %dma_wait3A_71 = arith.constant 0 : i32
      %dma_wait3A_72 = tpu.memref_slice %arg12[%dma_wait3A_70, %dma_wait3A_71] : memref<128x128xf32, #tpu.memory_space<vmem>> -> memref<48x128xf32, #tpu.memory_space<vmem>>
      %dma_wait3A_73 = arith.constant 0 : i32
      %dma_wait3A_74 = tpu.memref_slice %arg7[%add3A_13, %dma_wait3A_73] : memref<79360x128xf32, #tpu.memory_space<hbm>> -> memref<48x128xf32, #tpu.memory_space<hbm>>
      %dma_wait3A_75 = arith.constant 0 : i32
      %dma_wait3A_76 = tpu.memref_slice %arg7[%add3A_13, %dma_wait3A_75] : memref<79360x128xf32, #tpu.memory_space<hbm>> -> memref<48x128xf32, #tpu.memory_space<hbm>>
      %dma_wait3A_77 = arith.constant 0 : i32
      %dma_wait3A_78 = arith.constant 0 : i32
      %dma_wait3A_79 = tpu.memref_slice %arg12[%dma_wait3A_77, %dma_wait3A_78] : memref<128x128xf32, #tpu.memory_space<vmem>> -> memref<48x128xf32, #tpu.memory_space<vmem>>
      tpu.wait_dma2 semaphore(%run_scoped3A : memref<!tpu.dma_semaphore, #tpu.memory_space<semaphore_mem>>) src(%dma_wait3A_79 : memref<48x128xf32, #tpu.memory_space<vmem>>) dst(%dma_wait3A_76 : memref<48x128xf32, #tpu.memory_space<hbm>>)
      tpu.yield
    }) : () -> ()
    "tpu.region"() ({
      %run_scoped3A = tpu.sem_alloc : memref<!tpu.dma_semaphore, #tpu.memory_space<semaphore_mem>>
      %dma_start3A_60 = arith.constant 0 : i32
      %dma_start3A_61 = arith.constant 0 : i32
      %dma_start3A_62 = tpu.memref_slice %arg13[%dma_start3A_60, %dma_start3A_61] : memref<128x128xf32, #tpu.memory_space<vmem>> -> memref<48x128xf32, #tpu.memory_space<vmem>>
      %dma_start3A_63 = arith.constant 0 : i32
      %dma_start3A_64 = tpu.memref_slice %arg8[%add3A_13, %dma_start3A_63] : memref<79360x128xf32, #tpu.memory_space<hbm>> -> memref<48x128xf32, #tpu.memory_space<hbm>>
      %dma_start3A_65 = arith.constant 0 : i32
      %dma_start3A_66 = tpu.memref_slice %arg8[%add3A_13, %dma_start3A_65] : memref<79360x128xf32, #tpu.memory_space<hbm>> -> memref<48x128xf32, #tpu.memory_space<hbm>>
      %dma_start3A_67 = arith.constant 0 : i32
      %dma_start3A_68 = arith.constant 0 : i32
      %dma_start3A_69 = tpu.memref_slice %arg13[%dma_start3A_67, %dma_start3A_68] : memref<128x128xf32, #tpu.memory_space<vmem>> -> memref<48x128xf32, #tpu.memory_space<vmem>>
      tpu.enqueue_dma source(%dma_start3A_69 : memref<48x128xf32, #tpu.memory_space<vmem>>) target(%dma_start3A_66 : memref<48x128xf32, #tpu.memory_space<hbm>>) target_semaphore(%run_scoped3A : memref<!tpu.dma_semaphore, #tpu.memory_space<semaphore_mem>>)
      %dma_wait3A_70 = arith.constant 0 : i32
      %dma_wait3A_71 = arith.constant 0 : i32
      %dma_wait3A_72 = tpu.memref_slice %arg13[%dma_wait3A_70, %dma_wait3A_71] : memref<128x128xf32, #tpu.memory_space<vmem>> -> memref<48x128xf32, #tpu.memory_space<vmem>>
      %dma_wait3A_73 = arith.constant 0 : i32
      %dma_wait3A_74 = tpu.memref_slice %arg8[%add3A_13, %dma_wait3A_73] : memref<79360x128xf32, #tpu.memory_space<hbm>> -> memref<48x128xf32, #tpu.memory_space<hbm>>
      %dma_wait3A_75 = arith.constant 0 : i32
      %dma_wait3A_76 = tpu.memref_slice %arg8[%add3A_13, %dma_wait3A_75] : memref<79360x128xf32, #tpu.memory_space<hbm>> -> memref<48x128xf32, #tpu.memory_space<hbm>>
      %dma_wait3A_77 = arith.constant 0 : i32
      %dma_wait3A_78 = arith.constant 0 : i32
      %dma_wait3A_79 = tpu.memref_slice %arg13[%dma_wait3A_77, %dma_wait3A_78] : memref<128x128xf32, #tpu.memory_space<vmem>> -> memref<48x128xf32, #tpu.memory_space<vmem>>
      tpu.wait_dma2 semaphore(%run_scoped3A : memref<!tpu.dma_semaphore, #tpu.memory_space<semaphore_mem>>) src(%dma_wait3A_79 : memref<48x128xf32, #tpu.memory_space<vmem>>) dst(%dma_wait3A_76 : memref<48x128xf32, #tpu.memory_space<hbm>>)
      tpu.yield
    }) : () -> ()
    "tpu.region"() ({
      %run_scoped3A = tpu.sem_alloc : memref<!tpu.dma_semaphore, #tpu.memory_space<semaphore_mem>>
      %dma_start3A_60 = arith.constant 0 : i32
      %dma_start3A_61 = arith.constant 0 : i32
      %dma_start3A_62 = tpu.memref_slice %arg14[%dma_start3A_60, %dma_start3A_61] : memref<128x128xf32, #tpu.memory_space<vmem>> -> memref<48x128xf32, #tpu.memory_space<vmem>>
      %dma_start3A_63 = arith.constant 0 : i32
      %dma_start3A_64 = tpu.memref_slice %arg9[%add3A_13, %dma_start3A_63] : memref<79360x128xf32, #tpu.memory_space<hbm>> -> memref<48x128xf32, #tpu.memory_space<hbm>>
      %dma_start3A_65 = arith.constant 0 : i32
      %dma_start3A_66 = tpu.memref_slice %arg9[%add3A_13, %dma_start3A_65] : memref<79360x128xf32, #tpu.memory_space<hbm>> -> memref<48x128xf32, #tpu.memory_space<hbm>>
      %dma_start3A_67 = arith.constant 0 : i32
      %dma_start3A_68 = arith.constant 0 : i32
      %dma_start3A_69 = tpu.memref_slice %arg14[%dma_start3A_67, %dma_start3A_68] : memref<128x128xf32, #tpu.memory_space<vmem>> -> memref<48x128xf32, #tpu.memory_space<vmem>>
      tpu.enqueue_dma source(%dma_start3A_69 : memref<48x128xf32, #tpu.memory_space<vmem>>) target(%dma_start3A_66 : memref<48x128xf32, #tpu.memory_space<hbm>>) target_semaphore(%run_scoped3A : memref<!tpu.dma_semaphore, #tpu.memory_space<semaphore_mem>>)
      %dma_wait3A_70 = arith.constant 0 : i32
      %dma_wait3A_71 = arith.constant 0 : i32
      %dma_wait3A_72 = tpu.memref_slice %arg14[%dma_wait3A_70, %dma_wait3A_71] : memref<128x128xf32, #tpu.memory_space<vmem>> -> memref<48x128xf32, #tpu.memory_space<vmem>>
      %dma_wait3A_73 = arith.constant 0 : i32
      %dma_wait3A_74 = tpu.memref_slice %arg9[%add3A_13, %dma_wait3A_73] : memref<79360x128xf32, #tpu.memory_space<hbm>> -> memref<48x128xf32, #tpu.memory_space<hbm>>
      %dma_wait3A_75 = arith.constant 0 : i32
      %dma_wait3A_76 = tpu.memref_slice %arg9[%add3A_13, %dma_wait3A_75] : memref<79360x128xf32, #tpu.memory_space<hbm>> -> memref<48x128xf32, #tpu.memory_space<hbm>>
      %dma_wait3A_77 = arith.constant 0 : i32
      %dma_wait3A_78 = arith.constant 0 : i32
      %dma_wait3A_79 = tpu.memref_slice %arg14[%dma_wait3A_77, %dma_wait3A_78] : memref<128x128xf32, #tpu.memory_space<vmem>> -> memref<48x128xf32, #tpu.memory_space<vmem>>
      tpu.wait_dma2 semaphore(%run_scoped3A : memref<!tpu.dma_semaphore, #tpu.memory_space<semaphore_mem>>) src(%dma_wait3A_79 : memref<48x128xf32, #tpu.memory_space<vmem>>) dst(%dma_wait3A_76 : memref<48x128xf32, #tpu.memory_space<hbm>>)
      tpu.yield
    }) : () -> ()
    return
  }
}

#map = affine_map<(d0, d1) -> (0, 0)>
#map1 = affine_map<(d0, d1) -> (0)>
module attributes {stable_mosaic.version = 14 : i64} {
  func.func @_gather_body(%arg0: i32, %arg1: i32, %arg2: memref<10000x128xf32, #tpu.memory_space<hbm>>, %arg3: memref<10000x128xf32, #tpu.memory_space<hbm>>, %arg4: memref<10000x128xf32, #tpu.memory_space<hbm>>, %arg5: memref<160000xi32, #tpu.memory_space<hbm>>, %arg6: memref<160000xi32, #tpu.memory_space<hbm>>, %arg7: memref<80640x128xf32, #tpu.memory_space<hbm>>, %arg8: memref<80640x128xf32, #tpu.memory_space<hbm>>, %arg9: memref<80640x128xf32, #tpu.memory_space<hbm>>, %arg10: memref<2520xi32, #tpu.memory_space<vmem>>, %arg11: memref<2520xi32, #tpu.memory_space<vmem>>, %arg12: memref<128x128xf32, #tpu.memory_space<vmem>>, %arg13: memref<128x128xf32, #tpu.memory_space<vmem>>, %arg14: memref<128x128xf32, #tpu.memory_space<vmem>>, %arg15: memref<!tpu.dma_semaphore, #tpu.memory_space<semaphore_mem>>, %arg16: memref<!tpu.dma_semaphore, #tpu.memory_space<semaphore_mem>>) attributes {dimension_semantics = [#tpu.dimension_semantics<core_parallel>, #tpu.dimension_semantics<subcore_parallel>], iteration_bounds = array<i64: 2, 16>, scalar_prefetch = 0 : i64, scratch_operands = 7 : i64, tpu.core_type = #tpu.core_type<sc_vector_subcore>, window_params = [{transform_indices = #map}, {transform_indices = #map}, {transform_indices = #map}, {transform_indices = #map1}, {transform_indices = #map1}, {transform_indices = #map}, {transform_indices = #map}, {transform_indices = #map}]} {
    %mul3A = arith.constant 2 : i32
    %mul3A_0 = arith.muli %arg1, %mul3A : i32
    %add3A = arith.addi %mul3A_0, %arg0 : i32
    %mul3A_1 = arith.constant 2520 : i32
    %mul3A_2 = arith.muli %add3A, %mul3A_1 : i32
    %add3A_3 = arith.constant 0 : i32
    %add3A_4 = arith.addi %add3A_3, %mul3A_2 : i32
    %mul3A_5 = arith.constant 2520 : i32
    %mul3A_6 = arith.muli %add3A, %mul3A_5 : i32
    "tpu.region"() ({
      %run_scoped3A = tpu.sem_alloc : memref<!tpu.dma_semaphore, #tpu.memory_space<semaphore_mem>>
      %dma_start3A_60 = tpu.memref_slice %arg5[%add3A_4] : memref<160000xi32, #tpu.memory_space<hbm>> -> memref<2520xi32, #tpu.memory_space<hbm>>
      %dma_start3A_61 = tpu.memref_slice %arg5[%add3A_4] : memref<160000xi32, #tpu.memory_space<hbm>> -> memref<2520xi32, #tpu.memory_space<hbm>>
      tpu.enqueue_dma source(%dma_start3A_61 : memref<2520xi32, #tpu.memory_space<hbm>>) target(%arg10 : memref<2520xi32, #tpu.memory_space<vmem>>) target_semaphore(%run_scoped3A : memref<!tpu.dma_semaphore, #tpu.memory_space<semaphore_mem>>)
      %dma_wait3A_62 = tpu.memref_slice %arg5[%add3A_4] : memref<160000xi32, #tpu.memory_space<hbm>> -> memref<2520xi32, #tpu.memory_space<hbm>>
      %dma_wait3A_63 = tpu.memref_slice %arg5[%add3A_4] : memref<160000xi32, #tpu.memory_space<hbm>> -> memref<2520xi32, #tpu.memory_space<hbm>>
      tpu.wait_dma2 semaphore(%run_scoped3A : memref<!tpu.dma_semaphore, #tpu.memory_space<semaphore_mem>>) src(%dma_wait3A_63 : memref<2520xi32, #tpu.memory_space<hbm>>) dst(%arg10 : memref<2520xi32, #tpu.memory_space<vmem>>)
      tpu.yield
    }) : () -> ()
    "tpu.region"() ({
      %run_scoped3A = tpu.sem_alloc : memref<!tpu.dma_semaphore, #tpu.memory_space<semaphore_mem>>
      %dma_start3A_60 = tpu.memref_slice %arg6[%add3A_4] : memref<160000xi32, #tpu.memory_space<hbm>> -> memref<2520xi32, #tpu.memory_space<hbm>>
      %dma_start3A_61 = tpu.memref_slice %arg6[%add3A_4] : memref<160000xi32, #tpu.memory_space<hbm>> -> memref<2520xi32, #tpu.memory_space<hbm>>
      tpu.enqueue_dma source(%dma_start3A_61 : memref<2520xi32, #tpu.memory_space<hbm>>) target(%arg11 : memref<2520xi32, #tpu.memory_space<vmem>>) target_semaphore(%run_scoped3A : memref<!tpu.dma_semaphore, #tpu.memory_space<semaphore_mem>>)
      %dma_wait3A_62 = tpu.memref_slice %arg6[%add3A_4] : memref<160000xi32, #tpu.memory_space<hbm>> -> memref<2520xi32, #tpu.memory_space<hbm>>
      %dma_wait3A_63 = tpu.memref_slice %arg6[%add3A_4] : memref<160000xi32, #tpu.memory_space<hbm>> -> memref<2520xi32, #tpu.memory_space<hbm>>
      tpu.wait_dma2 semaphore(%run_scoped3A : memref<!tpu.dma_semaphore, #tpu.memory_space<semaphore_mem>>) src(%dma_wait3A_63 : memref<2520xi32, #tpu.memory_space<hbm>>) dst(%arg11 : memref<2520xi32, #tpu.memory_space<vmem>>)
      tpu.yield
    }) : () -> ()
    %scan3A = arith.constant 0 : i32
    %scan3A_7 = arith.constant 0 : i32
    %scan3A_8 = arith.constant 19 : i32
    %scan3A_9 = arith.addi %scan3A_7, %scan3A_8 : i32
    %scan3A_10 = arith.constant 1 : i32
    scf.for %scan3A_60 = %scan3A_7 to %scan3A_9 step %scan3A_10  : i32 {
      %mul3A_61 = arith.constant 128 : i32
      %mul3A_62 = arith.muli %scan3A_60, %mul3A_61 : i32
      %add3A_63 = arith.addi %mul3A_6, %mul3A_62 : i32
      %mul3A_64 = arith.constant 128 : i32
      %mul3A_65 = arith.muli %scan3A_60, %mul3A_64 : i32
      %dma_start3A_66 = tpu.memref_slice %arg10[%mul3A_65] : memref<2520xi32, #tpu.memory_space<vmem>> -> memref<128xi32, #tpu.memory_space<vmem>>
      %dma_start3A_67 = arith.constant 0 : i32
      %dma_start3A_68 = arith.constant 0 : i32
      %dma_start3A_69 = tpu.memref_slice %arg2[%dma_start3A_67, %dma_start3A_68] : memref<10000x128xf32, #tpu.memory_space<hbm>> -> memref<10000x128xf32, #tpu.memory_space<hbm>>
      tpu.enqueue_indirect_dma source(%dma_start3A_69 : memref<10000x128xf32, #tpu.memory_space<hbm>>) target(%arg12 : memref<128x128xf32, #tpu.memory_space<vmem>>) offsets(%dma_start3A_66 : memref<128xi32, #tpu.memory_space<vmem>>) semaphore(%arg15 : memref<!tpu.dma_semaphore, #tpu.memory_space<semaphore_mem>>)
      %dma_start3A_70 = tpu.memref_slice %arg11[%mul3A_65] : memref<2520xi32, #tpu.memory_space<vmem>> -> memref<128xi32, #tpu.memory_space<vmem>>
      %dma_start3A_71 = arith.constant 0 : i32
      %dma_start3A_72 = arith.constant 0 : i32
      %dma_start3A_73 = tpu.memref_slice %arg3[%dma_start3A_71, %dma_start3A_72] : memref<10000x128xf32, #tpu.memory_space<hbm>> -> memref<10000x128xf32, #tpu.memory_space<hbm>>
      tpu.enqueue_indirect_dma source(%dma_start3A_73 : memref<10000x128xf32, #tpu.memory_space<hbm>>) target(%arg13 : memref<128x128xf32, #tpu.memory_space<vmem>>) offsets(%dma_start3A_70 : memref<128xi32, #tpu.memory_space<vmem>>) semaphore(%arg15 : memref<!tpu.dma_semaphore, #tpu.memory_space<semaphore_mem>>)
      %dma_start3A_74 = tpu.memref_slice %arg11[%mul3A_65] : memref<2520xi32, #tpu.memory_space<vmem>> -> memref<128xi32, #tpu.memory_space<vmem>>
      %dma_start3A_75 = arith.constant 0 : i32
      %dma_start3A_76 = arith.constant 0 : i32
      %dma_start3A_77 = tpu.memref_slice %arg4[%dma_start3A_75, %dma_start3A_76] : memref<10000x128xf32, #tpu.memory_space<hbm>> -> memref<10000x128xf32, #tpu.memory_space<hbm>>
      tpu.enqueue_indirect_dma source(%dma_start3A_77 : memref<10000x128xf32, #tpu.memory_space<hbm>>) target(%arg14 : memref<128x128xf32, #tpu.memory_space<vmem>>) offsets(%dma_start3A_74 : memref<128xi32, #tpu.memory_space<vmem>>) semaphore(%arg15 : memref<!tpu.dma_semaphore, #tpu.memory_space<semaphore_mem>>)
      %dma_wait3A_78 = tpu.memref_slice %arg10[%mul3A_65] : memref<2520xi32, #tpu.memory_space<vmem>> -> memref<128xi32, #tpu.memory_space<vmem>>
      %dma_wait3A_79 = arith.constant 0 : i32
      %dma_wait3A_80 = arith.constant 0 : i32
      %dma_wait3A_81 = tpu.memref_slice %arg2[%dma_wait3A_79, %dma_wait3A_80] : memref<10000x128xf32, #tpu.memory_space<hbm>> -> memref<10000x128xf32, #tpu.memory_space<hbm>>
      tpu.wait_indirect_dma semaphore(%arg15 : memref<!tpu.dma_semaphore, #tpu.memory_space<semaphore_mem>>) src(%dma_wait3A_81 : memref<10000x128xf32, #tpu.memory_space<hbm>>) dst(%arg12 : memref<128x128xf32, #tpu.memory_space<vmem>>)
      %dma_wait3A_82 = tpu.memref_slice %arg11[%mul3A_65] : memref<2520xi32, #tpu.memory_space<vmem>> -> memref<128xi32, #tpu.memory_space<vmem>>
      %dma_wait3A_83 = arith.constant 0 : i32
      %dma_wait3A_84 = arith.constant 0 : i32
      %dma_wait3A_85 = tpu.memref_slice %arg3[%dma_wait3A_83, %dma_wait3A_84] : memref<10000x128xf32, #tpu.memory_space<hbm>> -> memref<10000x128xf32, #tpu.memory_space<hbm>>
      tpu.wait_indirect_dma semaphore(%arg15 : memref<!tpu.dma_semaphore, #tpu.memory_space<semaphore_mem>>) src(%dma_wait3A_85 : memref<10000x128xf32, #tpu.memory_space<hbm>>) dst(%arg13 : memref<128x128xf32, #tpu.memory_space<vmem>>)
      %dma_wait3A_86 = tpu.memref_slice %arg11[%mul3A_65] : memref<2520xi32, #tpu.memory_space<vmem>> -> memref<128xi32, #tpu.memory_space<vmem>>
      %dma_wait3A_87 = arith.constant 0 : i32
      %dma_wait3A_88 = arith.constant 0 : i32
      %dma_wait3A_89 = tpu.memref_slice %arg4[%dma_wait3A_87, %dma_wait3A_88] : memref<10000x128xf32, #tpu.memory_space<hbm>> -> memref<10000x128xf32, #tpu.memory_space<hbm>>
      tpu.wait_indirect_dma semaphore(%arg15 : memref<!tpu.dma_semaphore, #tpu.memory_space<semaphore_mem>>) src(%dma_wait3A_89 : memref<10000x128xf32, #tpu.memory_space<hbm>>) dst(%arg14 : memref<128x128xf32, #tpu.memory_space<vmem>>)
      %dma_start3A_90 = arith.constant 0 : i32
      %dma_start3A_91 = tpu.memref_slice %arg7[%add3A_63, %dma_start3A_90] : memref<80640x128xf32, #tpu.memory_space<hbm>> -> memref<128x128xf32, #tpu.memory_space<hbm>>
      %dma_start3A_92 = arith.constant 0 : i32
      %dma_start3A_93 = tpu.memref_slice %arg7[%add3A_63, %dma_start3A_92] : memref<80640x128xf32, #tpu.memory_space<hbm>> -> memref<128x128xf32, #tpu.memory_space<hbm>>
      tpu.enqueue_dma source(%arg12 : memref<128x128xf32, #tpu.memory_space<vmem>>) target(%dma_start3A_93 : memref<128x128xf32, #tpu.memory_space<hbm>>) target_semaphore(%arg16 : memref<!tpu.dma_semaphore, #tpu.memory_space<semaphore_mem>>)
      %dma_start3A_94 = arith.constant 0 : i32
      %dma_start3A_95 = tpu.memref_slice %arg8[%add3A_63, %dma_start3A_94] : memref<80640x128xf32, #tpu.memory_space<hbm>> -> memref<128x128xf32, #tpu.memory_space<hbm>>
      %dma_start3A_96 = arith.constant 0 : i32
      %dma_start3A_97 = tpu.memref_slice %arg8[%add3A_63, %dma_start3A_96] : memref<80640x128xf32, #tpu.memory_space<hbm>> -> memref<128x128xf32, #tpu.memory_space<hbm>>
      tpu.enqueue_dma source(%arg13 : memref<128x128xf32, #tpu.memory_space<vmem>>) target(%dma_start3A_97 : memref<128x128xf32, #tpu.memory_space<hbm>>) target_semaphore(%arg16 : memref<!tpu.dma_semaphore, #tpu.memory_space<semaphore_mem>>)
      %dma_start3A_98 = arith.constant 0 : i32
      %dma_start3A_99 = tpu.memref_slice %arg9[%add3A_63, %dma_start3A_98] : memref<80640x128xf32, #tpu.memory_space<hbm>> -> memref<128x128xf32, #tpu.memory_space<hbm>>
      %dma_start3A_100 = arith.constant 0 : i32
      %dma_start3A_101 = tpu.memref_slice %arg9[%add3A_63, %dma_start3A_100] : memref<80640x128xf32, #tpu.memory_space<hbm>> -> memref<128x128xf32, #tpu.memory_space<hbm>>
      tpu.enqueue_dma source(%arg14 : memref<128x128xf32, #tpu.memory_space<vmem>>) target(%dma_start3A_101 : memref<128x128xf32, #tpu.memory_space<hbm>>) target_semaphore(%arg16 : memref<!tpu.dma_semaphore, #tpu.memory_space<semaphore_mem>>)
      %dma_wait3A_102 = arith.constant 0 : i32
      %dma_wait3A_103 = tpu.memref_slice %arg7[%add3A_63, %dma_wait3A_102] : memref<80640x128xf32, #tpu.memory_space<hbm>> -> memref<128x128xf32, #tpu.memory_space<hbm>>
      %dma_wait3A_104 = arith.constant 0 : i32
      %dma_wait3A_105 = tpu.memref_slice %arg7[%add3A_63, %dma_wait3A_104] : memref<80640x128xf32, #tpu.memory_space<hbm>> -> memref<128x128xf32, #tpu.memory_space<hbm>>
      tpu.wait_dma2 semaphore(%arg16 : memref<!tpu.dma_semaphore, #tpu.memory_space<semaphore_mem>>) src(%arg12 : memref<128x128xf32, #tpu.memory_space<vmem>>) dst(%dma_wait3A_105 : memref<128x128xf32, #tpu.memory_space<hbm>>)
      %dma_wait3A_106 = arith.constant 0 : i32
      %dma_wait3A_107 = tpu.memref_slice %arg8[%add3A_63, %dma_wait3A_106] : memref<80640x128xf32, #tpu.memory_space<hbm>> -> memref<128x128xf32, #tpu.memory_space<hbm>>
      %dma_wait3A_108 = arith.constant 0 : i32
      %dma_wait3A_109 = tpu.memref_slice %arg8[%add3A_63, %dma_wait3A_108] : memref<80640x128xf32, #tpu.memory_space<hbm>> -> memref<128x128xf32, #tpu.memory_space<hbm>>
      tpu.wait_dma2 semaphore(%arg16 : memref<!tpu.dma_semaphore, #tpu.memory_space<semaphore_mem>>) src(%arg13 : memref<128x128xf32, #tpu.memory_space<vmem>>) dst(%dma_wait3A_109 : memref<128x128xf32, #tpu.memory_space<hbm>>)
      %dma_wait3A_110 = arith.constant 0 : i32
      %dma_wait3A_111 = tpu.memref_slice %arg9[%add3A_63, %dma_wait3A_110] : memref<80640x128xf32, #tpu.memory_space<hbm>> -> memref<128x128xf32, #tpu.memory_space<hbm>>
      %dma_wait3A_112 = arith.constant 0 : i32
      %dma_wait3A_113 = tpu.memref_slice %arg9[%add3A_63, %dma_wait3A_112] : memref<80640x128xf32, #tpu.memory_space<hbm>> -> memref<128x128xf32, #tpu.memory_space<hbm>>
      tpu.wait_dma2 semaphore(%arg16 : memref<!tpu.dma_semaphore, #tpu.memory_space<semaphore_mem>>) src(%arg14 : memref<128x128xf32, #tpu.memory_space<vmem>>) dst(%dma_wait3A_113 : memref<128x128xf32, #tpu.memory_space<hbm>>)
    }
    %scan3A_11 = arith.constant 19 : i32
    %add3A_12 = arith.constant 2432 : i32
    %add3A_13 = arith.addi %mul3A_6, %add3A_12 : i32
    %dma_start3A = arith.constant 0 : i32
    %dma_start3A_14 = arith.constant 0 : i32
    %dma_start3A_15 = tpu.memref_slice %arg12[%dma_start3A, %dma_start3A_14] : memref<128x128xf32, #tpu.memory_space<vmem>> -> memref<88x128xf32, #tpu.memory_space<vmem>>
    %dma_start3A_16 = arith.constant 2432 : i32
    %dma_start3A_17 = tpu.memref_slice %arg10[%dma_start3A_16] : memref<2520xi32, #tpu.memory_space<vmem>> -> memref<88xi32, #tpu.memory_space<vmem>>
    %dma_start3A_18 = arith.constant 0 : i32
    %dma_start3A_19 = arith.constant 0 : i32
    %dma_start3A_20 = tpu.memref_slice %arg2[%dma_start3A_18, %dma_start3A_19] : memref<10000x128xf32, #tpu.memory_space<hbm>> -> memref<10000x128xf32, #tpu.memory_space<hbm>>
    tpu.enqueue_indirect_dma source(%dma_start3A_20 : memref<10000x128xf32, #tpu.memory_space<hbm>>) target(%dma_start3A_15 : memref<88x128xf32, #tpu.memory_space<vmem>>) offsets(%dma_start3A_17 : memref<88xi32, #tpu.memory_space<vmem>>) semaphore(%arg15 : memref<!tpu.dma_semaphore, #tpu.memory_space<semaphore_mem>>)
    %dma_start3A_21 = arith.constant 0 : i32
    %dma_start3A_22 = arith.constant 0 : i32
    %dma_start3A_23 = tpu.memref_slice %arg13[%dma_start3A_21, %dma_start3A_22] : memref<128x128xf32, #tpu.memory_space<vmem>> -> memref<88x128xf32, #tpu.memory_space<vmem>>
    %dma_start3A_24 = arith.constant 2432 : i32
    %dma_start3A_25 = tpu.memref_slice %arg11[%dma_start3A_24] : memref<2520xi32, #tpu.memory_space<vmem>> -> memref<88xi32, #tpu.memory_space<vmem>>
    %dma_start3A_26 = arith.constant 0 : i32
    %dma_start3A_27 = arith.constant 0 : i32
    %dma_start3A_28 = tpu.memref_slice %arg3[%dma_start3A_26, %dma_start3A_27] : memref<10000x128xf32, #tpu.memory_space<hbm>> -> memref<10000x128xf32, #tpu.memory_space<hbm>>
    tpu.enqueue_indirect_dma source(%dma_start3A_28 : memref<10000x128xf32, #tpu.memory_space<hbm>>) target(%dma_start3A_23 : memref<88x128xf32, #tpu.memory_space<vmem>>) offsets(%dma_start3A_25 : memref<88xi32, #tpu.memory_space<vmem>>) semaphore(%arg15 : memref<!tpu.dma_semaphore, #tpu.memory_space<semaphore_mem>>)
    %dma_start3A_29 = arith.constant 0 : i32
    %dma_start3A_30 = arith.constant 0 : i32
    %dma_start3A_31 = tpu.memref_slice %arg14[%dma_start3A_29, %dma_start3A_30] : memref<128x128xf32, #tpu.memory_space<vmem>> -> memref<88x128xf32, #tpu.memory_space<vmem>>
    %dma_start3A_32 = arith.constant 2432 : i32
    %dma_start3A_33 = tpu.memref_slice %arg11[%dma_start3A_32] : memref<2520xi32, #tpu.memory_space<vmem>> -> memref<88xi32, #tpu.memory_space<vmem>>
    %dma_start3A_34 = arith.constant 0 : i32
    %dma_start3A_35 = arith.constant 0 : i32
    %dma_start3A_36 = tpu.memref_slice %arg4[%dma_start3A_34, %dma_start3A_35] : memref<10000x128xf32, #tpu.memory_space<hbm>> -> memref<10000x128xf32, #tpu.memory_space<hbm>>
    tpu.enqueue_indirect_dma source(%dma_start3A_36 : memref<10000x128xf32, #tpu.memory_space<hbm>>) target(%dma_start3A_31 : memref<88x128xf32, #tpu.memory_space<vmem>>) offsets(%dma_start3A_33 : memref<88xi32, #tpu.memory_space<vmem>>) semaphore(%arg15 : memref<!tpu.dma_semaphore, #tpu.memory_space<semaphore_mem>>)
    %dma_wait3A = arith.constant 0 : i32
    %dma_wait3A_37 = arith.constant 0 : i32
    %dma_wait3A_38 = tpu.memref_slice %arg12[%dma_wait3A, %dma_wait3A_37] : memref<128x128xf32, #tpu.memory_space<vmem>> -> memref<88x128xf32, #tpu.memory_space<vmem>>
    %dma_wait3A_39 = arith.constant 2432 : i32
    %dma_wait3A_40 = tpu.memref_slice %arg10[%dma_wait3A_39] : memref<2520xi32, #tpu.memory_space<vmem>> -> memref<88xi32, #tpu.memory_space<vmem>>
    %dma_wait3A_41 = arith.constant 0 : i32
    %dma_wait3A_42 = arith.constant 0 : i32
    %dma_wait3A_43 = tpu.memref_slice %arg2[%dma_wait3A_41, %dma_wait3A_42] : memref<10000x128xf32, #tpu.memory_space<hbm>> -> memref<10000x128xf32, #tpu.memory_space<hbm>>
    tpu.wait_indirect_dma semaphore(%arg15 : memref<!tpu.dma_semaphore, #tpu.memory_space<semaphore_mem>>) src(%dma_wait3A_43 : memref<10000x128xf32, #tpu.memory_space<hbm>>) dst(%dma_wait3A_38 : memref<88x128xf32, #tpu.memory_space<vmem>>)
    %dma_wait3A_44 = arith.constant 0 : i32
    %dma_wait3A_45 = arith.constant 0 : i32
    %dma_wait3A_46 = tpu.memref_slice %arg13[%dma_wait3A_44, %dma_wait3A_45] : memref<128x128xf32, #tpu.memory_space<vmem>> -> memref<88x128xf32, #tpu.memory_space<vmem>>
    %dma_wait3A_47 = arith.constant 2432 : i32
    %dma_wait3A_48 = tpu.memref_slice %arg11[%dma_wait3A_47] : memref<2520xi32, #tpu.memory_space<vmem>> -> memref<88xi32, #tpu.memory_space<vmem>>
    %dma_wait3A_49 = arith.constant 0 : i32
    %dma_wait3A_50 = arith.constant 0 : i32
    %dma_wait3A_51 = tpu.memref_slice %arg3[%dma_wait3A_49, %dma_wait3A_50] : memref<10000x128xf32, #tpu.memory_space<hbm>> -> memref<10000x128xf32, #tpu.memory_space<hbm>>
    tpu.wait_indirect_dma semaphore(%arg15 : memref<!tpu.dma_semaphore, #tpu.memory_space<semaphore_mem>>) src(%dma_wait3A_51 : memref<10000x128xf32, #tpu.memory_space<hbm>>) dst(%dma_wait3A_46 : memref<88x128xf32, #tpu.memory_space<vmem>>)
    %dma_wait3A_52 = arith.constant 0 : i32
    %dma_wait3A_53 = arith.constant 0 : i32
    %dma_wait3A_54 = tpu.memref_slice %arg14[%dma_wait3A_52, %dma_wait3A_53] : memref<128x128xf32, #tpu.memory_space<vmem>> -> memref<88x128xf32, #tpu.memory_space<vmem>>
    %dma_wait3A_55 = arith.constant 2432 : i32
    %dma_wait3A_56 = tpu.memref_slice %arg11[%dma_wait3A_55] : memref<2520xi32, #tpu.memory_space<vmem>> -> memref<88xi32, #tpu.memory_space<vmem>>
    %dma_wait3A_57 = arith.constant 0 : i32
    %dma_wait3A_58 = arith.constant 0 : i32
    %dma_wait3A_59 = tpu.memref_slice %arg4[%dma_wait3A_57, %dma_wait3A_58] : memref<10000x128xf32, #tpu.memory_space<hbm>> -> memref<10000x128xf32, #tpu.memory_space<hbm>>
    tpu.wait_indirect_dma semaphore(%arg15 : memref<!tpu.dma_semaphore, #tpu.memory_space<semaphore_mem>>) src(%dma_wait3A_59 : memref<10000x128xf32, #tpu.memory_space<hbm>>) dst(%dma_wait3A_54 : memref<88x128xf32, #tpu.memory_space<vmem>>)
    "tpu.region"() ({
      %run_scoped3A = tpu.sem_alloc : memref<!tpu.dma_semaphore, #tpu.memory_space<semaphore_mem>>
      %dma_start3A_60 = arith.constant 0 : i32
      %dma_start3A_61 = arith.constant 0 : i32
      %dma_start3A_62 = tpu.memref_slice %arg12[%dma_start3A_60, %dma_start3A_61] : memref<128x128xf32, #tpu.memory_space<vmem>> -> memref<88x128xf32, #tpu.memory_space<vmem>>
      %dma_start3A_63 = arith.constant 0 : i32
      %dma_start3A_64 = tpu.memref_slice %arg7[%add3A_13, %dma_start3A_63] : memref<80640x128xf32, #tpu.memory_space<hbm>> -> memref<88x128xf32, #tpu.memory_space<hbm>>
      %dma_start3A_65 = arith.constant 0 : i32
      %dma_start3A_66 = tpu.memref_slice %arg7[%add3A_13, %dma_start3A_65] : memref<80640x128xf32, #tpu.memory_space<hbm>> -> memref<88x128xf32, #tpu.memory_space<hbm>>
      %dma_start3A_67 = arith.constant 0 : i32
      %dma_start3A_68 = arith.constant 0 : i32
      %dma_start3A_69 = tpu.memref_slice %arg12[%dma_start3A_67, %dma_start3A_68] : memref<128x128xf32, #tpu.memory_space<vmem>> -> memref<88x128xf32, #tpu.memory_space<vmem>>
      tpu.enqueue_dma source(%dma_start3A_69 : memref<88x128xf32, #tpu.memory_space<vmem>>) target(%dma_start3A_66 : memref<88x128xf32, #tpu.memory_space<hbm>>) target_semaphore(%run_scoped3A : memref<!tpu.dma_semaphore, #tpu.memory_space<semaphore_mem>>)
      %dma_wait3A_70 = arith.constant 0 : i32
      %dma_wait3A_71 = arith.constant 0 : i32
      %dma_wait3A_72 = tpu.memref_slice %arg12[%dma_wait3A_70, %dma_wait3A_71] : memref<128x128xf32, #tpu.memory_space<vmem>> -> memref<88x128xf32, #tpu.memory_space<vmem>>
      %dma_wait3A_73 = arith.constant 0 : i32
      %dma_wait3A_74 = tpu.memref_slice %arg7[%add3A_13, %dma_wait3A_73] : memref<80640x128xf32, #tpu.memory_space<hbm>> -> memref<88x128xf32, #tpu.memory_space<hbm>>
      %dma_wait3A_75 = arith.constant 0 : i32
      %dma_wait3A_76 = tpu.memref_slice %arg7[%add3A_13, %dma_wait3A_75] : memref<80640x128xf32, #tpu.memory_space<hbm>> -> memref<88x128xf32, #tpu.memory_space<hbm>>
      %dma_wait3A_77 = arith.constant 0 : i32
      %dma_wait3A_78 = arith.constant 0 : i32
      %dma_wait3A_79 = tpu.memref_slice %arg12[%dma_wait3A_77, %dma_wait3A_78] : memref<128x128xf32, #tpu.memory_space<vmem>> -> memref<88x128xf32, #tpu.memory_space<vmem>>
      tpu.wait_dma2 semaphore(%run_scoped3A : memref<!tpu.dma_semaphore, #tpu.memory_space<semaphore_mem>>) src(%dma_wait3A_79 : memref<88x128xf32, #tpu.memory_space<vmem>>) dst(%dma_wait3A_76 : memref<88x128xf32, #tpu.memory_space<hbm>>)
      tpu.yield
    }) : () -> ()
    "tpu.region"() ({
      %run_scoped3A = tpu.sem_alloc : memref<!tpu.dma_semaphore, #tpu.memory_space<semaphore_mem>>
      %dma_start3A_60 = arith.constant 0 : i32
      %dma_start3A_61 = arith.constant 0 : i32
      %dma_start3A_62 = tpu.memref_slice %arg13[%dma_start3A_60, %dma_start3A_61] : memref<128x128xf32, #tpu.memory_space<vmem>> -> memref<88x128xf32, #tpu.memory_space<vmem>>
      %dma_start3A_63 = arith.constant 0 : i32
      %dma_start3A_64 = tpu.memref_slice %arg8[%add3A_13, %dma_start3A_63] : memref<80640x128xf32, #tpu.memory_space<hbm>> -> memref<88x128xf32, #tpu.memory_space<hbm>>
      %dma_start3A_65 = arith.constant 0 : i32
      %dma_start3A_66 = tpu.memref_slice %arg8[%add3A_13, %dma_start3A_65] : memref<80640x128xf32, #tpu.memory_space<hbm>> -> memref<88x128xf32, #tpu.memory_space<hbm>>
      %dma_start3A_67 = arith.constant 0 : i32
      %dma_start3A_68 = arith.constant 0 : i32
      %dma_start3A_69 = tpu.memref_slice %arg13[%dma_start3A_67, %dma_start3A_68] : memref<128x128xf32, #tpu.memory_space<vmem>> -> memref<88x128xf32, #tpu.memory_space<vmem>>
      tpu.enqueue_dma source(%dma_start3A_69 : memref<88x128xf32, #tpu.memory_space<vmem>>) target(%dma_start3A_66 : memref<88x128xf32, #tpu.memory_space<hbm>>) target_semaphore(%run_scoped3A : memref<!tpu.dma_semaphore, #tpu.memory_space<semaphore_mem>>)
      %dma_wait3A_70 = arith.constant 0 : i32
      %dma_wait3A_71 = arith.constant 0 : i32
      %dma_wait3A_72 = tpu.memref_slice %arg13[%dma_wait3A_70, %dma_wait3A_71] : memref<128x128xf32, #tpu.memory_space<vmem>> -> memref<88x128xf32, #tpu.memory_space<vmem>>
      %dma_wait3A_73 = arith.constant 0 : i32
      %dma_wait3A_74 = tpu.memref_slice %arg8[%add3A_13, %dma_wait3A_73] : memref<80640x128xf32, #tpu.memory_space<hbm>> -> memref<88x128xf32, #tpu.memory_space<hbm>>
      %dma_wait3A_75 = arith.constant 0 : i32
      %dma_wait3A_76 = tpu.memref_slice %arg8[%add3A_13, %dma_wait3A_75] : memref<80640x128xf32, #tpu.memory_space<hbm>> -> memref<88x128xf32, #tpu.memory_space<hbm>>
      %dma_wait3A_77 = arith.constant 0 : i32
      %dma_wait3A_78 = arith.constant 0 : i32
      %dma_wait3A_79 = tpu.memref_slice %arg13[%dma_wait3A_77, %dma_wait3A_78] : memref<128x128xf32, #tpu.memory_space<vmem>> -> memref<88x128xf32, #tpu.memory_space<vmem>>
      tpu.wait_dma2 semaphore(%run_scoped3A : memref<!tpu.dma_semaphore, #tpu.memory_space<semaphore_mem>>) src(%dma_wait3A_79 : memref<88x128xf32, #tpu.memory_space<vmem>>) dst(%dma_wait3A_76 : memref<88x128xf32, #tpu.memory_space<hbm>>)
      tpu.yield
    }) : () -> ()
    "tpu.region"() ({
      %run_scoped3A = tpu.sem_alloc : memref<!tpu.dma_semaphore, #tpu.memory_space<semaphore_mem>>
      %dma_start3A_60 = arith.constant 0 : i32
      %dma_start3A_61 = arith.constant 0 : i32
      %dma_start3A_62 = tpu.memref_slice %arg14[%dma_start3A_60, %dma_start3A_61] : memref<128x128xf32, #tpu.memory_space<vmem>> -> memref<88x128xf32, #tpu.memory_space<vmem>>
      %dma_start3A_63 = arith.constant 0 : i32
      %dma_start3A_64 = tpu.memref_slice %arg9[%add3A_13, %dma_start3A_63] : memref<80640x128xf32, #tpu.memory_space<hbm>> -> memref<88x128xf32, #tpu.memory_space<hbm>>
      %dma_start3A_65 = arith.constant 0 : i32
      %dma_start3A_66 = tpu.memref_slice %arg9[%add3A_13, %dma_start3A_65] : memref<80640x128xf32, #tpu.memory_space<hbm>> -> memref<88x128xf32, #tpu.memory_space<hbm>>
      %dma_start3A_67 = arith.constant 0 : i32
      %dma_start3A_68 = arith.constant 0 : i32
      %dma_start3A_69 = tpu.memref_slice %arg14[%dma_start3A_67, %dma_start3A_68] : memref<128x128xf32, #tpu.memory_space<vmem>> -> memref<88x128xf32, #tpu.memory_space<vmem>>
      tpu.enqueue_dma source(%dma_start3A_69 : memref<88x128xf32, #tpu.memory_space<vmem>>) target(%dma_start3A_66 : memref<88x128xf32, #tpu.memory_space<hbm>>) target_semaphore(%run_scoped3A : memref<!tpu.dma_semaphore, #tpu.memory_space<semaphore_mem>>)
      %dma_wait3A_70 = arith.constant 0 : i32
      %dma_wait3A_71 = arith.constant 0 : i32
      %dma_wait3A_72 = tpu.memref_slice %arg14[%dma_wait3A_70, %dma_wait3A_71] : memref<128x128xf32, #tpu.memory_space<vmem>> -> memref<88x128xf32, #tpu.memory_space<vmem>>
      %dma_wait3A_73 = arith.constant 0 : i32
      %dma_wait3A_74 = tpu.memref_slice %arg9[%add3A_13, %dma_wait3A_73] : memref<80640x128xf32, #tpu.memory_space<hbm>> -> memref<88x128xf32, #tpu.memory_space<hbm>>
      %dma_wait3A_75 = arith.constant 0 : i32
      %dma_wait3A_76 = tpu.memref_slice %arg9[%add3A_13, %dma_wait3A_75] : memref<80640x128xf32, #tpu.memory_space<hbm>> -> memref<88x128xf32, #tpu.memory_space<hbm>>
      %dma_wait3A_77 = arith.constant 0 : i32
      %dma_wait3A_78 = arith.constant 0 : i32
      %dma_wait3A_79 = tpu.memref_slice %arg14[%dma_wait3A_77, %dma_wait3A_78] : memref<128x128xf32, #tpu.memory_space<vmem>> -> memref<88x128xf32, #tpu.memory_space<vmem>>
      tpu.wait_dma2 semaphore(%run_scoped3A : memref<!tpu.dma_semaphore, #tpu.memory_space<semaphore_mem>>) src(%dma_wait3A_79 : memref<88x128xf32, #tpu.memory_space<vmem>>) dst(%dma_wait3A_76 : memref<88x128xf32, #tpu.memory_space<hbm>>)
      tpu.yield
    }) : () -> ()
    return
  }
}

module attributes {stable_mosaic.version = 14 : i64} {
  func.func @body(%arg0: i32, %arg1: memref<640x128xf32, #tpu.memory_space<vmem>>, %arg2: memref<640x128xf32, #tpu.memory_space<vmem>>, %arg3: memref<640x128xf32, #tpu.memory_space<vmem>>, %arg4: memref<640x256xf32, #tpu.memory_space<vmem>>, %arg5: memref<128x256xf32, #tpu.memory_space<vmem>>, %arg6: memref<128x256xf32, #tpu.memory_space<vmem>>, %arg7: memref<128x256xf32, #tpu.memory_space<vmem>>, %arg8: memref<128x256xf32, #tpu.memory_space<vmem>>, %arg9: memref<128x8xf32, #tpu.memory_space<vmem>>, %arg10: memref<8x128xf32, #tpu.memory_space<vmem>>, %arg11: memref<1x1xf32, #tpu.memory_space<smem>>, %arg12: memref<640x16xf32, #tpu.memory_space<vmem>>, %arg13: memref<640x128xf32, #tpu.memory_space<vmem>>, %arg14: memref<640x128xf32, #tpu.memory_space<vmem>>, %arg15: memref<640x128xf32, #tpu.memory_space<vmem>>) attributes {dimension_semantics = [#tpu.dimension_semantics<arbitrary>], iteration_bounds = array<i64: 126>, scalar_prefetch = 0 : i64, scratch_operands = 0 : i64, tpu.core_type = #tpu.core_type<tc>, window_params = [{transform_indices = @transform_0, window_bounds = array<i64: 640, 128>}, {transform_indices = @transform_1, window_bounds = array<i64: 640, 128>}, {transform_indices = @transform_2, window_bounds = array<i64: 640, 128>}, {transform_indices = @transform_3, window_bounds = array<i64: 640, 256>}, {pipeline_mode = #tpu.pipeline_mode<synchronous>, transform_indices = @transform_4, window_bounds = array<i64: 128, 256>}, {pipeline_mode = #tpu.pipeline_mode<synchronous>, transform_indices = @transform_5, window_bounds = array<i64: 128, 256>}, {pipeline_mode = #tpu.pipeline_mode<synchronous>, transform_indices = @transform_6, window_bounds = array<i64: 128, 256>}, {pipeline_mode = #tpu.pipeline_mode<synchronous>, transform_indices = @transform_7, window_bounds = array<i64: 128, 256>}, {pipeline_mode = #tpu.pipeline_mode<synchronous>, transform_indices = @transform_8, window_bounds = array<i64: 128, 8>}, {pipeline_mode = #tpu.pipeline_mode<synchronous>, transform_indices = @transform_9, window_bounds = array<i64: 8, 128>}, {transform_indices = @transform_10, window_bounds = array<i64: 1, 1>}, {transform_indices = @transform_11, window_bounds = array<i64: 640, 16>}, {transform_indices = @transform_12, window_bounds = array<i64: 640, 128>}, {transform_indices = @transform_13, window_bounds = array<i64: 640, 128>}, {transform_indices = @transform_14, window_bounds = array<i64: 640, 128>}]} {
    %get3A = arith.constant 0 : index
    %get3A_0 = arith.constant 0 : index
    %get3A_1 = vector.load %arg4[%get3A, %get3A_0] : memref<640x256xf32, #tpu.memory_space<vmem>>, vector<640x256xf32>
    %get3A_2 = arith.constant 0 : index
    %get3A_3 = arith.constant 0 : index
    %get3A_4 = vector.load %arg5[%get3A_2, %get3A_3] : memref<128x256xf32, #tpu.memory_space<vmem>>, vector<128x256xf32>
    %dot_general3A = arith.constant dense<0.000000e+00> : vector<640x128xf32>
    %dot_general3A_5 = tpu.matmul %get3A_1, %get3A_4, %dot_general3A {dimension_numbers = #tpu.dot_dimension_numbers<[1], [1], [0], [0], [0, 0, 1, 0], [], []>, transpose_lhs_hint = false} : vector<640x256xf32>, vector<128x256xf32>, vector<640x128xf32> -> vector<640x128xf32>
    %get3A_6 = arith.constant 0 : index
    %get3A_7 = arith.constant 0 : index
    %get3A_8 = vector.load %arg6[%get3A_6, %get3A_7] : memref<128x256xf32, #tpu.memory_space<vmem>>, vector<128x256xf32>
    %dot_general3A_9 = arith.constant dense<0.000000e+00> : vector<640x128xf32>
    %dot_general3A_10 = tpu.matmul %get3A_1, %get3A_8, %dot_general3A_9 {dimension_numbers = #tpu.dot_dimension_numbers<[1], [1], [0], [0], [0, 0, 1, 0], [], []>, transpose_lhs_hint = false} : vector<640x256xf32>, vector<128x256xf32>, vector<640x128xf32> -> vector<640x128xf32>
    %get3A_11 = arith.constant 0 : index
    %get3A_12 = arith.constant 0 : index
    %get3A_13 = vector.load %arg7[%get3A_11, %get3A_12] : memref<128x256xf32, #tpu.memory_space<vmem>>, vector<128x256xf32>
    %dot_general3A_14 = arith.constant dense<0.000000e+00> : vector<640x128xf32>
    %dot_general3A_15 = tpu.matmul %get3A_1, %get3A_13, %dot_general3A_14 {dimension_numbers = #tpu.dot_dimension_numbers<[1], [1], [0], [0], [0, 0, 1, 0], [], []>, transpose_lhs_hint = false} : vector<640x256xf32>, vector<128x256xf32>, vector<640x128xf32> -> vector<640x128xf32>
    %get3A_16 = arith.constant 0 : index
    %get3A_17 = arith.constant 0 : index
    %get3A_18 = vector.load %arg8[%get3A_16, %get3A_17] : memref<128x256xf32, #tpu.memory_space<vmem>>, vector<128x256xf32>
    %dot_general3A_19 = arith.constant dense<0.000000e+00> : vector<640x128xf32>
    %dot_general3A_20 = tpu.matmul %get3A_1, %get3A_18, %dot_general3A_19 {dimension_numbers = #tpu.dot_dimension_numbers<[1], [1], [0], [0], [0, 0, 1, 0], [], []>, transpose_lhs_hint = false} : vector<640x256xf32>, vector<128x256xf32>, vector<640x128xf32> -> vector<640x128xf32>
    %get3A_21 = arith.constant 0 : index
    %get3A_22 = arith.constant 0 : index
    %get3A_23 = vector.load %arg1[%get3A_21, %get3A_22] : memref<640x128xf32, #tpu.memory_space<vmem>>, vector<640x128xf32>
    %bitcast_convert_type3A = tpu.bitcast %get3A_23 : vector<640x128xf32> -> vector<640x128xi32>
    %and3A = arith.constant -65536 : i32
    %and3A_24 = vector.broadcast %and3A : i32 to vector<640x128xi32>
    %and3A_25 = arith.andi %bitcast_convert_type3A, %and3A_24 : vector<640x128xi32>
    %bitcast_convert_type3A_26 = tpu.bitcast %and3A_25 : vector<640x128xi32> -> vector<640x128xf32>
    %shift_left3A = arith.constant 16 : i32
    %shift_left3A_27 = vector.broadcast %shift_left3A : i32 to vector<640x128xi32>
    %shift_left3A_28 = arith.shli %bitcast_convert_type3A, %shift_left3A_27 : vector<640x128xi32>
    %bitcast_convert_type3A_29 = tpu.bitcast %shift_left3A_28 : vector<640x128xi32> -> vector<640x128xf32>
    %get3A_30 = arith.constant 0 : index
    %get3A_31 = arith.constant 0 : index
    %get3A_32 = vector.load %arg2[%get3A_30, %get3A_31] : memref<640x128xf32, #tpu.memory_space<vmem>>, vector<640x128xf32>
    %bitcast_convert_type3A_33 = tpu.bitcast %get3A_32 : vector<640x128xf32> -> vector<640x128xi32>
    %and3A_34 = arith.constant -65536 : i32
    %and3A_35 = vector.broadcast %and3A_34 : i32 to vector<640x128xi32>
    %and3A_36 = arith.andi %bitcast_convert_type3A_33, %and3A_35 : vector<640x128xi32>
    %bitcast_convert_type3A_37 = tpu.bitcast %and3A_36 : vector<640x128xi32> -> vector<640x128xf32>
    %shift_left3A_38 = arith.constant 16 : i32
    %shift_left3A_39 = vector.broadcast %shift_left3A_38 : i32 to vector<640x128xi32>
    %shift_left3A_40 = arith.shli %bitcast_convert_type3A_33, %shift_left3A_39 : vector<640x128xi32>
    %bitcast_convert_type3A_41 = tpu.bitcast %shift_left3A_40 : vector<640x128xi32> -> vector<640x128xf32>
    %get3A_42 = arith.constant 0 : index
    %get3A_43 = arith.constant 0 : index
    %get3A_44 = vector.load %arg3[%get3A_42, %get3A_43] : memref<640x128xf32, #tpu.memory_space<vmem>>, vector<640x128xf32>
    %bitcast_convert_type3A_45 = tpu.bitcast %get3A_44 : vector<640x128xf32> -> vector<640x128xi32>
    %and3A_46 = arith.constant -65536 : i32
    %and3A_47 = vector.broadcast %and3A_46 : i32 to vector<640x128xi32>
    %and3A_48 = arith.andi %bitcast_convert_type3A_45, %and3A_47 : vector<640x128xi32>
    %bitcast_convert_type3A_49 = tpu.bitcast %and3A_48 : vector<640x128xi32> -> vector<640x128xf32>
    %shift_left3A_50 = arith.constant 16 : i32
    %shift_left3A_51 = vector.broadcast %shift_left3A_50 : i32 to vector<640x128xi32>
    %shift_left3A_52 = arith.shli %bitcast_convert_type3A_45, %shift_left3A_51 : vector<640x128xi32>
    %bitcast_convert_type3A_53 = tpu.bitcast %shift_left3A_52 : vector<640x128xi32> -> vector<640x128xf32>
    %add3A = arith.constant 1.000000e+00 : f32
    %add3A_54 = vector.broadcast %add3A : f32 to vector<640x128xf32>
    %add3A_55 = arith.addf %add3A_54, %dot_general3A_5 : vector<640x128xf32>
    %mul3A = arith.mulf %bitcast_convert_type3A_37, %add3A_55 : vector<640x128xf32>
    %add3A_56 = arith.addf %mul3A, %dot_general3A_15 : vector<640x128xf32>
    %add3A_57 = arith.constant 1.000000e+00 : f32
    %add3A_58 = vector.broadcast %add3A_57 : f32 to vector<640x128xf32>
    %add3A_59 = arith.addf %add3A_58, %dot_general3A_10 : vector<640x128xf32>
    %mul3A_60 = arith.mulf %bitcast_convert_type3A_41, %add3A_59 : vector<640x128xf32>
    %add3A_61 = arith.addf %mul3A_60, %dot_general3A_20 : vector<640x128xf32>
    %mul3A_62 = arith.mulf %bitcast_convert_type3A_26, %add3A_56 : vector<640x128xf32>
    %mul3A_63 = arith.mulf %bitcast_convert_type3A_29, %add3A_61 : vector<640x128xf32>
    %get3A_64 = arith.constant 0 : index
    %get3A_65 = arith.constant 0 : index
    %get3A_66 = vector.load %arg9[%get3A_64, %get3A_65] : memref<128x8xf32, #tpu.memory_space<vmem>>, vector<128x8xf32>
    %get3A_67 = arith.constant 0 : index
    %get3A_68 = arith.constant 0 : index
    %get3A_69 = memref.load %arg11[%get3A_67, %get3A_68] : memref<1x1xf32, #tpu.memory_space<smem>>
    %dot_general3A_70 = arith.constant dense<0.000000e+00> : vector<640x8xf32>
    %dot_general3A_71 = tpu.matmul %mul3A_62, %get3A_66, %dot_general3A_70 {dimension_numbers = #tpu.dot_dimension_numbers<[1], [0], [0], [1], [0, 0, 1, 1], [], []>, transpose_lhs_hint = false} : vector<640x128xf32>, vector<128x8xf32>, vector<640x8xf32> -> vector<640x8xf32>
    %mul3A_72 = vector.broadcast %get3A_69 : f32 to vector<640x8xf32>
    %mul3A_73 = arith.mulf %dot_general3A_71, %mul3A_72 : vector<640x8xf32>
    %dot_general3A_74 = arith.constant dense<0.000000e+00> : vector<640x8xf32>
    %dot_general3A_75 = tpu.matmul %mul3A_63, %get3A_66, %dot_general3A_74 {dimension_numbers = #tpu.dot_dimension_numbers<[1], [0], [0], [1], [0, 0, 1, 1], [], []>, transpose_lhs_hint = false} : vector<640x128xf32>, vector<128x8xf32>, vector<640x8xf32> -> vector<640x8xf32>
    %mul3A_76 = vector.broadcast %get3A_69 : f32 to vector<640x8xf32>
    %mul3A_77 = arith.mulf %dot_general3A_75, %mul3A_76 : vector<640x8xf32>
    %concatenate3A = tpu.concatenate %mul3A_73, %mul3A_77 in 1 : vector<640x8xf32>, vector<640x8xf32> -> vector<640x16xf32>
    %swap3A = arith.constant 0 : index
    %swap3A_78 = arith.constant 0 : index
    %swap3A_79 = vector.load %arg12[%swap3A, %swap3A_78] : memref<640x16xf32, #tpu.memory_space<vmem>>, vector<640x16xf32>
    tpu.vector_store %arg12[%swap3A, %swap3A_78], %concatenate3A {strides = array<i32>} : memref<640x16xf32, #tpu.memory_space<vmem>>, vector<640x16xf32>,
    %exp3A = math.exp %mul3A_73 : vector<640x8xf32>
    %exp3A_80 = math.exp %mul3A_77 : vector<640x8xf32>
    %broadcast_in_dim3A = arith.constant 0.000000e+00 : f32
    %broadcast_in_dim3A_81 = vector.broadcast %broadcast_in_dim3A : f32 to vector<640x112xf32>
    %concatenate3A_82 = tpu.concatenate %exp3A, %exp3A_80, %broadcast_in_dim3A_81 in 1 : vector<640x8xf32>, vector<640x8xf32>, vector<640x112xf32> -> vector<640x128xf32>
    %swap3A_83 = arith.constant 0 : index
    %swap3A_84 = arith.constant 0 : index
    %swap3A_85 = vector.load %arg13[%swap3A_83, %swap3A_84] : memref<640x128xf32, #tpu.memory_space<vmem>>, vector<640x128xf32>
    tpu.vector_store %arg13[%swap3A_83, %swap3A_84], %concatenate3A_82 {strides = array<i32>} : memref<640x128xf32, #tpu.memory_space<vmem>>, vector<640x128xf32>,
    %get3A_86 = arith.constant 0 : index
    %get3A_87 = arith.constant 0 : index
    %get3A_88 = vector.load %arg10[%get3A_86, %get3A_87] : memref<8x128xf32, #tpu.memory_space<vmem>>, vector<8x128xf32>
    %dot_general3A_89 = arith.constant dense<0.000000e+00> : vector<640x128xf32>
    %dot_general3A_90 = tpu.matmul %exp3A, %get3A_88, %dot_general3A_89 {dimension_numbers = #tpu.dot_dimension_numbers<[1], [0], [0], [1], [0, 0, 1, 1], [], []>, transpose_lhs_hint = false} : vector<640x8xf32>, vector<8x128xf32>, vector<640x128xf32> -> vector<640x128xf32>
    %mul3A_91 = arith.mulf %dot_general3A_90, %bitcast_convert_type3A_49 : vector<640x128xf32>
    %swap3A_92 = arith.constant 0 : index
    %swap3A_93 = arith.constant 0 : index
    %swap3A_94 = vector.load %arg14[%swap3A_92, %swap3A_93] : memref<640x128xf32, #tpu.memory_space<vmem>>, vector<640x128xf32>
    tpu.vector_store %arg14[%swap3A_92, %swap3A_93], %mul3A_91 {strides = array<i32>} : memref<640x128xf32, #tpu.memory_space<vmem>>, vector<640x128xf32>,
    %dot_general3A_95 = arith.constant dense<0.000000e+00> : vector<640x128xf32>
    %dot_general3A_96 = tpu.matmul %exp3A_80, %get3A_88, %dot_general3A_95 {dimension_numbers = #tpu.dot_dimension_numbers<[1], [0], [0], [1], [0, 0, 1, 1], [], []>, transpose_lhs_hint = false} : vector<640x8xf32>, vector<8x128xf32>, vector<640x128xf32> -> vector<640x128xf32>
    %mul3A_97 = arith.mulf %dot_general3A_96, %bitcast_convert_type3A_53 : vector<640x128xf32>
    %swap3A_98 = arith.constant 0 : index
    %swap3A_99 = arith.constant 0 : index
    %swap3A_100 = vector.load %arg15[%swap3A_98, %swap3A_99] : memref<640x128xf32, #tpu.memory_space<vmem>>, vector<640x128xf32>
    tpu.vector_store %arg15[%swap3A_98, %swap3A_99], %mul3A_97 {strides = array<i32>} : memref<640x128xf32, #tpu.memory_space<vmem>>, vector<640x128xf32>,
    return
  }
  func.func @transform_0(%arg0: i32) -> (i32, i32) {
    %c0_i32 = arith.constant 0 : i32
    %c0_i32_0 = arith.constant 0 : i32
    return %arg0, %c0_i32 : i32, i32
  }
  func.func @transform_1(%arg0: i32) -> (i32, i32) {
    %c0_i32 = arith.constant 0 : i32
    %c0_i32_0 = arith.constant 0 : i32
    return %arg0, %c0_i32 : i32, i32
  }
  func.func @transform_2(%arg0: i32) -> (i32, i32) {
    %c0_i32 = arith.constant 0 : i32
    %c0_i32_0 = arith.constant 0 : i32
    return %arg0, %c0_i32 : i32, i32
  }
  func.func @transform_3(%arg0: i32) -> (i32, i32) {
    %add3A = arith.constant 0 : i32
    %add3A_0 = arith.addi %arg0, %add3A : i32
    %c0_i32 = arith.constant 0 : i32
    %c0_i32_1 = arith.constant 0 : i32
    return %add3A_0, %c0_i32 : i32, i32
  }
  func.func @transform_4(%arg0: i32) -> (i32, i32) {
    %c0_i32 = arith.constant 0 : i32
    %c0_i32_0 = arith.constant 0 : i32
    %c0_i32_1 = arith.constant 0 : i32
    return %c0_i32, %c0_i32_0 : i32, i32
  }
  func.func @transform_5(%arg0: i32) -> (i32, i32) {
    %c0_i32 = arith.constant 0 : i32
    %c0_i32_0 = arith.constant 0 : i32
    %c0_i32_1 = arith.constant 0 : i32
    return %c0_i32, %c0_i32_0 : i32, i32
  }
  func.func @transform_6(%arg0: i32) -> (i32, i32) {
    %c0_i32 = arith.constant 0 : i32
    %c0_i32_0 = arith.constant 0 : i32
    %c0_i32_1 = arith.constant 0 : i32
    return %c0_i32, %c0_i32_0 : i32, i32
  }
  func.func @transform_7(%arg0: i32) -> (i32, i32) {
    %c0_i32 = arith.constant 0 : i32
    %c0_i32_0 = arith.constant 0 : i32
    %c0_i32_1 = arith.constant 0 : i32
    return %c0_i32, %c0_i32_0 : i32, i32
  }
  func.func @transform_8(%arg0: i32) -> (i32, i32) {
    %c0_i32 = arith.constant 0 : i32
    %c0_i32_0 = arith.constant 0 : i32
    %c0_i32_1 = arith.constant 0 : i32
    return %c0_i32, %c0_i32_0 : i32, i32
  }
  func.func @transform_9(%arg0: i32) -> (i32, i32) {
    %c0_i32 = arith.constant 0 : i32
    %c0_i32_0 = arith.constant 0 : i32
    %c0_i32_1 = arith.constant 0 : i32
    return %c0_i32, %c0_i32_0 : i32, i32
  }
  func.func @transform_10(%arg0: i32) -> (i32, i32) {
    %c0_i32 = arith.constant 0 : i32
    %c0_i32_0 = arith.constant 0 : i32
    %c0_i32_1 = arith.constant 0 : i32
    return %c0_i32, %c0_i32_0 : i32, i32
  }
  func.func @transform_11(%arg0: i32) -> (i32, i32) {
    %add3A = arith.constant 0 : i32
    %add3A_0 = arith.addi %arg0, %add3A : i32
    %c0_i32 = arith.constant 0 : i32
    %c0_i32_1 = arith.constant 0 : i32
    return %add3A_0, %c0_i32 : i32, i32
  }
  func.func @transform_12(%arg0: i32) -> (i32, i32) {
    %add3A = arith.constant 0 : i32
    %add3A_0 = arith.addi %arg0, %add3A : i32
    %c0_i32 = arith.constant 0 : i32
    %c0_i32_1 = arith.constant 0 : i32
    return %add3A_0, %c0_i32 : i32, i32
  }
  func.func @transform_13(%arg0: i32) -> (i32, i32) {
    %add3A = arith.constant 0 : i32
    %add3A_0 = arith.addi %arg0, %add3A : i32
    %c0_i32 = arith.constant 0 : i32
    %c0_i32_1 = arith.constant 0 : i32
    return %add3A_0, %c0_i32 : i32, i32
  }
  func.func @transform_14(%arg0: i32) -> (i32, i32) {
    %add3A = arith.constant 0 : i32
    %add3A_0 = arith.addi %arg0, %add3A : i32
    %c0_i32 = arith.constant 0 : i32
    %c0_i32_1 = arith.constant 0 : i32
    return %add3A_0, %c0_i32 : i32, i32
  }
}

module attributes {stable_mosaic.version = 14 : i64} {
  func.func @body(%arg0: i32, %arg1: memref<640x128xf32, #tpu.memory_space<vmem>>, %arg2: memref<640x128xf32, #tpu.memory_space<vmem>>, %arg3: memref<640x128xf32, #tpu.memory_space<vmem>>, %arg4: memref<640x256xf32, #tpu.memory_space<vmem>>, %arg5: memref<128x256xf32, #tpu.memory_space<vmem>>, %arg6: memref<128x256xf32, #tpu.memory_space<vmem>>, %arg7: memref<128x256xf32, #tpu.memory_space<vmem>>, %arg8: memref<128x256xf32, #tpu.memory_space<vmem>>, %arg9: memref<128x8xf32, #tpu.memory_space<vmem>>, %arg10: memref<8x128xf32, #tpu.memory_space<vmem>>, %arg11: memref<1x1xf32, #tpu.memory_space<smem>>, %arg12: memref<160000x16xf32, #tpu.memory_space<any>>, %arg13: memref<160000x128xf32, #tpu.memory_space<any>>, %arg14: memref<160000x128xf32, #tpu.memory_space<any>>, %arg15: memref<160000x128xf32, #tpu.memory_space<any>>, %arg16: memref<640x16xf32, #tpu.memory_space<vmem>>, %arg17: memref<640x128xf32, #tpu.memory_space<vmem>>, %arg18: memref<640x128xf32, #tpu.memory_space<vmem>>, %arg19: memref<640x128xf32, #tpu.memory_space<vmem>>) attributes {dimension_semantics = [#tpu.dimension_semantics<arbitrary>], iteration_bounds = array<i64: 124>, scalar_prefetch = 0 : i64, scratch_operands = 0 : i64, tpu.core_type = #tpu.core_type<tc>, window_params = [{transform_indices = @transform_0, window_bounds = array<i64: 640, 128>}, {transform_indices = @transform_1, window_bounds = array<i64: 640, 128>}, {transform_indices = @transform_2, window_bounds = array<i64: 640, 128>}, {transform_indices = @transform_3, window_bounds = array<i64: 640, 256>}, {pipeline_mode = #tpu.pipeline_mode<synchronous>, transform_indices = @transform_4, window_bounds = array<i64: 128, 256>}, {pipeline_mode = #tpu.pipeline_mode<synchronous>, transform_indices = @transform_5, window_bounds = array<i64: 128, 256>}, {pipeline_mode = #tpu.pipeline_mode<synchronous>, transform_indices = @transform_6, window_bounds = array<i64: 128, 256>}, {pipeline_mode = #tpu.pipeline_mode<synchronous>, transform_indices = @transform_7, window_bounds = array<i64: 128, 256>}, {pipeline_mode = #tpu.pipeline_mode<synchronous>, transform_indices = @transform_8, window_bounds = array<i64: 128, 8>}, {pipeline_mode = #tpu.pipeline_mode<synchronous>, transform_indices = @transform_9, window_bounds = array<i64: 8, 128>}, {transform_indices = @transform_10, window_bounds = array<i64: 1, 1>}, {}, {}, {}, {}, {transform_indices = @transform_15, window_bounds = array<i64: 640, 16>}, {transform_indices = @transform_16, window_bounds = array<i64: 640, 128>}, {transform_indices = @transform_17, window_bounds = array<i64: 640, 128>}, {transform_indices = @transform_18, window_bounds = array<i64: 640, 128>}]} {
    %get3A = arith.constant 0 : index
    %get3A_0 = arith.constant 0 : index
    %get3A_1 = vector.load %arg4[%get3A, %get3A_0] : memref<640x256xf32, #tpu.memory_space<vmem>>, vector<640x256xf32>
    %get3A_2 = arith.constant 0 : index
    %get3A_3 = arith.constant 0 : index
    %get3A_4 = vector.load %arg5[%get3A_2, %get3A_3] : memref<128x256xf32, #tpu.memory_space<vmem>>, vector<128x256xf32>
    %dot_general3A = arith.constant dense<0.000000e+00> : vector<640x128xf32>
    %dot_general3A_5 = tpu.matmul %get3A_1, %get3A_4, %dot_general3A {dimension_numbers = #tpu.dot_dimension_numbers<[1], [1], [0], [0], [0, 0, 1, 0], [], []>, transpose_lhs_hint = false} : vector<640x256xf32>, vector<128x256xf32>, vector<640x128xf32> -> vector<640x128xf32>
    %get3A_6 = arith.constant 0 : index
    %get3A_7 = arith.constant 0 : index
    %get3A_8 = vector.load %arg6[%get3A_6, %get3A_7] : memref<128x256xf32, #tpu.memory_space<vmem>>, vector<128x256xf32>
    %dot_general3A_9 = arith.constant dense<0.000000e+00> : vector<640x128xf32>
    %dot_general3A_10 = tpu.matmul %get3A_1, %get3A_8, %dot_general3A_9 {dimension_numbers = #tpu.dot_dimension_numbers<[1], [1], [0], [0], [0, 0, 1, 0], [], []>, transpose_lhs_hint = false} : vector<640x256xf32>, vector<128x256xf32>, vector<640x128xf32> -> vector<640x128xf32>
    %get3A_11 = arith.constant 0 : index
    %get3A_12 = arith.constant 0 : index
    %get3A_13 = vector.load %arg7[%get3A_11, %get3A_12] : memref<128x256xf32, #tpu.memory_space<vmem>>, vector<128x256xf32>
    %dot_general3A_14 = arith.constant dense<0.000000e+00> : vector<640x128xf32>
    %dot_general3A_15 = tpu.matmul %get3A_1, %get3A_13, %dot_general3A_14 {dimension_numbers = #tpu.dot_dimension_numbers<[1], [1], [0], [0], [0, 0, 1, 0], [], []>, transpose_lhs_hint = false} : vector<640x256xf32>, vector<128x256xf32>, vector<640x128xf32> -> vector<640x128xf32>
    %get3A_16 = arith.constant 0 : index
    %get3A_17 = arith.constant 0 : index
    %get3A_18 = vector.load %arg8[%get3A_16, %get3A_17] : memref<128x256xf32, #tpu.memory_space<vmem>>, vector<128x256xf32>
    %dot_general3A_19 = arith.constant dense<0.000000e+00> : vector<640x128xf32>
    %dot_general3A_20 = tpu.matmul %get3A_1, %get3A_18, %dot_general3A_19 {dimension_numbers = #tpu.dot_dimension_numbers<[1], [1], [0], [0], [0, 0, 1, 0], [], []>, transpose_lhs_hint = false} : vector<640x256xf32>, vector<128x256xf32>, vector<640x128xf32> -> vector<640x128xf32>
    %get3A_21 = arith.constant 0 : index
    %get3A_22 = arith.constant 0 : index
    %get3A_23 = vector.load %arg1[%get3A_21, %get3A_22] : memref<640x128xf32, #tpu.memory_space<vmem>>, vector<640x128xf32>
    %bitcast_convert_type3A = tpu.bitcast %get3A_23 : vector<640x128xf32> -> vector<640x128xi32>
    %and3A = arith.constant -65536 : i32
    %and3A_24 = vector.broadcast %and3A : i32 to vector<640x128xi32>
    %and3A_25 = arith.andi %bitcast_convert_type3A, %and3A_24 : vector<640x128xi32>
    %bitcast_convert_type3A_26 = tpu.bitcast %and3A_25 : vector<640x128xi32> -> vector<640x128xf32>
    %shift_left3A = arith.constant 16 : i32
    %shift_left3A_27 = vector.broadcast %shift_left3A : i32 to vector<640x128xi32>
    %shift_left3A_28 = arith.shli %bitcast_convert_type3A, %shift_left3A_27 : vector<640x128xi32>
    %bitcast_convert_type3A_29 = tpu.bitcast %shift_left3A_28 : vector<640x128xi32> -> vector<640x128xf32>
    %get3A_30 = arith.constant 0 : index
    %get3A_31 = arith.constant 0 : index
    %get3A_32 = vector.load %arg2[%get3A_30, %get3A_31] : memref<640x128xf32, #tpu.memory_space<vmem>>, vector<640x128xf32>
    %bitcast_convert_type3A_33 = tpu.bitcast %get3A_32 : vector<640x128xf32> -> vector<640x128xi32>
    %and3A_34 = arith.constant -65536 : i32
    %and3A_35 = vector.broadcast %and3A_34 : i32 to vector<640x128xi32>
    %and3A_36 = arith.andi %bitcast_convert_type3A_33, %and3A_35 : vector<640x128xi32>
    %bitcast_convert_type3A_37 = tpu.bitcast %and3A_36 : vector<640x128xi32> -> vector<640x128xf32>
    %shift_left3A_38 = arith.constant 16 : i32
    %shift_left3A_39 = vector.broadcast %shift_left3A_38 : i32 to vector<640x128xi32>
    %shift_left3A_40 = arith.shli %bitcast_convert_type3A_33, %shift_left3A_39 : vector<640x128xi32>
    %bitcast_convert_type3A_41 = tpu.bitcast %shift_left3A_40 : vector<640x128xi32> -> vector<640x128xf32>
    %get3A_42 = arith.constant 0 : index
    %get3A_43 = arith.constant 0 : index
    %get3A_44 = vector.load %arg3[%get3A_42, %get3A_43] : memref<640x128xf32, #tpu.memory_space<vmem>>, vector<640x128xf32>
    %bitcast_convert_type3A_45 = tpu.bitcast %get3A_44 : vector<640x128xf32> -> vector<640x128xi32>
    %and3A_46 = arith.constant -65536 : i32
    %and3A_47 = vector.broadcast %and3A_46 : i32 to vector<640x128xi32>
    %and3A_48 = arith.andi %bitcast_convert_type3A_45, %and3A_47 : vector<640x128xi32>
    %bitcast_convert_type3A_49 = tpu.bitcast %and3A_48 : vector<640x128xi32> -> vector<640x128xf32>
    %shift_left3A_50 = arith.constant 16 : i32
    %shift_left3A_51 = vector.broadcast %shift_left3A_50 : i32 to vector<640x128xi32>
    %shift_left3A_52 = arith.shli %bitcast_convert_type3A_45, %shift_left3A_51 : vector<640x128xi32>
    %bitcast_convert_type3A_53 = tpu.bitcast %shift_left3A_52 : vector<640x128xi32> -> vector<640x128xf32>
    %add3A = arith.constant 1.000000e+00 : f32
    %add3A_54 = vector.broadcast %add3A : f32 to vector<640x128xf32>
    %add3A_55 = arith.addf %add3A_54, %dot_general3A_5 : vector<640x128xf32>
    %mul3A = arith.mulf %bitcast_convert_type3A_37, %add3A_55 : vector<640x128xf32>
    %add3A_56 = arith.addf %mul3A, %dot_general3A_15 : vector<640x128xf32>
    %add3A_57 = arith.constant 1.000000e+00 : f32
    %add3A_58 = vector.broadcast %add3A_57 : f32 to vector<640x128xf32>
    %add3A_59 = arith.addf %add3A_58, %dot_general3A_10 : vector<640x128xf32>
    %mul3A_60 = arith.mulf %bitcast_convert_type3A_41, %add3A_59 : vector<640x128xf32>
    %add3A_61 = arith.addf %mul3A_60, %dot_general3A_20 : vector<640x128xf32>
    %mul3A_62 = arith.mulf %bitcast_convert_type3A_26, %add3A_56 : vector<640x128xf32>
    %mul3A_63 = arith.mulf %bitcast_convert_type3A_29, %add3A_61 : vector<640x128xf32>
    %get3A_64 = arith.constant 0 : index
    %get3A_65 = arith.constant 0 : index
    %get3A_66 = vector.load %arg9[%get3A_64, %get3A_65] : memref<128x8xf32, #tpu.memory_space<vmem>>, vector<128x8xf32>
    %get3A_67 = arith.constant 0 : index
    %get3A_68 = arith.constant 0 : index
    %get3A_69 = memref.load %arg11[%get3A_67, %get3A_68] : memref<1x1xf32, #tpu.memory_space<smem>>
    %dot_general3A_70 = arith.constant dense<0.000000e+00> : vector<640x8xf32>
    %dot_general3A_71 = tpu.matmul %mul3A_62, %get3A_66, %dot_general3A_70 {dimension_numbers = #tpu.dot_dimension_numbers<[1], [0], [0], [1], [0, 0, 1, 1], [], []>, transpose_lhs_hint = false} : vector<640x128xf32>, vector<128x8xf32>, vector<640x8xf32> -> vector<640x8xf32>
    %mul3A_72 = vector.broadcast %get3A_69 : f32 to vector<640x8xf32>
    %mul3A_73 = arith.mulf %dot_general3A_71, %mul3A_72 : vector<640x8xf32>
    %dot_general3A_74 = arith.constant dense<0.000000e+00> : vector<640x8xf32>
    %dot_general3A_75 = tpu.matmul %mul3A_63, %get3A_66, %dot_general3A_74 {dimension_numbers = #tpu.dot_dimension_numbers<[1], [0], [0], [1], [0, 0, 1, 1], [], []>, transpose_lhs_hint = false} : vector<640x128xf32>, vector<128x8xf32>, vector<640x8xf32> -> vector<640x8xf32>
    %mul3A_76 = vector.broadcast %get3A_69 : f32 to vector<640x8xf32>
    %mul3A_77 = arith.mulf %dot_general3A_75, %mul3A_76 : vector<640x8xf32>
    %concatenate3A = tpu.concatenate %mul3A_73, %mul3A_77 in 1 : vector<640x8xf32>, vector<640x8xf32> -> vector<640x16xf32>
    %swap3A = arith.constant 0 : index
    %swap3A_78 = arith.constant 0 : index
    %swap3A_79 = vector.load %arg16[%swap3A, %swap3A_78] : memref<640x16xf32, #tpu.memory_space<vmem>>, vector<640x16xf32>
    tpu.vector_store %arg16[%swap3A, %swap3A_78], %concatenate3A {strides = array<i32>} : memref<640x16xf32, #tpu.memory_space<vmem>>, vector<640x16xf32>,
    %exp3A = math.exp %mul3A_73 : vector<640x8xf32>
    %exp3A_80 = math.exp %mul3A_77 : vector<640x8xf32>
    %broadcast_in_dim3A = arith.constant 0.000000e+00 : f32
    %broadcast_in_dim3A_81 = vector.broadcast %broadcast_in_dim3A : f32 to vector<640x112xf32>
    %concatenate3A_82 = tpu.concatenate %exp3A, %exp3A_80, %broadcast_in_dim3A_81 in 1 : vector<640x8xf32>, vector<640x8xf32>, vector<640x112xf32> -> vector<640x128xf32>
    %swap3A_83 = arith.constant 0 : index
    %swap3A_84 = arith.constant 0 : index
    %swap3A_85 = vector.load %arg17[%swap3A_83, %swap3A_84] : memref<640x128xf32, #tpu.memory_space<vmem>>, vector<640x128xf32>
    tpu.vector_store %arg17[%swap3A_83, %swap3A_84], %concatenate3A_82 {strides = array<i32>} : memref<640x128xf32, #tpu.memory_space<vmem>>, vector<640x128xf32>,
    %get3A_86 = arith.constant 0 : index
    %get3A_87 = arith.constant 0 : index
    %get3A_88 = vector.load %arg10[%get3A_86, %get3A_87] : memref<8x128xf32, #tpu.memory_space<vmem>>, vector<8x128xf32>
    %dot_general3A_89 = arith.constant dense<0.000000e+00> : vector<640x128xf32>
    %dot_general3A_90 = tpu.matmul %exp3A, %get3A_88, %dot_general3A_89 {dimension_numbers = #tpu.dot_dimension_numbers<[1], [0], [0], [1], [0, 0, 1, 1], [], []>, transpose_lhs_hint = false} : vector<640x8xf32>, vector<8x128xf32>, vector<640x128xf32> -> vector<640x128xf32>
    %mul3A_91 = arith.mulf %dot_general3A_90, %bitcast_convert_type3A_49 : vector<640x128xf32>
    %swap3A_92 = arith.constant 0 : index
    %swap3A_93 = arith.constant 0 : index
    %swap3A_94 = vector.load %arg18[%swap3A_92, %swap3A_93] : memref<640x128xf32, #tpu.memory_space<vmem>>, vector<640x128xf32>
    tpu.vector_store %arg18[%swap3A_92, %swap3A_93], %mul3A_91 {strides = array<i32>} : memref<640x128xf32, #tpu.memory_space<vmem>>, vector<640x128xf32>,
    %dot_general3A_95 = arith.constant dense<0.000000e+00> : vector<640x128xf32>
    %dot_general3A_96 = tpu.matmul %exp3A_80, %get3A_88, %dot_general3A_95 {dimension_numbers = #tpu.dot_dimension_numbers<[1], [0], [0], [1], [0, 0, 1, 1], [], []>, transpose_lhs_hint = false} : vector<640x8xf32>, vector<8x128xf32>, vector<640x128xf32> -> vector<640x128xf32>
    %mul3A_97 = arith.mulf %dot_general3A_96, %bitcast_convert_type3A_53 : vector<640x128xf32>
    %swap3A_98 = arith.constant 0 : index
    %swap3A_99 = arith.constant 0 : index
    %swap3A_100 = vector.load %arg19[%swap3A_98, %swap3A_99] : memref<640x128xf32, #tpu.memory_space<vmem>>, vector<640x128xf32>
    tpu.vector_store %arg19[%swap3A_98, %swap3A_99], %mul3A_97 {strides = array<i32>} : memref<640x128xf32, #tpu.memory_space<vmem>>, vector<640x128xf32>,
    return
  }
  func.func @transform_0(%arg0: i32) -> (i32, i32) {
    %c0_i32 = arith.constant 0 : i32
    %c0_i32_0 = arith.constant 0 : i32
    return %arg0, %c0_i32 : i32, i32
  }
  func.func @transform_1(%arg0: i32) -> (i32, i32) {
    %c0_i32 = arith.constant 0 : i32
    %c0_i32_0 = arith.constant 0 : i32
    return %arg0, %c0_i32 : i32, i32
  }
  func.func @transform_2(%arg0: i32) -> (i32, i32) {
    %c0_i32 = arith.constant 0 : i32
    %c0_i32_0 = arith.constant 0 : i32
    return %arg0, %c0_i32 : i32, i32
  }
  func.func @transform_3(%arg0: i32) -> (i32, i32) {
    %add3A = arith.constant 126 : i32
    %add3A_0 = arith.addi %arg0, %add3A : i32
    %c0_i32 = arith.constant 0 : i32
    %c0_i32_1 = arith.constant 0 : i32
    return %add3A_0, %c0_i32 : i32, i32
  }
  func.func @transform_4(%arg0: i32) -> (i32, i32) {
    %c0_i32 = arith.constant 0 : i32
    %c0_i32_0 = arith.constant 0 : i32
    %c0_i32_1 = arith.constant 0 : i32
    return %c0_i32, %c0_i32_0 : i32, i32
  }
  func.func @transform_5(%arg0: i32) -> (i32, i32) {
    %c0_i32 = arith.constant 0 : i32
    %c0_i32_0 = arith.constant 0 : i32
    %c0_i32_1 = arith.constant 0 : i32
    return %c0_i32, %c0_i32_0 : i32, i32
  }
  func.func @transform_6(%arg0: i32) -> (i32, i32) {
    %c0_i32 = arith.constant 0 : i32
    %c0_i32_0 = arith.constant 0 : i32
    %c0_i32_1 = arith.constant 0 : i32
    return %c0_i32, %c0_i32_0 : i32, i32
  }
  func.func @transform_7(%arg0: i32) -> (i32, i32) {
    %c0_i32 = arith.constant 0 : i32
    %c0_i32_0 = arith.constant 0 : i32
    %c0_i32_1 = arith.constant 0 : i32
    return %c0_i32, %c0_i32_0 : i32, i32
  }
  func.func @transform_8(%arg0: i32) -> (i32, i32) {
    %c0_i32 = arith.constant 0 : i32
    %c0_i32_0 = arith.constant 0 : i32
    %c0_i32_1 = arith.constant 0 : i32
    return %c0_i32, %c0_i32_0 : i32, i32
  }
  func.func @transform_9(%arg0: i32) -> (i32, i32) {
    %c0_i32 = arith.constant 0 : i32
    %c0_i32_0 = arith.constant 0 : i32
    %c0_i32_1 = arith.constant 0 : i32
    return %c0_i32, %c0_i32_0 : i32, i32
  }
  func.func @transform_10(%arg0: i32) -> (i32, i32) {
    %c0_i32 = arith.constant 0 : i32
    %c0_i32_0 = arith.constant 0 : i32
    %c0_i32_1 = arith.constant 0 : i32
    return %c0_i32, %c0_i32_0 : i32, i32
  }
  func.func @transform_15(%arg0: i32) -> (i32, i32) {
    %add3A = arith.constant 126 : i32
    %add3A_0 = arith.addi %arg0, %add3A : i32
    %c0_i32 = arith.constant 0 : i32
    %c0_i32_1 = arith.constant 0 : i32
    return %add3A_0, %c0_i32 : i32, i32
  }
  func.func @transform_16(%arg0: i32) -> (i32, i32) {
    %add3A = arith.constant 126 : i32
    %add3A_0 = arith.addi %arg0, %add3A : i32
    %c0_i32 = arith.constant 0 : i32
    %c0_i32_1 = arith.constant 0 : i32
    return %add3A_0, %c0_i32 : i32, i32
  }
  func.func @transform_17(%arg0: i32) -> (i32, i32) {
    %add3A = arith.constant 126 : i32
    %add3A_0 = arith.addi %arg0, %add3A : i32
    %c0_i32 = arith.constant 0 : i32
    %c0_i32_1 = arith.constant 0 : i32
    return %add3A_0, %c0_i32 : i32, i32
  }
  func.func @transform_18(%arg0: i32) -> (i32, i32) {
    %add3A = arith.constant 126 : i32
    %add3A_0 = arith.addi %arg0, %add3A : i32
    %c0_i32 = arith.constant 0 : i32
    %c0_i32_1 = arith.constant 0 : i32
    return %add3A_0, %c0_i32 : i32, i32
  }
}

module attributes {stable_mosaic.version = 14 : i64} {
  func.func @_proj_body(%arg0: i32, %arg1: memref<400x256xf32, #tpu.memory_space<vmem>>, %arg2: memref<400x256xf32, #tpu.memory_space<vmem>>, %arg3: memref<128x256xf32, #tpu.memory_space<vmem>>, %arg4: memref<128x256xf32, #tpu.memory_space<vmem>>, %arg5: memref<128x256xf32, #tpu.memory_space<vmem>>, %arg6: memref<128x256xf32, #tpu.memory_space<vmem>>, %arg7: memref<128x256xf32, #tpu.memory_space<vmem>>, %arg8: memref<128x256xf32, #tpu.memory_space<vmem>>, %arg9: memref<400x128xf32, #tpu.memory_space<vmem>>, %arg10: memref<400x128xf32, #tpu.memory_space<vmem>>, %arg11: memref<400x128xf32, #tpu.memory_space<vmem>>) attributes {dimension_semantics = [#tpu.dimension_semantics<arbitrary>], iteration_bounds = array<i64: 25>, scalar_prefetch = 0 : i64, scratch_operands = 0 : i64, tpu.core_type = #tpu.core_type<tc>, window_params = [{transform_indices = @transform_0, window_bounds = array<i64: 400, 256>}, {transform_indices = @transform_1, window_bounds = array<i64: 400, 256>}, {pipeline_mode = #tpu.pipeline_mode<synchronous>, transform_indices = @transform_2, window_bounds = array<i64: 128, 256>}, {pipeline_mode = #tpu.pipeline_mode<synchronous>, transform_indices = @transform_3, window_bounds = array<i64: 128, 256>}, {pipeline_mode = #tpu.pipeline_mode<synchronous>, transform_indices = @transform_4, window_bounds = array<i64: 128, 256>}, {pipeline_mode = #tpu.pipeline_mode<synchronous>, transform_indices = @transform_5, window_bounds = array<i64: 128, 256>}, {pipeline_mode = #tpu.pipeline_mode<synchronous>, transform_indices = @transform_6, window_bounds = array<i64: 128, 256>}, {pipeline_mode = #tpu.pipeline_mode<synchronous>, transform_indices = @transform_7, window_bounds = array<i64: 128, 256>}, {transform_indices = @transform_8, window_bounds = array<i64: 400, 128>}, {transform_indices = @transform_9, window_bounds = array<i64: 400, 128>}, {transform_indices = @transform_10, window_bounds = array<i64: 400, 128>}]} {
    %get3A = arith.constant 0 : index
    %get3A_0 = arith.constant 0 : index
    %get3A_1 = vector.load %arg1[%get3A, %get3A_0] : memref<400x256xf32, #tpu.memory_space<vmem>>, vector<400x256xf32>
    %get3A_2 = arith.constant 0 : index
    %get3A_3 = arith.constant 0 : index
    %get3A_4 = vector.load %arg2[%get3A_2, %get3A_3] : memref<400x256xf32, #tpu.memory_space<vmem>>, vector<400x256xf32>
    %get3A_5 = arith.constant 0 : index
    %get3A_6 = arith.constant 0 : index
    %get3A_7 = vector.load %arg3[%get3A_5, %get3A_6] : memref<128x256xf32, #tpu.memory_space<vmem>>, vector<128x256xf32>
    %dot_general3A = arith.constant dense<0.000000e+00> : vector<400x128xf32>
    %dot_general3A_8 = tpu.matmul %get3A_1, %get3A_7, %dot_general3A {dimension_numbers = #tpu.dot_dimension_numbers<[1], [1], [0], [0], [0, 0, 1, 0], [], []>, transpose_lhs_hint = false} : vector<400x256xf32>, vector<128x256xf32>, vector<400x128xf32> -> vector<400x128xf32>
    %get3A_9 = arith.constant 0 : index
    %get3A_10 = arith.constant 0 : index
    %get3A_11 = vector.load %arg4[%get3A_9, %get3A_10] : memref<128x256xf32, #tpu.memory_space<vmem>>, vector<128x256xf32>
    %dot_general3A_12 = arith.constant dense<0.000000e+00> : vector<400x128xf32>
    %dot_general3A_13 = tpu.matmul %get3A_1, %get3A_11, %dot_general3A_12 {dimension_numbers = #tpu.dot_dimension_numbers<[1], [1], [0], [0], [0, 0, 1, 0], [], []>, transpose_lhs_hint = false} : vector<400x256xf32>, vector<128x256xf32>, vector<400x128xf32> -> vector<400x128xf32>
    %bitcast_convert_type3A = tpu.bitcast %dot_general3A_8 : vector<400x128xf32> -> vector<400x128xi32>
    %add3A = arith.constant 32767 : i32
    %add3A_14 = vector.broadcast %add3A : i32 to vector<400x128xi32>
    %add3A_15 = arith.addi %bitcast_convert_type3A, %add3A_14 : vector<400x128xi32>
    %shift_right_logical3A = arith.constant 16 : i32
    %shift_right_logical3A_16 = vector.broadcast %shift_right_logical3A : i32 to vector<400x128xi32>
    %shift_right_logical3A_17 = arith.shrui %bitcast_convert_type3A, %shift_right_logical3A_16 : vector<400x128xi32>
    %and3A = arith.constant 1 : i32
    %and3A_18 = vector.broadcast %and3A : i32 to vector<400x128xi32>
    %and3A_19 = arith.andi %shift_right_logical3A_17, %and3A_18 : vector<400x128xi32>
    %add3A_20 = arith.addi %add3A_15, %and3A_19 : vector<400x128xi32>
    %and3A_21 = arith.constant -65536 : i32
    %and3A_22 = vector.broadcast %and3A_21 : i32 to vector<400x128xi32>
    %and3A_23 = arith.andi %add3A_20, %and3A_22 : vector<400x128xi32>
    %bitcast_convert_type3A_24 = tpu.bitcast %dot_general3A_13 : vector<400x128xf32> -> vector<400x128xi32>
    %add3A_25 = arith.constant 32767 : i32
    %add3A_26 = vector.broadcast %add3A_25 : i32 to vector<400x128xi32>
    %add3A_27 = arith.addi %bitcast_convert_type3A_24, %add3A_26 : vector<400x128xi32>
    %shift_right_logical3A_28 = arith.constant 16 : i32
    %shift_right_logical3A_29 = vector.broadcast %shift_right_logical3A_28 : i32 to vector<400x128xi32>
    %shift_right_logical3A_30 = arith.shrui %bitcast_convert_type3A_24, %shift_right_logical3A_29 : vector<400x128xi32>
    %and3A_31 = arith.constant 1 : i32
    %and3A_32 = vector.broadcast %and3A_31 : i32 to vector<400x128xi32>
    %and3A_33 = arith.andi %shift_right_logical3A_30, %and3A_32 : vector<400x128xi32>
    %add3A_34 = arith.addi %add3A_27, %and3A_33 : vector<400x128xi32>
    %and3A_35 = arith.constant -65536 : i32
    %and3A_36 = vector.broadcast %and3A_35 : i32 to vector<400x128xi32>
    %and3A_37 = arith.andi %add3A_34, %and3A_36 : vector<400x128xi32>
    %shift_right_logical3A_38 = arith.constant 16 : i32
    %shift_right_logical3A_39 = vector.broadcast %shift_right_logical3A_38 : i32 to vector<400x128xi32>
    %shift_right_logical3A_40 = arith.shrui %and3A_37, %shift_right_logical3A_39 : vector<400x128xi32>
    %or3A = arith.ori %and3A_23, %shift_right_logical3A_40 : vector<400x128xi32>
    %bitcast_convert_type3A_41 = tpu.bitcast %or3A : vector<400x128xi32> -> vector<400x128xf32>
    %swap3A = arith.constant 0 : index
    %swap3A_42 = arith.constant 0 : index
    %swap3A_43 = vector.load %arg9[%swap3A, %swap3A_42] : memref<400x128xf32, #tpu.memory_space<vmem>>, vector<400x128xf32>
    tpu.vector_store %arg9[%swap3A, %swap3A_42], %bitcast_convert_type3A_41 {strides = array<i32>} : memref<400x128xf32, #tpu.memory_space<vmem>>, vector<400x128xf32>,
    %get3A_44 = arith.constant 0 : index
    %get3A_45 = arith.constant 0 : index
    %get3A_46 = vector.load %arg5[%get3A_44, %get3A_45] : memref<128x256xf32, #tpu.memory_space<vmem>>, vector<128x256xf32>
    %dot_general3A_47 = arith.constant dense<0.000000e+00> : vector<400x128xf32>
    %dot_general3A_48 = tpu.matmul %get3A_4, %get3A_46, %dot_general3A_47 {dimension_numbers = #tpu.dot_dimension_numbers<[1], [1], [0], [0], [0, 0, 1, 0], [], []>, transpose_lhs_hint = false} : vector<400x256xf32>, vector<128x256xf32>, vector<400x128xf32> -> vector<400x128xf32>
    %get3A_49 = arith.constant 0 : index
    %get3A_50 = arith.constant 0 : index
    %get3A_51 = vector.load %arg6[%get3A_49, %get3A_50] : memref<128x256xf32, #tpu.memory_space<vmem>>, vector<128x256xf32>
    %dot_general3A_52 = arith.constant dense<0.000000e+00> : vector<400x128xf32>
    %dot_general3A_53 = tpu.matmul %get3A_4, %get3A_51, %dot_general3A_52 {dimension_numbers = #tpu.dot_dimension_numbers<[1], [1], [0], [0], [0, 0, 1, 0], [], []>, transpose_lhs_hint = false} : vector<400x256xf32>, vector<128x256xf32>, vector<400x128xf32> -> vector<400x128xf32>
    %bitcast_convert_type3A_54 = tpu.bitcast %dot_general3A_48 : vector<400x128xf32> -> vector<400x128xi32>
    %add3A_55 = arith.constant 32767 : i32
    %add3A_56 = vector.broadcast %add3A_55 : i32 to vector<400x128xi32>
    %add3A_57 = arith.addi %bitcast_convert_type3A_54, %add3A_56 : vector<400x128xi32>
    %shift_right_logical3A_58 = arith.constant 16 : i32
    %shift_right_logical3A_59 = vector.broadcast %shift_right_logical3A_58 : i32 to vector<400x128xi32>
    %shift_right_logical3A_60 = arith.shrui %bitcast_convert_type3A_54, %shift_right_logical3A_59 : vector<400x128xi32>
    %and3A_61 = arith.constant 1 : i32
    %and3A_62 = vector.broadcast %and3A_61 : i32 to vector<400x128xi32>
    %and3A_63 = arith.andi %shift_right_logical3A_60, %and3A_62 : vector<400x128xi32>
    %add3A_64 = arith.addi %add3A_57, %and3A_63 : vector<400x128xi32>
    %and3A_65 = arith.constant -65536 : i32
    %and3A_66 = vector.broadcast %and3A_65 : i32 to vector<400x128xi32>
    %and3A_67 = arith.andi %add3A_64, %and3A_66 : vector<400x128xi32>
    %bitcast_convert_type3A_68 = tpu.bitcast %dot_general3A_53 : vector<400x128xf32> -> vector<400x128xi32>
    %add3A_69 = arith.constant 32767 : i32
    %add3A_70 = vector.broadcast %add3A_69 : i32 to vector<400x128xi32>
    %add3A_71 = arith.addi %bitcast_convert_type3A_68, %add3A_70 : vector<400x128xi32>
    %shift_right_logical3A_72 = arith.constant 16 : i32
    %shift_right_logical3A_73 = vector.broadcast %shift_right_logical3A_72 : i32 to vector<400x128xi32>
    %shift_right_logical3A_74 = arith.shrui %bitcast_convert_type3A_68, %shift_right_logical3A_73 : vector<400x128xi32>
    %and3A_75 = arith.constant 1 : i32
    %and3A_76 = vector.broadcast %and3A_75 : i32 to vector<400x128xi32>
    %and3A_77 = arith.andi %shift_right_logical3A_74, %and3A_76 : vector<400x128xi32>
    %add3A_78 = arith.addi %add3A_71, %and3A_77 : vector<400x128xi32>
    %and3A_79 = arith.constant -65536 : i32
    %and3A_80 = vector.broadcast %and3A_79 : i32 to vector<400x128xi32>
    %and3A_81 = arith.andi %add3A_78, %and3A_80 : vector<400x128xi32>
    %shift_right_logical3A_82 = arith.constant 16 : i32
    %shift_right_logical3A_83 = vector.broadcast %shift_right_logical3A_82 : i32 to vector<400x128xi32>
    %shift_right_logical3A_84 = arith.shrui %and3A_81, %shift_right_logical3A_83 : vector<400x128xi32>
    %or3A_85 = arith.ori %and3A_67, %shift_right_logical3A_84 : vector<400x128xi32>
    %bitcast_convert_type3A_86 = tpu.bitcast %or3A_85 : vector<400x128xi32> -> vector<400x128xf32>
    %swap3A_87 = arith.constant 0 : index
    %swap3A_88 = arith.constant 0 : index
    %swap3A_89 = vector.load %arg10[%swap3A_87, %swap3A_88] : memref<400x128xf32, #tpu.memory_space<vmem>>, vector<400x128xf32>
    tpu.vector_store %arg10[%swap3A_87, %swap3A_88], %bitcast_convert_type3A_86 {strides = array<i32>} : memref<400x128xf32, #tpu.memory_space<vmem>>, vector<400x128xf32>,
    %get3A_90 = arith.constant 0 : index
    %get3A_91 = arith.constant 0 : index
    %get3A_92 = vector.load %arg7[%get3A_90, %get3A_91] : memref<128x256xf32, #tpu.memory_space<vmem>>, vector<128x256xf32>
    %dot_general3A_93 = arith.constant dense<0.000000e+00> : vector<400x128xf32>
    %dot_general3A_94 = tpu.matmul %get3A_4, %get3A_92, %dot_general3A_93 {dimension_numbers = #tpu.dot_dimension_numbers<[1], [1], [0], [0], [0, 0, 1, 0], [], []>, transpose_lhs_hint = false} : vector<400x256xf32>, vector<128x256xf32>, vector<400x128xf32> -> vector<400x128xf32>
    %get3A_95 = arith.constant 0 : index
    %get3A_96 = arith.constant 0 : index
    %get3A_97 = vector.load %arg8[%get3A_95, %get3A_96] : memref<128x256xf32, #tpu.memory_space<vmem>>, vector<128x256xf32>
    %dot_general3A_98 = arith.constant dense<0.000000e+00> : vector<400x128xf32>
    %dot_general3A_99 = tpu.matmul %get3A_4, %get3A_97, %dot_general3A_98 {dimension_numbers = #tpu.dot_dimension_numbers<[1], [1], [0], [0], [0, 0, 1, 0], [], []>, transpose_lhs_hint = false} : vector<400x256xf32>, vector<128x256xf32>, vector<400x128xf32> -> vector<400x128xf32>
    %bitcast_convert_type3A_100 = tpu.bitcast %dot_general3A_94 : vector<400x128xf32> -> vector<400x128xi32>
    %add3A_101 = arith.constant 32767 : i32
    %add3A_102 = vector.broadcast %add3A_101 : i32 to vector<400x128xi32>
    %add3A_103 = arith.addi %bitcast_convert_type3A_100, %add3A_102 : vector<400x128xi32>
    %shift_right_logical3A_104 = arith.constant 16 : i32
    %shift_right_logical3A_105 = vector.broadcast %shift_right_logical3A_104 : i32 to vector<400x128xi32>
    %shift_right_logical3A_106 = arith.shrui %bitcast_convert_type3A_100, %shift_right_logical3A_105 : vector<400x128xi32>
    %and3A_107 = arith.constant 1 : i32
    %and3A_108 = vector.broadcast %and3A_107 : i32 to vector<400x128xi32>
    %and3A_109 = arith.andi %shift_right_logical3A_106, %and3A_108 : vector<400x128xi32>
    %add3A_110 = arith.addi %add3A_103, %and3A_109 : vector<400x128xi32>
    %and3A_111 = arith.constant -65536 : i32
    %and3A_112 = vector.broadcast %and3A_111 : i32 to vector<400x128xi32>
    %and3A_113 = arith.andi %add3A_110, %and3A_112 : vector<400x128xi32>
    %bitcast_convert_type3A_114 = tpu.bitcast %dot_general3A_99 : vector<400x128xf32> -> vector<400x128xi32>
    %add3A_115 = arith.constant 32767 : i32
    %add3A_116 = vector.broadcast %add3A_115 : i32 to vector<400x128xi32>
    %add3A_117 = arith.addi %bitcast_convert_type3A_114, %add3A_116 : vector<400x128xi32>
    %shift_right_logical3A_118 = arith.constant 16 : i32
    %shift_right_logical3A_119 = vector.broadcast %shift_right_logical3A_118 : i32 to vector<400x128xi32>
    %shift_right_logical3A_120 = arith.shrui %bitcast_convert_type3A_114, %shift_right_logical3A_119 : vector<400x128xi32>
    %and3A_121 = arith.constant 1 : i32
    %and3A_122 = vector.broadcast %and3A_121 : i32 to vector<400x128xi32>
    %and3A_123 = arith.andi %shift_right_logical3A_120, %and3A_122 : vector<400x128xi32>
    %add3A_124 = arith.addi %add3A_117, %and3A_123 : vector<400x128xi32>
    %and3A_125 = arith.constant -65536 : i32
    %and3A_126 = vector.broadcast %and3A_125 : i32 to vector<400x128xi32>
    %and3A_127 = arith.andi %add3A_124, %and3A_126 : vector<400x128xi32>
    %shift_right_logical3A_128 = arith.constant 16 : i32
    %shift_right_logical3A_129 = vector.broadcast %shift_right_logical3A_128 : i32 to vector<400x128xi32>
    %shift_right_logical3A_130 = arith.shrui %and3A_127, %shift_right_logical3A_129 : vector<400x128xi32>
    %or3A_131 = arith.ori %and3A_113, %shift_right_logical3A_130 : vector<400x128xi32>
    %bitcast_convert_type3A_132 = tpu.bitcast %or3A_131 : vector<400x128xi32> -> vector<400x128xf32>
    %swap3A_133 = arith.constant 0 : index
    %swap3A_134 = arith.constant 0 : index
    %swap3A_135 = vector.load %arg11[%swap3A_133, %swap3A_134] : memref<400x128xf32, #tpu.memory_space<vmem>>, vector<400x128xf32>
    tpu.vector_store %arg11[%swap3A_133, %swap3A_134], %bitcast_convert_type3A_132 {strides = array<i32>} : memref<400x128xf32, #tpu.memory_space<vmem>>, vector<400x128xf32>,
    return
  }
  func.func @transform_0(%arg0: i32) -> (i32, i32) {
    %c0_i32 = arith.constant 0 : i32
    %c0_i32_0 = arith.constant 0 : i32
    return %arg0, %c0_i32 : i32, i32
  }
  func.func @transform_1(%arg0: i32) -> (i32, i32) {
    %c0_i32 = arith.constant 0 : i32
    %c0_i32_0 = arith.constant 0 : i32
    return %arg0, %c0_i32 : i32, i32
  }
  func.func @transform_2(%arg0: i32) -> (i32, i32) {
    %c0_i32 = arith.constant 0 : i32
    %c0_i32_0 = arith.constant 0 : i32
    %c0_i32_1 = arith.constant 0 : i32
    return %c0_i32, %c0_i32_0 : i32, i32
  }
  func.func @transform_3(%arg0: i32) -> (i32, i32) {
    %c0_i32 = arith.constant 0 : i32
    %c0_i32_0 = arith.constant 0 : i32
    %c0_i32_1 = arith.constant 0 : i32
    return %c0_i32, %c0_i32_0 : i32, i32
  }
  func.func @transform_4(%arg0: i32) -> (i32, i32) {
    %c0_i32 = arith.constant 0 : i32
    %c0_i32_0 = arith.constant 0 : i32
    %c0_i32_1 = arith.constant 0 : i32
    return %c0_i32, %c0_i32_0 : i32, i32
  }
  func.func @transform_5(%arg0: i32) -> (i32, i32) {
    %c0_i32 = arith.constant 0 : i32
    %c0_i32_0 = arith.constant 0 : i32
    %c0_i32_1 = arith.constant 0 : i32
    return %c0_i32, %c0_i32_0 : i32, i32
  }
  func.func @transform_6(%arg0: i32) -> (i32, i32) {
    %c0_i32 = arith.constant 0 : i32
    %c0_i32_0 = arith.constant 0 : i32
    %c0_i32_1 = arith.constant 0 : i32
    return %c0_i32, %c0_i32_0 : i32, i32
  }
  func.func @transform_7(%arg0: i32) -> (i32, i32) {
    %c0_i32 = arith.constant 0 : i32
    %c0_i32_0 = arith.constant 0 : i32
    %c0_i32_1 = arith.constant 0 : i32
    return %c0_i32, %c0_i32_0 : i32, i32
  }
  func.func @transform_8(%arg0: i32) -> (i32, i32) {
    %c0_i32 = arith.constant 0 : i32
    %c0_i32_0 = arith.constant 0 : i32
    return %arg0, %c0_i32 : i32, i32
  }
  func.func @transform_9(%arg0: i32) -> (i32, i32) {
    %c0_i32 = arith.constant 0 : i32
    %c0_i32_0 = arith.constant 0 : i32
    return %arg0, %c0_i32 : i32, i32
  }
  func.func @transform_10(%arg0: i32) -> (i32, i32) {
    %c0_i32 = arith.constant 0 : i32
    %c0_i32_0 = arith.constant 0 : i32
    return %arg0, %c0_i32 : i32, i32
  }
}

module attributes {stable_mosaic.version = 14 : i64} {
  func.func @_final_body(%arg0: i32, %arg1: memref<400x288xf32, #tpu.memory_space<vmem>>, %arg2: memref<8x128xf32, #tpu.memory_space<vmem>>, %arg3: memref<256x256xf32, #tpu.memory_space<vmem>>, %arg4: memref<400x256xf32, #tpu.memory_space<vmem>>) attributes {dimension_semantics = [#tpu.dimension_semantics<arbitrary>], iteration_bounds = array<i64: 25>, scalar_prefetch = 0 : i64, scratch_operands = 0 : i64, tpu.core_type = #tpu.core_type<tc>, window_params = [{transform_indices = @transform_0, window_bounds = array<i64: 400, 288>}, {pipeline_mode = #tpu.pipeline_mode<synchronous>, transform_indices = @transform_1, window_bounds = array<i64: 8, 128>}, {pipeline_mode = #tpu.pipeline_mode<synchronous>, transform_indices = @transform_2, window_bounds = array<i64: 256, 256>}, {transform_indices = @transform_3, window_bounds = array<i64: 400, 256>}]} {
    %get3A = arith.constant 0 : index
    %get3A_0 = arith.constant 0 : index
    %get3A_1 = vector.load %arg1[%get3A, %get3A_0] : memref<400x288xf32, #tpu.memory_space<vmem>>, vector<400x288xf32>
    %get3A_2 = arith.constant 0 : index
    %get3A_3 = arith.constant 0 : index
    %get3A_4 = vector.load %arg2[%get3A_2, %get3A_3] : memref<8x128xf32, #tpu.memory_space<vmem>>, vector<8x128xf32>
    %slice3A = vector.extract_strided_slice %get3A_1 {offsets = [0, 128], sizes = [400, 8], strides = [1, 1]} : vector<400x288xf32> to vector<400x8xf32>
    %dot_general3A = arith.constant dense<0.000000e+00> : vector<400x128xf32>
    %dot_general3A_5 = tpu.matmul %slice3A, %get3A_4, %dot_general3A {dimension_numbers = #tpu.dot_dimension_numbers<[1], [0], [0], [1], [0, 0, 1, 1], [], []>, transpose_lhs_hint = false} : vector<400x8xf32>, vector<8x128xf32>, vector<400x128xf32> -> vector<400x128xf32>
    %add3A = arith.constant 1.000000e-16 : f32
    %add3A_6 = vector.broadcast %add3A : f32 to vector<400x128xf32>
    %add3A_7 = arith.addf %dot_general3A_5, %add3A_6 : vector<400x128xf32>
    %slice3A_8 = vector.extract_strided_slice %get3A_1 {offsets = [0, 272], sizes = [400, 8], strides = [1, 1]} : vector<400x288xf32> to vector<400x8xf32>
    %dot_general3A_9 = arith.constant dense<0.000000e+00> : vector<400x128xf32>
    %dot_general3A_10 = tpu.matmul %slice3A_8, %get3A_4, %dot_general3A_9 {dimension_numbers = #tpu.dot_dimension_numbers<[1], [0], [0], [1], [0, 0, 1, 1], [], []>, transpose_lhs_hint = false} : vector<400x8xf32>, vector<8x128xf32>, vector<400x128xf32> -> vector<400x128xf32>
    %add3A_11 = arith.constant 1.000000e-16 : f32
    %add3A_12 = vector.broadcast %add3A_11 : f32 to vector<400x128xf32>
    %add3A_13 = arith.addf %dot_general3A_10, %add3A_12 : vector<400x128xf32>
    %slice3A_14 = vector.extract_strided_slice %get3A_1 {offsets = [0, 0], sizes = [400, 128], strides = [1, 1]} : vector<400x288xf32> to vector<400x128xf32>
    %div3A = arith.divf %slice3A_14, %add3A_7 : vector<400x128xf32>
    %slice3A_15 = vector.extract_strided_slice %get3A_1 {offsets = [0, 144], sizes = [400, 128], strides = [1, 1]} : vector<400x288xf32> to vector<400x128xf32>
    %div3A_16 = arith.divf %slice3A_15, %add3A_13 : vector<400x128xf32>
    %concatenate3A = tpu.concatenate %div3A, %div3A_16 in 1 : vector<400x128xf32>, vector<400x128xf32> -> vector<400x256xf32>
    %get3A_17 = arith.constant 0 : index
    %get3A_18 = arith.constant 0 : index
    %get3A_19 = vector.load %arg3[%get3A_17, %get3A_18] : memref<256x256xf32, #tpu.memory_space<vmem>>, vector<256x256xf32>
    %dot_general3A_20 = arith.constant dense<0.000000e+00> : vector<400x256xf32>
    %dot_general3A_21 = tpu.matmul %concatenate3A, %get3A_19, %dot_general3A_20 {dimension_numbers = #tpu.dot_dimension_numbers<[1], [1], [0], [0], [0, 0, 1, 0], [], []>, transpose_lhs_hint = false} : vector<400x256xf32>, vector<256x256xf32>, vector<400x256xf32> -> vector<400x256xf32>
    %swap3A = arith.constant 0 : index
    %swap3A_22 = arith.constant 0 : index
    %swap3A_23 = vector.load %arg4[%swap3A, %swap3A_22] : memref<400x256xf32, #tpu.memory_space<vmem>>, vector<400x256xf32>
    tpu.vector_store %arg4[%swap3A, %swap3A_22], %dot_general3A_21 {strides = array<i32>} : memref<400x256xf32, #tpu.memory_space<vmem>>, vector<400x256xf32>,
    return
  }
  func.func @transform_0(%arg0: i32) -> (i32, i32) {
    %c0_i32 = arith.constant 0 : i32
    %c0_i32_0 = arith.constant 0 : i32
    return %arg0, %c0_i32 : i32, i32
  }
  func.func @transform_1(%arg0: i32) -> (i32, i32) {
    %c0_i32 = arith.constant 0 : i32
    %c0_i32_0 = arith.constant 0 : i32
    %c0_i32_1 = arith.constant 0 : i32
    return %c0_i32, %c0_i32_0 : i32, i32
  }
  func.func @transform_2(%arg0: i32) -> (i32, i32) {
    %c0_i32 = arith.constant 0 : i32
    %c0_i32_0 = arith.constant 0 : i32
    %c0_i32_1 = arith.constant 0 : i32
    return %c0_i32, %c0_i32_0 : i32, i32
  }
  func.func @transform_3(%arg0: i32) -> (i32, i32) {
    %c0_i32 = arith.constant 0 : i32
    %c0_i32_0 = arith.constant 0 : i32
    return %arg0, %c0_i32 : i32, i32
  }
}

</mosaic_0001>

<sc_bundles>
// kernel: kernel.12.cloned.1.call-start
scs
__scs_entry_jumppad:
0x0: {  	(pc) =	sbr.rel $0x88, $3  }
0x1: {  	(tag) =	ssettag $0x0;
	lr =	simm.s32 $0x1  }
0x2: {  	[smem:$0x3F97] =	sst lr;
	_ =	strace $0xD0000000  }
0x3: {  	_ = 	snop  }
0x4: {  	_ = 	snop  }
0x5: {  	_ = 	snop  }
0x6: {  	_ = 	snop  }
0x7: {  	_ = 	snop  }
__scs_overlays_trampoline_lowered:
0x8: {  	[smem:$0x3FA6] =	sst s0  }
0x9: {  	[smem:$0x3FA7] =	sst s1  }
0xa: {  	[smem:$0x3FA8] =	sst s2  }
0xb: {  	[smem:$0x3FA9] =	sst s3  }
0xc: {  	[smem:$0x3FAA] =	sst s4  }
0xd: {  	[smem:$0x3FAB] =	sst s5  }
0xe: {  	[smem:$0x3FAC] =	sst s6  }
0xf: {  	[smem:$0x3FAD] =	sst s7  }
0x10: {  	[smem:$0x3FAE] =	sst s8  }
0x11: {  	[smem:$0x3FAF] =	sst s9;
	s0 =	simm.s32 @!p0 $0x0  }
0x12: {  	s1 =	sld [smem:$0x3F95];
	s0 =	simm.s32 @p0 $0x1  }
0x13: {  	[smem:$0x3FB0] =	sst s0;
	s0 =	simm.s32 @!p1 $0x0  }
0x14: {  	s2 =	sld [smem:$0x3F94];
	s0 =	simm.s32 @p1 $0x1  }
0x15: {  	[smem:$0x3FB1] =	sst s0;
	s0 =	simm.s32 @!p2 $0x0  }
0x16: {  	s3 =	sld [smem:$0x3FDB];
	s0 =	simm.s32 @p2 $0x1  }
0x17: {  	s4 =	simm.s32 $0x1BF5;
	[smem:$0x3FB3] =	sst s0  }
0x18: {  	s0 =	sld [smem:$0x3F96];
	_ =	swait.ge [sflag:s4], $0x0  }
0x19: {  	s7 =	sld [smem:$0x3F97]  }
0x1a: {  	s8 =	sadd.s32 $0xFFFFE003, lr  }
0x1b: {  	s9 =	sadd.s32 $0xFFFFFEF7, lr;
	s5 =	simm.s32 $0xFFFFFFFF;
	p2 =	slt.u32 s8, $0xFFFFF086  }
0x1c: {  	p1 =	slt.u32 s9, $0xF7A;
	s5 =	simm.s32 @!p2 $0x0  }
0x1d: {  	s5 =	simm.s32 @p1 $0x1;
	p0 =	seq.s32 s7, s2  }
0x1e: {  	s7 =	smul.u32 @!p0 $0xF7A, s2;
	p2 =	seq.s32 @!p0 s5, $0x0  }
0x1f: {  	s9 =	smul.u32 $0xF7A, s1;
	s8 =	simm.s32 @!p0 $0x1BF5;
	p2 =	por !p2, p0  }
0x20: {  	[sflag:s8] =	ssyncset.s32 @!p0 $0xFFFFF086;
	s6 =	sadd.s32 @!p0 s3, s7;
	s7 =	simm.s32 @!p0 $0x108  }
0x21: {  	s3 =	sadd.s32 s3, s9;
	s6 =	sadd.s32 @!p0 $0x88, s6;
	s7 =	simm.s32 @p2 $0x1082  }
0x22: {  	[simem:s7], [sflag:s8] =	dma.local @!p0 [hbm:s6], $0xF7A  }
0x23: {  	s9 =	sor.u32 $0xD0000000, s2;
	s6 =	simm.s32 $0x108;
	_ =	swait.ge @!p0 [sflag:s8], $0x0  }
0x24: {  	s3 =	sadd.s32 $0x88, s3;
	s6 =	simm.s32 @!p1 $0x1082;
	[sflag:s4] =	ssyncset.s32 $0xFFFFF086  }
0x25: {  	[simem:s6], [sflag:s4] =	dma.local [hbm:s3], $0xF7A  }
0x26: {  	[smem:$0x3F97] =	sst s1;
	(tag) =	ssettag s2;
	_ =	strace s9  }
0x27: {  	s1 =	sld [smem:$0x3FA7]  }
0x28: {  	s2 =	sld [smem:$0x3FA8]  }
0x29: {  	s4 =	sld [smem:$0x3FAA]  }
0x2a: {  	p0 =	seq.s32 s5, $0x0;
	s5 =	sld [smem:$0x3FAB]  }
0x2b: {  	s6 =	sld [smem:$0x3FAC]  }
0x2c: {  	s7 =	sld [smem:$0x3FAD]  }
0x2d: {  	s3 =	simm.s32 $0x108;
	s8 =	sld [smem:$0x3FAE]  }
0x2e: {  	s3 =	simm.s32 @!p0 $0x1082;
	s9 =	sld [smem:$0x3FAF]  }
0x2f: {  	lr =	sadd.s32 s0, s3;
	s0 =	sld [smem:$0x3FA6]  }
0x30: {  	s3 =	sld [smem:$0x3FA9]  }
0x31: {  	[smem:$0x3FB2] =	sst s10  }
0x32: {  	s10 =	sld [smem:$0x3FB0];
	_ =	sdelay $0x3  }
0x33: {  	p0 =	seq.s32 s10, $0x1;
	s10 =	sld [smem:$0x3FB2];
	_ =	sdelay $0x3  }
0x34: {  	[smem:$0x3FB2] =	sst s10  }
0x35: {  	s10 =	sld [smem:$0x3FB1];
	_ =	sdelay $0x3  }
0x36: {  	p1 =	seq.s32 s10, $0x1;
	s10 =	sld [smem:$0x3FB2];
	_ =	sdelay $0x3  }
0x37: {  	[smem:$0x3FB2] =	sst s10  }
0x38: {  	s10 =	sld [smem:$0x3FB3]  }
0x39: {  	_ = 	snop;
	(pc) =	sbr.ind lr, $3  }
0x3a: {  	_ = 	snop  }
0x3b: {  	_ = 	snop  }
0x3c: {  	p2 =	seq.s32 s10, $0x1;
	s10 =	sld [smem:$0x3FB2]  }
0x3d: {  	_ =	shalt  }
0x3e: {  	_ =	shalt  }
0x3f: {  	_ =	shalt  }
0x40: {  	_ =	shalt  }
0x41: {  	_ =	shalt  }
0x42: {  	_ =	shalt  }
0x43: {  	_ =	shalt  }
0x44: {  	_ =	shalt  }
0x45: {  	_ =	shalt  }
0x46: {  	_ =	shalt  }
0x47: {  	_ =	shalt  }
0x48: {  	_ =	shalt  }
0x49: {  	_ =	shalt  }
0x4a: {  	_ =	shalt  }
0x4b: {  	_ =	shalt  }
0x4c: {  	_ =	shalt  }
0x4d: {  	_ =	shalt  }
0x4e: {  	_ =	shalt  }
0x4f: {  	_ =	shalt  }
0x50: {  	_ =	shalt  }
0x51: {  	_ =	shalt  }
0x52: {  	_ =	shalt  }
0x53: {  	_ =	shalt  }
0x54: {  	_ =	shalt  }
0x55: {  	_ =	shalt  }
0x56: {  	_ =	shalt  }
0x57: {  	_ =	shalt  }
0x58: {  	_ =	shalt  }
0x59: {  	_ =	shalt  }
0x5a: {  	_ =	shalt  }
0x5b: {  	_ =	shalt  }
0x5c: {  	_ =	shalt  }
0x5d: {  	_ =	shalt  }
0x5e: {  	_ =	shalt  }
0x5f: {  	_ =	shalt  }
0x60: {  	_ =	shalt  }
0x61: {  	_ =	shalt  }
0x62: {  	_ =	shalt  }
0x63: {  	_ =	shalt  }
0x64: {  	_ =	shalt  }
0x65: {  	_ =	shalt  }
0x66: {  	_ =	shalt  }
0x67: {  	_ =	shalt  }
0x68: {  	_ =	shalt  }
0x69: {  	_ =	shalt  }
0x6a: {  	_ =	shalt  }
0x6b: {  	_ =	shalt  }
0x6c: {  	_ =	shalt  }
0x6d: {  	_ =	shalt  }
0x6e: {  	_ =	shalt  }
0x6f: {  	_ =	shalt  }
0x70: {  	_ =	shalt  }
0x71: {  	_ =	shalt  }
0x72: {  	_ =	shalt  }
0x73: {  	_ =	shalt  }
0x74: {  	_ =	shalt  }
0x75: {  	_ =	shalt  }
0x76: {  	_ =	shalt  }
0x77: {  	_ =	shalt  }
0x78: {  	_ =	shalt  }
0x79: {  	_ =	shalt  }
0x7a: {  	_ =	shalt  }
0x7b: {  	_ =	shalt  }
0x7c: {  	_ =	shalt  }
0x7d: {  	_ =	shalt  }
0x7e: {  	_ =	shalt  }
0x7f: {  	_ =	shalt  }
0x80: {  	_ =	shalt  }
0x81: {  	_ =	shalt  }
0x82: {  	_ =	shalt  }
0x83: {  	_ =	shalt  }
0x84: {  	_ =	shalt  }
0x85: {  	_ =	shalt  }
0x86: {  	_ =	shalt  }
0x87: {  	_ =	shalt  }
.Lfunc_end0:
.L_simem_size_0:
called_computation.1_lowered:
.L_overlay_start_0:
0x88: {  	s2 =	sld [smem:$0x3FD9]  }
0x89: {  	s3 =	sld [smem:$0x3FFE];
	_ =	sdelay $0x1  }
0x8a: {  	s1 =	srdreg.scid  }
0x8b: {  	s0 =	sand.u32 $0x1, s1  }
0x8c: {  	s15 =	sshll.u32 s0, $0xA;
	s2 =	sadd.s32 s3, s2  }
0x8d: {  	s2 =	sadd.s32 s2, s15  }
0x8e: {  	[smem:$0x3FBE] =	sst s2  }
0x8f: {  	_ = 	snop  }
0x90: {  	s4 =	sld [smem:$0x3FD0];
	_ =	sdelay $0x1  }
0x91: {  	s2 =	sld [smem:$0x3FC7]  }
0x92: {  	s6 =	simm.s32 $0xB;
	s5 =	simm.s32 $0x10;
	s16 =	sld [smem:$0x3FC6]  }
0x93: {  	[smem:s5], [sflag:s6] =	dma.local [hbm:s4], $0x1  }
0x94: {  	_ =	swait.eq [sflag:s6], $0x1  }
0x95: {  	[sflag:s6] =	ssyncset.done $0x0  }
0x96: {  	s17 =	sld [smem:$0x10];
	[sflag:s6] =	ssyncadd.s32 $0xFFFFFFFF  }
0x97: {  	s18 =	sld [smem:$0x11];
	(tm) =	ssettm $0x1  }
0x98: {  	s19 =	sld [smem:$0x3FFB];
	_ =	sdelay $0x3  }
0x99: {  	_ =	strace s19  }
0x9a: {  	s4 =	sld [smem:$0x3FFC];
	_ =	sdelay $0x3  }
0x9b: {  	_ =	strace s4  }
0x9c: {  	s4 =	sld [smem:$0x3FFD];
	_ =	sdelay $0x3  }
0x9d: {  	_ =	strace s4  }
0x9e: {  	_ =	strace $0x8FFFFFFF  }
0x9f: {  	s20 =	sld [smem:$0x3FDB];
	_ =	sdelay $0x1  }
0xa0: {  	s7 =	simm.s32 $_scs_section_size  }
0xa1: {  	s8 =	simm.s32 $_size__tile_overlayer_lowered;
	s9 =	simm.s32 $_tile_overlayer_lowered  }
0xa2: {  	s10 =	simm.s32 $0x1BFF;
	s21 =	sshll.u32 s9, $0x1;
	s7 =	sadd.s32 s7, s20  }
0xa3: {  	s22 =	simm.s32 $0x0;
	s8 =	sshll.u32 s8, $0x1;
	s9 =	sadd.s32 s21, s7  }
0xa4: {  	[timem:s22], [sflag:s10] =	dma.local [hbm:s9], s8  }
0xa5: {  	_ =	swait.ge [sflag:s10], s8  }
0xa6: {  	s8 =	ssub.s32 $0x0, s8;
	[sflag:s10] =	ssyncset.done $0x0  }
0xa7: {  	[sflag:s10] =	ssyncadd.s32 s8;
	_ =	sdelay $0x1  }
0xa8: {  	s23 =	simm.s32 $0x1B8B  }
0xa9: {  	_ =	swait.ge [sflag:s23], $0x1  }
0xaa: {  	[sflag:s23] =	ssyncset.done $0x0  }
0xab: {  	[sflag:s23] =	ssyncadd.s32 $0xFFFFFFFF  }
0xac: {  	s8 =	sld [smem:$0x0]  }
0xad: {  	s9 =	sand.u32 $0xFFFFFFFE, s1  }
0xae: {  	p0 =	sne.s32 s1, s9  }
0xaf: {  	s9 =	sshll.u32 @p0 s9, $0xE  }
0xb0: {  	s9 =	sadd.s32 @p0 $0x11B8D, s9;
	s10 =	sshll.u32 @p0 s8, $0x11  }
0xb1: {  	s9 =	sor.u32 @p0 s10, s9  }
0xb2: {  	[sflag:s9] =	ssyncadd.remote.s32 @p0 $0x1;
	_ =	sdelay $0x1  }
0xb3: {  	s9 =	simm.s32 @p0 $0x1B8D  }
0xb4: {  	_ =	swait.eq @p0 [sflag:s9], $0x1  }
0xb5: {  	[sflag:s9] =	ssyncadd.s32 @p0 $0xFFFFFFFF  }
0xb6: {  	s10 =	sshll.u32 @!p0 s1, $0xE  }
0xb7: {  	s10 =	sor.u32 @!p0 $0x4000, s10;
	s9 =	simm.s32 @!p0 $0x1B8D  }
0xb8: {  	s8 =	sshll.u32 @!p0 s8, $0x11;
	s10 =	sadd.s32 @!p0 $0x11B8D, s10;
	_ =	swait.eq @!p0 [sflag:s9], $0x1  }
0xb9: {  	s8 =	sor.u32 @!p0 s8, s10;
	[sflag:s9] =	ssyncadd.s32 @!p0 $0xFFFFFFFF  }
0xba: {  	s25 =	simm.s32 $0x1B8E;
	s24 =	sld [smem:$0x3FFE];
	[sflag:s8] =	ssyncadd.remote.s32 @!p0 $0x1  }
0xbb: {  	s26 =	simm.s32 $execute0_lowered;
	[smem:$0x3FD2] =	sst s25  }
0xbc: {  	s9 =	sshll.u32 s26, $0x1;
	_ =	strace $0x80000049;
	[dreg:$0x1] =	wrdreg $0xFFFFFFFF  }
0xbd: {  	s28 =	simm.s32 $_size_execute0_lowered;
	s7 =	sadd.s32 s7, s9;
	[dreg:$0x0] =	wrdreg $0x0  }
0xbe: {  	s9 =	sshll.u32 s28, $0x1;
	[dreg:$0x2] =	wrdreg s7  }
0xbf: {  	[dreg:$0x3] =	wrdreg s9  }
0xc0: {  	[dreg:$0x4] =	wrdreg $0xC0  }
0xc1: {  	_ =	task [dreg:s22], $0x5FFFF  }
0xc2: {  	[dreg:$0x1] =	wrdreg $0xFFFFFFFF  }
0xc3: {  	[dreg:$0x0] =	wrdreg $0x60  }
0xc4: {  	[dreg:$0x2] =	wrdreg s18  }
0xc5: {  	[dreg:$0x3] =	wrdreg s17  }
0xc6: {  	[dreg:$0x4] =	wrdreg s24  }
0xc7: {  	[dreg:$0x5] =	wrdreg s2  }
0xc8: {  	[dreg:$0x6] =	wrdreg s16  }
0xc9: {  	[dreg:$0x7] =	wrdreg $0xA  }
0xca: {  	_ =	task.clear_ibuf [dreg:s22], $0x8FFFF;
	_ =	strace $0x90000049  }
0xcb: {  	s29 =	simm.s32 $0xA;
	_ =	strace $0x8000004B  }
0xcc: {  	_ =	swait.ge [sflag:s29], $0x1  }
0xcd: {  	[sflag:s29] =	ssyncadd.s32 $0xFFFFFFFF  }
0xce: {  	_ =	strace $0x9000004B  }
0xcf: {  	_ =	sfence  }
0xd0: {  	s30 =	sld [smem:$0x0];
	_ =	sdelay $0x2  }
0xd1: {  	s31 =	sshll.u32 s1, $0xD;
	s1 =	sshrl.u32 s1, $0x2  }
0xd2: {  	s3 =	sand.u32 $0x4000, s31;
	s1 =	sadd.s32 s1, s30  }
0xd3: {  	s0 =	sor.u32 s3, s0;
	s1 =	sshll.u32 s1, $0x11  }
0xd4: {  	s0 =	sor.u32 s1, s0  }
0xd5: {  	s0 =	sadd.s32 $0x8F2B, s0  }
0xd6: {  	[sflag:s0] =	ssyncadd.remote.s32 $0x1  }
0xd7: {  	_ =	sfence.sel $0xFFFF  }
0xd8: {  	[dreg:$0x0] =	wrdreg $0xFFFFFFFF;
	(pc) =	sbr.abs _section_cstart, $3  }
0xd9: {  	[dreg:$0x1] =	wrdreg $0xFFFFFFFF  }
0xda: {  	_ =	task.clear_ibuf [dreg:s22], $0x2FFFF;
	_ =	strace $0x9FFFFFFF  }
0xdb: {  	(tm) =	ssettm $0x7FFFFFFF  }
tec
execute0_lowered:
.L_overlay_start_1:
0x0: {  	(tag) =	ssettag $0x1  }
0x1: {  	s1 =	rddreg [dreg:$0x0]  }
0x2: {  	s2 =	rddreg [dreg:$0x1]  }
0x3: {  	s6 =	rddreg [dreg:$0x2]  }
0x4: {  	s7 =	rddreg [dreg:$0x3]  }
0x5: {  	s8 =	rddreg [dreg:$0x4]  }
0x6: {  	s0 =	rddreg [dreg:$0x5];
	s4 =	simm.s32 $0x0  }
0x7: {  	s5 =	srdreg.scid;
	s3 =	stileid.u32;
	s18 =	simm.s32 $0x5360  }
0x8: {  	s19 =	simm.s32 $0x9360;
	s20 =	simm.s32 $0x1;
	s21 =	simm.s32 $0x2  }
0x9: {  	s22 =	simm.s32 $0x30;
	s23 =	simm.s32 $0x980;
	s24 =	simm.s32 $0x1330  }
0xa: {  	s25 =	simm.s32 $0x0;
	[smem:$0x7FF] =	sst s4;
	s11 =	sand.u32 $0x1, s5  }
0xb: {  	s28 =	sshll.u32 s3, $0x1;
	s14 =	sadd.s32 $0x3DAE00, s6;
	s5 =	sadd.s32 $0x2C00, s6  }
0xc: {  	s12 =	sadd.s32 $0x510E00, s6;
	s17 =	smul.u32 $0x13600, s3;
	s9 =	sor.u32 s11, s28  }
0xd: {  	s13 =	sadd.s32 $0x646E00, s6;
	s29 =	ssub.s32 $0x2, s11;
	s10 =	smul.u32 $0x9B0, s9  }
0xe: {  	_ =	strace $0x8000004A;
	s9 =	smul.u32 $0x4D800, s9;
	s15 =	sshrl.u32 s29, $0x1  }
0xf: {  	s30 =	smul.u32 $0x9B00, s11;
	s31 =	sadd.s32 s17, s12;
	s15 =	ssub.s32 s29, s15  }
0x10: {  	s10 =	sshrl.u32 s10, $0x3;
	s9 =	sshrl.u32 s9, $0x3;
	s11 =	smax.u32 s15, $0x1  }
0x11: {  	s15 =	simm.s32 $0x3;
	s10 =	sadd.s32 $0x2760, s10;
	s16 =	sadd.s32 $0x9800, s9  }
0x12: {  	s6 =	sadd.s32 s7, s10;
	s7 =	sadd.s32 s8, s10;
	s8 =	sadd.s32 s14, s16  }
0x13: {  	s9 =	sadd.s32 s12, s16;
	s10 =	sadd.s32 s13, s16;
	s13 =	sadd.s32 s17, s13  }
0x14: {  	s14 =	sadd.s32 s17, s14;
	s16 =	simm.s32 $0x80;
	s17 =	simm.s32 $0x1360  }
0x15: {  	s12 =	sadd.s32 s30, s13;
	s13 =	sadd.s32 s30, s31;
	s14 =	sadd.s32 s30, s14  }
.LBB2_1:
0x16: {  	[tilespmem:s4], [sflag:$0x3] =	stream.linear.gather [hbm4b:s6+s4], $0x9B0, $0x38;
	[tilespmem:$0xD360] =	vst v63  }
0x17: {  	_ =	swait.ge [sflag:s15], $0x9B0  }
0x18: {  	[sflag:s15] =	ssyncset.done $0x0  }
0x19: {  	s26 =	simm.s32 $0x9B0;
	[sflag:s15] =	ssyncadd.s32 $0xFFFFF650  }
0x1a: {  	[tilespmem:s26], [sflag:$0x3] =	stream.linear.gather [hbm4b:s7+s4], $0x9B0, $0x38;
	[tilespmem:$0xD360] =	vst v63  }
0x1b: {  	_ =	swait.ge [sflag:s15], $0x9B0  }
0x1c: {  	[sflag:s15] =	ssyncset.done $0x0  }
0x1d: {  	[sflag:s15] =	ssyncadd.s32 $0xFFFFF650  }
0x1e: {  	[tilespmem:s17], [sflag:$0x1] =	stream.indirect.gather [hbm4b:s1+s16], $0x80, s4, s16, $0xb8;
	[tilespmem:$0xD360] =	vst v63  }
0x1f: {  	_ = 	snop  }
0x20: {  	[tilespmem:s18], [sflag:$0x1] =	stream.indirect.gather [hbm4b:s2+s16], $0x80, s26, s16, $0xb8;
	[tilespmem:$0xD360] =	vst v63  }
0x21: {  	_ = 	snop  }
0x22: {  	[tilespmem:s19], [sflag:$0x1] =	stream.indirect.gather [hbm4b:s5+s16], $0x80, s26, s16, $0xb8;
	[tilespmem:$0xD360] =	vst v63  }
0x23: {  	_ =	swait.ge [sflag:s20], $0x4000  }
0x24: {  	[sflag:s20] =	ssyncset.done $0x0  }
0x25: {  	[sflag:s20] =	ssyncadd.s32 $0xFFFFC000  }
0x26: {  	_ =	swait.ge [sflag:s20], $0x4000  }
0x27: {  	[sflag:s20] =	ssyncset.done $0x0  }
0x28: {  	[sflag:s20] =	ssyncadd.s32 $0xFFFFC000  }
0x29: {  	_ =	swait.ge [sflag:s20], $0x4000  }
0x2a: {  	[sflag:s20] =	ssyncset.done $0x0  }
0x2b: {  	s28 =	sadd.s32 $0x0, s14;
	[sflag:s20] =	ssyncadd.s32 $0xFFFFC000  }
0x2c: {  	[hbm4b:s28+s4] =	stream.linear.scatter [tilespmem:s17], [sflag:$0x2], $0x4000, $0x38;
	[tilespmem:$0xD360] =	vst v63  }
0x2d: {  	s28 =	sadd.s32 $0x0, s13  }
0x2e: {  	[hbm4b:s28+s4] =	stream.linear.scatter [tilespmem:s18], [sflag:$0x2], $0x4000, $0x38;
	[tilespmem:$0xD360] =	vst v63  }
0x2f: {  	s28 =	sadd.s32 $0x0, s12  }
0x30: {  	[hbm4b:s28+s4] =	stream.linear.scatter [tilespmem:s19], [sflag:$0x2], $0x4000, $0x38;
	[tilespmem:$0xD360] =	vst v63  }
0x31: {  	_ =	swait.ge [sflag:s21], $0x4000  }
0x32: {  	[sflag:s21] =	ssyncset.done $0x0  }
0x33: {  	[sflag:s21] =	ssyncadd.s32 $0xFFFFC000  }
0x34: {  	_ =	swait.ge [sflag:s21], $0x4000  }
0x35: {  	[sflag:s21] =	ssyncset.done $0x0  }
0x36: {  	[sflag:s21] =	ssyncadd.s32 $0xFFFFC000  }
0x37: {  	_ =	swait.ge [sflag:s21], $0x4000  }
0x38: {  	s29 =	simm.s32 $0x0;
	s28 =	simm.s32 $0x800;
	[sflag:s21] =	ssyncset.done $0x0  }
.LBB2_2:
0x39: {  	[sflag:s21] =	ssyncadd.s32 $0xFFFFC000;
	s29 =	sadd.s32 $0x80, s29;
	s26 =	sadd.s32 $0x80, s26  }
0x3a: {  	[tilespmem:s17], [sflag:$0x1] =	stream.indirect.gather [hbm4b:s1+s16], $0x80, s29, s16, $0xb8;
	[tilespmem:$0xD360] =	vst v63  }
0x3b: {  	p0 =	sne.s32 s28, $0x9000;
	s30 =	smov.u32 s28;
	s28 =	sadd.s32 $0x800, s28  }
0x3c: {  	[tilespmem:s18], [sflag:$0x1] =	stream.indirect.gather [hbm4b:s2+s16], $0x80, s26, s16, $0xb8;
	[tilespmem:$0xD360] =	vst v63  }
0x3d: {  	_ = 	snop  }
0x3e: {  	[tilespmem:s19], [sflag:$0x1] =	stream.indirect.gather [hbm4b:s5+s16], $0x80, s26, s16, $0xb8;
	[tilespmem:$0xD360] =	vst v63  }
0x3f: {  	_ =	swait.ge [sflag:s20], $0x4000  }
0x40: {  	[sflag:s20] =	ssyncset.done $0x0  }
0x41: {  	[sflag:s20] =	ssyncadd.s32 $0xFFFFC000  }
0x42: {  	_ =	swait.ge [sflag:s20], $0x4000  }
0x43: {  	[sflag:s20] =	ssyncset.done $0x0  }
0x44: {  	[sflag:s20] =	ssyncadd.s32 $0xFFFFC000  }
0x45: {  	_ =	swait.ge [sflag:s20], $0x4000  }
0x46: {  	[sflag:s20] =	ssyncset.done $0x0  }
0x47: {  	s31 =	sadd.s32 s30, s14;
	[sflag:s20] =	ssyncadd.s32 $0xFFFFC000  }
0x48: {  	[hbm4b:s31+s4] =	stream.linear.scatter [tilespmem:s17], [sflag:$0x2], $0x4000, $0x38;
	[tilespmem:$0xD360] =	vst v63  }
0x49: {  	s31 =	sadd.s32 s30, s13  }
0x4a: {  	[hbm4b:s31+s4] =	stream.linear.scatter [tilespmem:s18], [sflag:$0x2], $0x4000, $0x38;
	[tilespmem:$0xD360] =	vst v63  }
0x4b: {  	s30 =	sadd.s32 s30, s12  }
0x4c: {  	[hbm4b:s30+s4] =	stream.linear.scatter [tilespmem:s19], [sflag:$0x2], $0x4000, $0x38;
	[tilespmem:$0xD360] =	vst v63  }
0x4d: {  	_ =	swait.ge [sflag:s21], $0x4000  }
0x4e: {  	[sflag:s21] =	ssyncset.done $0x0  }
0x4f: {  	[sflag:s21] =	ssyncadd.s32 $0xFFFFC000  }
.Ltmp0:
0x50: {  	_ =	swait.ge [sflag:s21], $0x4000;
	(pc) =	sbr.rel @p0 .LBB2_2-.Ltmp0, $4  }
0x51: {  	[sflag:s21] =	ssyncset.done $0x0  }
0x52: {  	[sflag:s21] =	ssyncadd.s32 $0xFFFFC000  }
0x53: {  	_ =	swait.ge [sflag:s21], $0x4000  }
0x54: {  	[sflag:s21] =	ssyncset.done $0x0  }
0x55: {  	[sflag:s21] =	ssyncadd.s32 $0xFFFFC000  }
0x56: {  	[tilespmem:s17], [sflag:$0x1] =	stream.indirect.gather [hbm4b:s1+s22], $0x80, s23, s22, $0xb8;
	[tilespmem:$0xD360] =	vst v63  }
0x57: {  	_ = 	snop  }
0x58: {  	[tilespmem:s18], [sflag:$0x1] =	stream.indirect.gather [hbm4b:s2+s22], $0x80, s24, s22, $0xb8;
	[tilespmem:$0xD360] =	vst v63  }
0x59: {  	_ = 	snop  }
0x5a: {  	[tilespmem:s19], [sflag:$0x1] =	stream.indirect.gather [hbm4b:s5+s22], $0x80, s24, s22, $0xb8;
	[tilespmem:$0xD360] =	vst v63  }
0x5b: {  	_ =	swait.ge [sflag:s20], $0x1800  }
0x5c: {  	[sflag:s20] =	ssyncset.done $0x0  }
0x5d: {  	[sflag:s20] =	ssyncadd.s32 $0xFFFFE800  }
0x5e: {  	_ =	swait.ge [sflag:s20], $0x1800  }
0x5f: {  	[sflag:s20] =	ssyncset.done $0x0  }
0x60: {  	[sflag:s20] =	ssyncadd.s32 $0xFFFFE800  }
0x61: {  	_ =	swait.ge [sflag:s20], $0x1800  }
0x62: {  	[sflag:s20] =	ssyncset.done $0x0  }
0x63: {  	[sflag:s20] =	ssyncadd.s32 $0xFFFFE800  }
0x64: {  	[hbm4b:s8+s4] =	stream.linear.scatter [tilespmem:s17], [sflag:$0x3], $0x1800, $0x38;
	[tilespmem:$0xD360] =	vst v63  }
0x65: {  	_ =	swait.ge [sflag:s15], $0x1800  }
0x66: {  	[sflag:s15] =	ssyncset.done $0x0  }
0x67: {  	[sflag:s15] =	ssyncadd.s32 $0xFFFFE800  }
0x68: {  	[hbm4b:s9+s4] =	stream.linear.scatter [tilespmem:s18], [sflag:$0x3], $0x1800, $0x38;
	[tilespmem:$0xD360] =	vst v63  }
0x69: {  	s25 =	sadd.s32 $0x1, s25;
	_ =	swait.ge [sflag:s15], $0x1800  }
0x6a: {  	p0 =	sne.s32 s25, s11;
	[sflag:s15] =	ssyncset.done $0x0  }
.Ltmp1:
0x6b: {  	[sflag:s15] =	ssyncadd.s32 $0xFFFFE800;
	(pc) =	sbr.rel @p0 .LBB2_1-.Ltmp1, $4  }
0x6c: {  	[hbm4b:s10+s4] =	stream.linear.scatter [tilespmem:s19], [sflag:$0x3], $0x1800, $0x38;
	[tilespmem:$0xD360] =	vst v63  }
0x6d: {  	_ =	swait.ge [sflag:s15], $0x1800  }
0x6e: {  	[sflag:s15] =	ssyncset.done $0x0  }
0x6f: {  	[sflag:s15] =	ssyncadd.s32 $0xFFFFE800  }
0x70: {  	_ =	sfence.sel $0x180000  }
0x71: {  	[bflag:$0x0] =	sbarrier.arrive $0xFFFF  }
0x72: {  	p0 =	sne.s32 s3, $0x0;
	_ =	strace $0x9000004A  }
0x73: {  	s0 =	sadd.s32 @!p0 $0x100000, s0;
	[bflag:$0x2] =	sbarrier.arrive $0xFFFF  }
0x74: {  	[sflag:s0] =	ssyncadd.tile.s32 @!p0 $0x1;
	_ =	shalt  }
.Lfunc_end2:
_tile_overlayer_lowered:
.L_overlay_start_2:
0x75: {  	(tag) =	ssettag $0x2  }
0x76: {  	s0 =	rddreg [dreg:$0x0];
	s2 =	stileid.u32  }
0x77: {  	s1 =	rddreg [dreg:$0x1];
	p0 =	sne.s32 s2, $0x0  }
0x78: {  	s3 =	rddreg [dreg:$0x2];
	[bflag:$0x3] =	sbarrier.arrive $0xFFFF;
	s2 =	simm.s32 @!p0 $0x1C03  }
0x79: {  	[timem:s3], [sflag:s2] =	dma.local @!p0 [hbm:s0], s1  }
0x7a: {  	s0 =	simm.s32 @!p0 $0x3  }
0x7b: {  	_ =	swait.ge @!p0 [sflag:s0], s1  }
0x7c: {  	s1 =	ssub.s32 @!p0 $0x0, s1;
	[sflag:s0] =	ssyncset.done @!p0 $0x0  }
0x7d: {  	[sflag:s0] =	ssyncadd.s32 @!p0 s1  }
0x7e: {  	[bflag:$0x3] =	sbarrier.arrive $0xFFFF  }
0x7f: {  	_ =	shalt  }

// kernel: kernel.15.cloned.1.call-start
scs
__scs_entry_jumppad:
0x0: {  	(pc) =	sbr.rel $0x88, $3  }
0x1: {  	(tag) =	ssettag $0x0;
	lr =	simm.s32 $0x1  }
0x2: {  	[smem:$0x3F97] =	sst lr;
	_ =	strace $0xD0000000  }
0x3: {  	_ = 	snop  }
0x4: {  	_ = 	snop  }
0x5: {  	_ = 	snop  }
0x6: {  	_ = 	snop  }
0x7: {  	_ = 	snop  }
__scs_overlays_trampoline_lowered:
0x8: {  	[smem:$0x3FA6] =	sst s0  }
0x9: {  	[smem:$0x3FA7] =	sst s1  }
0xa: {  	[smem:$0x3FA8] =	sst s2  }
0xb: {  	[smem:$0x3FA9] =	sst s3  }
0xc: {  	[smem:$0x3FAA] =	sst s4  }
0xd: {  	[smem:$0x3FAB] =	sst s5  }
0xe: {  	[smem:$0x3FAC] =	sst s6  }
0xf: {  	[smem:$0x3FAD] =	sst s7  }
0x10: {  	[smem:$0x3FAE] =	sst s8  }
0x11: {  	[smem:$0x3FAF] =	sst s9;
	s0 =	simm.s32 @!p0 $0x0  }
0x12: {  	s1 =	sld [smem:$0x3F95];
	s0 =	simm.s32 @p0 $0x1  }
0x13: {  	[smem:$0x3FB0] =	sst s0;
	s0 =	simm.s32 @!p1 $0x0  }
0x14: {  	s2 =	sld [smem:$0x3F94];
	s0 =	simm.s32 @p1 $0x1  }
0x15: {  	[smem:$0x3FB1] =	sst s0;
	s0 =	simm.s32 @!p2 $0x0  }
0x16: {  	s3 =	sld [smem:$0x3FDB];
	s0 =	simm.s32 @p2 $0x1  }
0x17: {  	s4 =	simm.s32 $0x1BF5;
	[smem:$0x3FB3] =	sst s0  }
0x18: {  	s0 =	sld [smem:$0x3F96];
	_ =	swait.ge [sflag:s4], $0x0  }
0x19: {  	s7 =	sld [smem:$0x3F97]  }
0x1a: {  	s8 =	sadd.s32 $0xFFFFE003, lr  }
0x1b: {  	s9 =	sadd.s32 $0xFFFFFEF7, lr;
	s5 =	simm.s32 $0xFFFFFFFF;
	p2 =	slt.u32 s8, $0xFFFFF086  }
0x1c: {  	p1 =	slt.u32 s9, $0xF7A;
	s5 =	simm.s32 @!p2 $0x0  }
0x1d: {  	s5 =	simm.s32 @p1 $0x1;
	p0 =	seq.s32 s7, s2  }
0x1e: {  	s7 =	smul.u32 @!p0 $0xF7A, s2;
	p2 =	seq.s32 @!p0 s5, $0x0  }
0x1f: {  	s9 =	smul.u32 $0xF7A, s1;
	s8 =	simm.s32 @!p0 $0x1BF5;
	p2 =	por !p2, p0  }
0x20: {  	[sflag:s8] =	ssyncset.s32 @!p0 $0xFFFFF086;
	s6 =	sadd.s32 @!p0 s3, s7;
	s7 =	simm.s32 @!p0 $0x108  }
0x21: {  	s3 =	sadd.s32 s3, s9;
	s6 =	sadd.s32 @!p0 $0x88, s6;
	s7 =	simm.s32 @p2 $0x1082  }
0x22: {  	[simem:s7], [sflag:s8] =	dma.local @!p0 [hbm:s6], $0xF7A  }
0x23: {  	s9 =	sor.u32 $0xD0000000, s2;
	s6 =	simm.s32 $0x108;
	_ =	swait.ge @!p0 [sflag:s8], $0x0  }
0x24: {  	s3 =	sadd.s32 $0x88, s3;
	s6 =	simm.s32 @!p1 $0x1082;
	[sflag:s4] =	ssyncset.s32 $0xFFFFF086  }
0x25: {  	[simem:s6], [sflag:s4] =	dma.local [hbm:s3], $0xF7A  }
0x26: {  	[smem:$0x3F97] =	sst s1;
	(tag) =	ssettag s2;
	_ =	strace s9  }
0x27: {  	s1 =	sld [smem:$0x3FA7]  }
0x28: {  	s2 =	sld [smem:$0x3FA8]  }
0x29: {  	s4 =	sld [smem:$0x3FAA]  }
0x2a: {  	p0 =	seq.s32 s5, $0x0;
	s5 =	sld [smem:$0x3FAB]  }
0x2b: {  	s6 =	sld [smem:$0x3FAC]  }
0x2c: {  	s7 =	sld [smem:$0x3FAD]  }
0x2d: {  	s3 =	simm.s32 $0x108;
	s8 =	sld [smem:$0x3FAE]  }
0x2e: {  	s3 =	simm.s32 @!p0 $0x1082;
	s9 =	sld [smem:$0x3FAF]  }
0x2f: {  	lr =	sadd.s32 s0, s3;
	s0 =	sld [smem:$0x3FA6]  }
0x30: {  	s3 =	sld [smem:$0x3FA9]  }
0x31: {  	[smem:$0x3FB2] =	sst s10  }
0x32: {  	s10 =	sld [smem:$0x3FB0];
	_ =	sdelay $0x3  }
0x33: {  	p0 =	seq.s32 s10, $0x1;
	s10 =	sld [smem:$0x3FB2];
	_ =	sdelay $0x3  }
0x34: {  	[smem:$0x3FB2] =	sst s10  }
0x35: {  	s10 =	sld [smem:$0x3FB1];
	_ =	sdelay $0x3  }
0x36: {  	p1 =	seq.s32 s10, $0x1;
	s10 =	sld [smem:$0x3FB2];
	_ =	sdelay $0x3  }
0x37: {  	[smem:$0x3FB2] =	sst s10  }
0x38: {  	s10 =	sld [smem:$0x3FB3]  }
0x39: {  	_ = 	snop;
	(pc) =	sbr.ind lr, $3  }
0x3a: {  	_ = 	snop  }
0x3b: {  	_ = 	snop  }
0x3c: {  	p2 =	seq.s32 s10, $0x1;
	s10 =	sld [smem:$0x3FB2]  }
0x3d: {  	_ =	shalt  }
0x3e: {  	_ =	shalt  }
0x3f: {  	_ =	shalt  }
0x40: {  	_ =	shalt  }
0x41: {  	_ =	shalt  }
0x42: {  	_ =	shalt  }
0x43: {  	_ =	shalt  }
0x44: {  	_ =	shalt  }
0x45: {  	_ =	shalt  }
0x46: {  	_ =	shalt  }
0x47: {  	_ =	shalt  }
0x48: {  	_ =	shalt  }
0x49: {  	_ =	shalt  }
0x4a: {  	_ =	shalt  }
0x4b: {  	_ =	shalt  }
0x4c: {  	_ =	shalt  }
0x4d: {  	_ =	shalt  }
0x4e: {  	_ =	shalt  }
0x4f: {  	_ =	shalt  }
0x50: {  	_ =	shalt  }
0x51: {  	_ =	shalt  }
0x52: {  	_ =	shalt  }
0x53: {  	_ =	shalt  }
0x54: {  	_ =	shalt  }
0x55: {  	_ =	shalt  }
0x56: {  	_ =	shalt  }
0x57: {  	_ =	shalt  }
0x58: {  	_ =	shalt  }
0x59: {  	_ =	shalt  }
0x5a: {  	_ =	shalt  }
0x5b: {  	_ =	shalt  }
0x5c: {  	_ =	shalt  }
0x5d: {  	_ =	shalt  }
0x5e: {  	_ =	shalt  }
0x5f: {  	_ =	shalt  }
0x60: {  	_ =	shalt  }
0x61: {  	_ =	shalt  }
0x62: {  	_ =	shalt  }
0x63: {  	_ =	shalt  }
0x64: {  	_ =	shalt  }
0x65: {  	_ =	shalt  }
0x66: {  	_ =	shalt  }
0x67: {  	_ =	shalt  }
0x68: {  	_ =	shalt  }
0x69: {  	_ =	shalt  }
0x6a: {  	_ =	shalt  }
0x6b: {  	_ =	shalt  }
0x6c: {  	_ =	shalt  }
0x6d: {  	_ =	shalt  }
0x6e: {  	_ =	shalt  }
0x6f: {  	_ =	shalt  }
0x70: {  	_ =	shalt  }
0x71: {  	_ =	shalt  }
0x72: {  	_ =	shalt  }
0x73: {  	_ =	shalt  }
0x74: {  	_ =	shalt  }
0x75: {  	_ =	shalt  }
0x76: {  	_ =	shalt  }
0x77: {  	_ =	shalt  }
0x78: {  	_ =	shalt  }
0x79: {  	_ =	shalt  }
0x7a: {  	_ =	shalt  }
0x7b: {  	_ =	shalt  }
0x7c: {  	_ =	shalt  }
0x7d: {  	_ =	shalt  }
0x7e: {  	_ =	shalt  }
0x7f: {  	_ =	shalt  }
0x80: {  	_ =	shalt  }
0x81: {  	_ =	shalt  }
0x82: {  	_ =	shalt  }
0x83: {  	_ =	shalt  }
0x84: {  	_ =	shalt  }
0x85: {  	_ =	shalt  }
0x86: {  	_ =	shalt  }
0x87: {  	_ =	shalt  }
.Lfunc_end0:
.L_simem_size_0:
called_computation.2_lowered:
.L_overlay_start_0:
0x88: {  	s2 =	sld [smem:$0x3FD9]  }
0x89: {  	s3 =	sld [smem:$0x3FFE];
	_ =	sdelay $0x1  }
0x8a: {  	s1 =	srdreg.scid  }
0x8b: {  	s0 =	sand.u32 $0x1, s1  }
0x8c: {  	s14 =	sshll.u32 s0, $0xA;
	s2 =	sadd.s32 s3, s2  }
0x8d: {  	s2 =	sadd.s32 s2, s14  }
0x8e: {  	[smem:$0x3FBE] =	sst s2  }
0x8f: {  	_ = 	snop  }
0x90: {  	s2 =	sld [smem:$0x3FD0];
	_ =	sdelay $0x2  }
0x91: {  	s4 =	simm.s32 $0xB;
	s5 =	simm.s32 $0x10;
	s15 =	sld [smem:$0x3FC7]  }
0x92: {  	[smem:s5], [sflag:s4] =	dma.local [hbm:s2], $0x1  }
0x93: {  	_ =	swait.eq [sflag:s4], $0x1  }
0x94: {  	[sflag:s4] =	ssyncset.done $0x0  }
0x95: {  	[sflag:s4] =	ssyncadd.s32 $0xFFFFFFFF  }
0x96: {  	s16 =	sld [smem:$0x10];
	(tm) =	ssettm $0x1  }
0x97: {  	s17 =	sld [smem:$0x3FFB];
	_ =	sdelay $0x3  }
0x98: {  	_ =	strace s17  }
0x99: {  	s4 =	sld [smem:$0x3FFC];
	_ =	sdelay $0x3  }
0x9a: {  	_ =	strace s4  }
0x9b: {  	s4 =	sld [smem:$0x3FFD];
	_ =	sdelay $0x3  }
0x9c: {  	_ =	strace s4  }
0x9d: {  	_ =	strace $0x8FFFFFFF  }
0x9e: {  	s18 =	sld [smem:$0x3FDB];
	_ =	sdelay $0x1  }
0x9f: {  	s19 =	simm.s32 $_scs_section_size  }
0xa0: {  	s6 =	simm.s32 $_size__tile_overlayer_lowered;
	s7 =	simm.s32 $_tile_overlayer_lowered  }
0xa1: {  	s22 =	simm.s32 $0x1BFF;
	s21 =	sshll.u32 s7, $0x1;
	s4 =	sadd.s32 s19, s18  }
0xa2: {  	s8 =	simm.s32 $0x0;
	s20 =	sshll.u32 s6, $0x1;
	s6 =	sadd.s32 s21, s4  }
0xa3: {  	[timem:s8], [sflag:s22] =	dma.local [hbm:s6], s20  }
0xa4: {  	_ =	swait.ge [sflag:s22], s20  }
0xa5: {  	s5 =	ssub.s32 $0x0, s20;
	[sflag:s22] =	ssyncset.done $0x0  }
0xa6: {  	[sflag:s22] =	ssyncadd.s32 s5;
	_ =	sdelay $0x1  }
0xa7: {  	s23 =	simm.s32 $0x1B8B  }
0xa8: {  	_ =	swait.ge [sflag:s23], $0x1  }
0xa9: {  	[sflag:s23] =	ssyncset.done $0x0  }
0xaa: {  	s25 =	simm.s32 $0x1B8E;
	s24 =	sld [smem:$0x3FFE];
	[sflag:s23] =	ssyncadd.s32 $0xFFFFFFFF  }
0xab: {  	s26 =	simm.s32 $execute0_lowered;
	[smem:$0x3FD2] =	sst s25  }
0xac: {  	s6 =	sshll.u32 s26, $0x1;
	_ =	strace $0x8000004C;
	[dreg:$0x1] =	wrdreg $0xFFFFFFFF  }
0xad: {  	s28 =	simm.s32 $_size_execute0_lowered;
	s4 =	sadd.s32 s4, s6;
	[dreg:$0x0] =	wrdreg $0x0  }
0xae: {  	s6 =	sshll.u32 s28, $0x1;
	[dreg:$0x2] =	wrdreg s4  }
0xaf: {  	[dreg:$0x3] =	wrdreg s6  }
0xb0: {  	[dreg:$0x4] =	wrdreg $0xC0  }
0xb1: {  	_ =	task [dreg:s8], $0x5FFFF  }
0xb2: {  	[dreg:$0x1] =	wrdreg $0xFFFFFFFF  }
0xb3: {  	[dreg:$0x0] =	wrdreg $0x60  }
0xb4: {  	[dreg:$0x2] =	wrdreg s24  }
0xb5: {  	[dreg:$0x3] =	wrdreg s15  }
0xb6: {  	[dreg:$0x4] =	wrdreg s16  }
0xb7: {  	[dreg:$0x5] =	wrdreg $0x0  }
0xb8: {  	[dreg:$0x6] =	wrdreg $0x9  }
0xb9: {  	_ =	task.clear_ibuf [dreg:s8], $0x7FFFF;
	_ =	strace $0x9000004C  }
0xba: {  	s29 =	simm.s32 $0x9;
	_ =	strace $0x8000004E  }
0xbb: {  	_ =	swait.ge [sflag:s29], $0x1  }
0xbc: {  	[sflag:s29] =	ssyncadd.s32 $0xFFFFFFFF  }
0xbd: {  	_ =	strace $0x9000004E  }
0xbe: {  	_ =	sfence  }
0xbf: {  	s30 =	sld [smem:$0x0];
	_ =	sdelay $0x2  }
0xc0: {  	s31 =	sshll.u32 s1, $0xD;
	s1 =	sshrl.u32 s1, $0x2  }
0xc1: {  	s3 =	sand.u32 $0x4000, s31;
	s1 =	sadd.s32 s1, s30  }
0xc2: {  	s0 =	sor.u32 s3, s0;
	s1 =	sshll.u32 s1, $0x11  }
0xc3: {  	s0 =	sor.u32 s1, s0  }
0xc4: {  	s0 =	sadd.s32 $0x8F2B, s0  }
0xc5: {  	[sflag:s0] =	ssyncadd.remote.s32 $0x1  }
0xc6: {  	_ =	sfence.sel $0xFFFF  }
0xc7: {  	[dreg:$0x0] =	wrdreg $0xFFFFFFFF;
	(pc) =	sbr.abs _section_cstart, $3  }
0xc8: {  	[dreg:$0x1] =	wrdreg $0xFFFFFFFF  }
0xc9: {  	_ =	task.clear_ibuf [dreg:s8], $0x2FFFF;
	_ =	strace $0x9FFFFFFF  }
0xca: {  	(tm) =	ssettm $0x7FFFFFFF  }
0xcb: {  	_ =	shalt  }
tec
execute0_lowered:
.L_overlay_start_1:
0x0: {  	(tag) =	ssettag $0x1  }
0x1: {  	s0 =	rddreg [dreg:$0x0]  }
0x2: {  	s1 =	rddreg [dreg:$0x1]  }
0x3: {  	s3 =	rddreg [dreg:$0x2]  }
0x4: {  	s2 =	rddreg [dreg:$0x3]  }
0x5: {  	s4 =	srdreg.scid;
	s16 =	stileid.u32;
	s20 =	simm.s32 $0x1  }
0x6: {  	s28 =	simm.s32 $0x80;
	s29 =	simm.s32 $0x16010;
	s8 =	smul.u32 $0x2BF20, s16  }
0x7: {  	s30 =	simm.s32 $0x1A890;
	s31 =	simm.s32 $0x1F090;
	s10 =	smul.u32 $0x4E2, s16  }
0x8: {  	s9 =	sand.u32 $0x1, s4;
	s5 =	sadd.s32 $0xC5F200, s0;
	s11 =	smul.u32 $0x57E40, s16  }
0x9: {  	s4 =	simm.s32 $0x0;
	s6 =	sadd.s32 $0xED0200, s0;
	s7 =	smul.u32 $0x90, s9  }
0xa: {  	[smem:$0x7FF] =	sst s4;
	s15 =	ssub.s32 $0x2, s9;
	p0 =	sne.s32 s9, $0x0  }
0xb: {  	_ =	strace $0x8000004D;
	s12 =	sadd.s32 s10, s0;
	s14 =	sshrl.u32 s15, $0x1  }
0xc: {  	s11 =	sshrl.u32 s11, $0x2;
	s8 =	sadd.s32 s7, s8;
	s7 =	sadd.s32 $0x9EE200, s0  }
0xd: {  	s15 =	ssub.s32 s15, s14;
	s11 =	sadd.s32 s11, s2;
	s12 =	sadd.s32 $0x2C00, s12  }
0xe: {  	s8 =	sshrl.u32 s8, $0x3;
	s18 =	sadd.s32 $0x80, s11;
	[dreg:$0x6] =	wrdreg s12  }
0xf: {  	s12 =	sadd.s32 $0x9EE201, s0;
	s26 =	smax.u32 s15, $0x1;
	s19 =	sshrl.u32 s11, $0x3  }
0x10: {  	s11 =	simm.s32 $0x10;
	s13 =	sadd.s32 s8, s0;
	s8 =	smul.u32 $0x2710, s16  }
0x11: {  	s16 =	sshll.u32 s16, $0x6;
	[dreg:$0xb] =	wrdreg s26;
	s26 =	simm.s32 $0x1A810  }
0x12: {  	s0 =	simm.s32 $0x1F0A0;
	s10 =	sor.u32 $0x1C02, s16;
	s25 =	sadd.s32 $0x7C00, s13  }
0x13: {  	s3 =	sadd.s32 s3, s8;
	s17 =	sadd.s32 $0x2700, s8;
	[dreg:$0xa] =	wrdreg s25  }
.Ltmp0:
0x14: {  	s25 =	simm.s32 $0x15F90;
	s21 =	sshrl.u32 s17, $0x3;
	(pc) =	sbr.rel .LBB2_1-.Ltmp0, $4  }
0x15: {  	[dreg:$0x5] =	wrdreg s3;
	s14 =	sshll.u32 s17, $0x4;
	s22 =	sadd.s32 s1, s21  }
0x16: {  	s3 =	simm.s32 $0x0;
	s23 =	sadd.s32 s14, s12;
	[dreg:$0x7] =	wrdreg s22  }
0x17: {  	s24 =	sadd.s32 s7, s14;
	s21 =	simm.s32 $0x12;
	[dreg:$0x8] =	wrdreg s23  }
0x18: {  	[dreg:$0x9] =	wrdreg s24;
	s23 =	simm.s32 $0x2;
	s24 =	sshrl.u32 s18, $0x3  }
.LBB2_22:
0x19: {  	s11 =	rddreg [dreg:$0x7]  }
0x1a: {  	[tilespmem:s31], [sflag:$0x2] =	stream.linear.gather [hbm4b:s11+s4], $0x10, $0x38;
	[tilespmem:$0x1F9A0] =	vst v63  }
0x1b: {  	_ =	swait.ge [sflag:s23], $0x10  }
0x1c: {  	[sflag:s23] =	ssyncset.done $0x0  }
0x1d: {  	s9 =	sadd.s32 s9, s14;
	[sflag:s23] =	ssyncadd.s32 $0xFFFFFFF0  }
0x1e: {  	[tilespmem:s0], [sflag:$0x2] =	stream.linear.gather [hbm4b:s9+s4], $0x80, $0x38;
	[tilespmem:$0x1F9A0] =	vst v63  }
0x1f: {  	s13 =	simm.s32 $0x1F130;
	s17 =	sadd.s32 $0x10, s9  }
0x20: {  	[tilespmem:s13], [sflag:$0x2] =	stream.linear.gather [hbm4b:s17+s4], $0x80, $0x38;
	[tilespmem:$0x1F9A0] =	vst v63  }
0x21: {  	s22 =	simm.s32 $0x1F1C0;
	s18 =	sadd.s32 $0x20, s9  }
0x22: {  	[tilespmem:s22], [sflag:$0x2] =	stream.linear.gather [hbm4b:s18+s4], $0x80, $0x38;
	[tilespmem:$0x1F9A0] =	vst v63  }
0x23: {  	s16 =	sadd.s32 $0x30, s9;
	s17 =	simm.s32 $0x1F250  }
0x24: {  	[tilespmem:s17], [sflag:$0x2] =	stream.linear.gather [hbm4b:s16+s4], $0x80, $0x38;
	[tilespmem:$0x1F9A0] =	vst v63  }
0x25: {  	s18 =	sadd.s32 $0x40, s9;
	s22 =	simm.s32 $0x1F2E0  }
0x26: {  	[tilespmem:s22], [sflag:$0x2] =	stream.linear.gather [hbm4b:s18+s4], $0x80, $0x38;
	[tilespmem:$0x1F9A0] =	vst v63  }
0x27: {  	s16 =	sadd.s32 $0x50, s9;
	s17 =	simm.s32 $0x1F370  }
0x28: {  	[tilespmem:s17], [sflag:$0x2] =	stream.linear.gather [hbm4b:s16+s4], $0x80, $0x38;
	[tilespmem:$0x1F9A0] =	vst v63  }
0x29: {  	s18 =	sadd.s32 $0x60, s9;
	s22 =	simm.s32 $0x1F400  }
0x2a: {  	[tilespmem:s22], [sflag:$0x2] =	stream.linear.gather [hbm4b:s18+s4], $0x80, $0x38;
	[tilespmem:$0x1F9A0] =	vst v63  }
0x2b: {  	s16 =	sadd.s32 $0x70, s9;
	s17 =	simm.s32 $0x1F490  }
0x2c: {  	[tilespmem:s17], [sflag:$0x2] =	stream.linear.gather [hbm4b:s16+s4], $0x80, $0x38;
	[tilespmem:$0x1F9A0] =	vst v63  }
0x2d: {  	s18 =	sadd.s32 $0x80, s9;
	s22 =	simm.s32 $0x1F520  }
0x2e: {  	[tilespmem:s22], [sflag:$0x2] =	stream.linear.gather [hbm4b:s18+s4], $0x80, $0x38;
	[tilespmem:$0x1F9A0] =	vst v63  }
0x2f: {  	s16 =	sadd.s32 $0x90, s9;
	s17 =	simm.s32 $0x1F5B0  }
0x30: {  	[tilespmem:s17], [sflag:$0x2] =	stream.linear.gather [hbm4b:s16+s4], $0x80, $0x38;
	[tilespmem:$0x1F9A0] =	vst v63  }
0x31: {  	s18 =	sadd.s32 $0xA0, s9;
	s22 =	simm.s32 $0x1F640  }
0x32: {  	[tilespmem:s22], [sflag:$0x2] =	stream.linear.gather [hbm4b:s18+s4], $0x80, $0x38;
	[tilespmem:$0x1F9A0] =	vst v63  }
0x33: {  	s16 =	sadd.s32 $0xB0, s9;
	s17 =	simm.s32 $0x1F6D0  }
0x34: {  	[tilespmem:s17], [sflag:$0x2] =	stream.linear.gather [hbm4b:s16+s4], $0x80, $0x38;
	[tilespmem:$0x1F9A0] =	vst v63  }
0x35: {  	s18 =	sadd.s32 $0xC0, s9;
	s22 =	simm.s32 $0x1F760  }
0x36: {  	[tilespmem:s22], [sflag:$0x2] =	stream.linear.gather [hbm4b:s18+s4], $0x80, $0x38;
	[tilespmem:$0x1F9A0] =	vst v63  }
0x37: {  	s16 =	sadd.s32 $0xD0, s9;
	s17 =	simm.s32 $0x1F7F0  }
0x38: {  	[tilespmem:s17], [sflag:$0x2] =	stream.linear.gather [hbm4b:s16+s4], $0x80, $0x38;
	[tilespmem:$0x1F9A0] =	vst v63  }
0x39: {  	s18 =	sadd.s32 $0xE0, s9;
	s22 =	simm.s32 $0x1F880  }
0x3a: {  	[tilespmem:s22], [sflag:$0x2] =	stream.linear.gather [hbm4b:s18+s4], $0x80, $0x38;
	[tilespmem:$0x1F9A0] =	vst v63  }
0x3b: {  	s9 =	sadd.s32 $0xF0, s9;
	s16 =	simm.s32 $0x1F910  }
0x3c: {  	[tilespmem:s16], [sflag:$0x2] =	stream.linear.gather [hbm4b:s9+s4], $0x80, $0x38;
	[tilespmem:$0x1F9A0] =	vst v63  }
0x3d: {  	_ =	swait.ge [sflag:s23], $0x800  }
0x3e: {  	[sflag:s23] =	ssyncset.done $0x0  }
0x3f: {  	s17 =	simm.s32 $0x1F120;
	[sflag:s23] =	ssyncadd.s32 $0xFFFFF800  }
0x40: {  	[tilespmem:s17], [sflag:$0x2] =	stream.linear.gather [hbm4b:s15+s4], $0x8, $0x38;
	[tilespmem:$0x1F9A0] =	vst v63  }
0x41: {  	s18 =	sadd.s32 $0x10, s15;
	s22 =	simm.s32 $0x1F1B0  }
0x42: {  	[tilespmem:s22], [sflag:$0x2] =	stream.linear.gather [hbm4b:s18+s4], $0x8, $0x38;
	[tilespmem:$0x1F9A0] =	vst v63  }
0x43: {  	s11 =	sadd.s32 $0x20, s15;
	s13 =	simm.s32 $0x1F240  }
0x44: {  	[tilespmem:s13], [sflag:$0x2] =	stream.linear.gather [hbm4b:s11+s4], $0x8, $0x38;
	[tilespmem:$0x1F9A0] =	vst v63  }
0x45: {  	s16 =	sadd.s32 $0x30, s15;
	s17 =	simm.s32 $0x1F2D0  }
0x46: {  	[tilespmem:s17], [sflag:$0x2] =	stream.linear.gather [hbm4b:s16+s4], $0x8, $0x38;
	[tilespmem:$0x1F9A0] =	vst v63  }
0x47: {  	s18 =	sadd.s32 $0x40, s15;
	s22 =	simm.s32 $0x1F360  }
0x48: {  	[tilespmem:s22], [sflag:$0x2] =	stream.linear.gather [hbm4b:s18+s4], $0x8, $0x38;
	[tilespmem:$0x1F9A0] =	vst v63  }
0x49: {  	s11 =	sadd.s32 $0x50, s15;
	s13 =	simm.s32 $0x1F3F0  }
0x4a: {  	[tilespmem:s13], [sflag:$0x2] =	stream.linear.gather [hbm4b:s11+s4], $0x8, $0x38;
	[tilespmem:$0x1F9A0] =	vst v63  }
0x4b: {  	s16 =	sadd.s32 $0x60, s15;
	s17 =	simm.s32 $0x1F480  }
0x4c: {  	[tilespmem:s17], [sflag:$0x2] =	stream.linear.gather [hbm4b:s16+s4], $0x8, $0x38;
	[tilespmem:$0x1F9A0] =	vst v63  }
0x4d: {  	s18 =	sadd.s32 $0x70, s15;
	s22 =	simm.s32 $0x1F510  }
0x4e: {  	[tilespmem:s22], [sflag:$0x2] =	stream.linear.gather [hbm4b:s18+s4], $0x8, $0x38;
	[tilespmem:$0x1F9A0] =	vst v63  }
0x4f: {  	s11 =	sadd.s32 $0x80, s15;
	s13 =	simm.s32 $0x1F5A0  }
0x50: {  	[tilespmem:s13], [sflag:$0x2] =	stream.linear.gather [hbm4b:s11+s4], $0x8, $0x38;
	[tilespmem:$0x1F9A0] =	vst v63  }
0x51: {  	s16 =	sadd.s32 $0x90, s15;
	s17 =	simm.s32 $0x1F630  }
0x52: {  	[tilespmem:s17], [sflag:$0x2] =	stream.linear.gather [hbm4b:s16+s4], $0x8, $0x38;
	[tilespmem:$0x1F9A0] =	vst v63  }
0x53: {  	s18 =	sadd.s32 $0xA0, s15;
	s22 =	simm.s32 $0x1F6C0  }
0x54: {  	[tilespmem:s22], [sflag:$0x2] =	stream.linear.gather [hbm4b:s18+s4], $0x8, $0x38;
	[tilespmem:$0x1F9A0] =	vst v63  }
0x55: {  	s11 =	sadd.s32 $0xB0, s15;
	s13 =	simm.s32 $0x1F750  }
0x56: {  	[tilespmem:s13], [sflag:$0x2] =	stream.linear.gather [hbm4b:s11+s4], $0x8, $0x38;
	[tilespmem:$0x1F9A0] =	vst v63  }
0x57: {  	s16 =	sadd.s32 $0xC0, s15;
	s17 =	simm.s32 $0x1F7E0  }
0x58: {  	[tilespmem:s17], [sflag:$0x2] =	stream.linear.gather [hbm4b:s16+s4], $0x8, $0x38;
	[tilespmem:$0x1F9A0] =	vst v63  }
0x59: {  	s18 =	sadd.s32 $0xD0, s15;
	s22 =	simm.s32 $0x1F870  }
0x5a: {  	[tilespmem:s22], [sflag:$0x2] =	stream.linear.gather [hbm4b:s18+s4], $0x8, $0x38;
	[tilespmem:$0x1F9A0] =	vst v63  }
0x5b: {  	s11 =	sadd.s32 $0xE0, s15;
	s13 =	simm.s32 $0x1F900  }
0x5c: {  	[tilespmem:s13], [sflag:$0x2] =	stream.linear.gather [hbm4b:s11+s4], $0x8, $0x38;
	[tilespmem:$0x1F9A0] =	vst v63  }
0x5d: {  	s15 =	sadd.s32 $0xF0, s15;
	s16 =	simm.s32 $0x1F990  }
0x5e: {  	[tilespmem:s16], [sflag:$0x2] =	stream.linear.gather [hbm4b:s15+s4], $0x8, $0x38;
	[tilespmem:$0x1F9A0] =	vst v63  }
0x5f: {  	_ =	swait.ge [sflag:s23], $0x80  }
0x60: {  	[sflag:s23] =	ssyncset.done $0x0  }
0x61: {  	s11 =	simm.s32 $0x10;
	[sflag:s23] =	ssyncadd.s32 $0xFFFFFF80  }
0x62: {  	[spmem:s2] =	stream.indirect.scatter.add.f32 [tilespmem:s0], [sflag:$0x2], $0x90, s31, s11, $0xb8;
	[tilespmem:$0x1F9A0] =	vst v63  }
0x63: {  	_ =	swait.ge [sflag:s23], $0x900  }
0x64: {  	[sflag:s23] =	ssyncset.done $0x0  }
0x65: {  	[sflag:s23] =	ssyncadd.s32 $0xFFFFF700  }
0x66: {  	[bflag:$0x0] =	sbarrier.arrive $0xFFFF  }
0x67: {  	s18 =	simm.s32 $0x24;
	s17 =	rddreg [dreg:$0xa]  }
0x68: {  	[hbm:s17@s18], [sflag:s10] =	dma.strided [spmem:s19@s21], $0x2BF2, s23, $0x9   }
0x69: {  	_ =	swait.ge [sflag:s23], $0x2BF2  }
0x6a: {  	s3 =	sadd.s32 $0x1, s3;
	s22 =	rddreg [dreg:$0xb]  }
0x6b: {  	p1 =	sne.s32 s3, s22  }
.Ltmp1:
0x6c: {  	_ = 	snop;
	(pc) =	sbr.rel @!p1 .LBB2_23-.Ltmp1, $3  }
0x6d: {  	_ =	sdelay $0x1  }
0x6e: {  	[sflag:s23] =	ssyncset.done $0x0  }
0x6f: {  	[sflag:s23] =	ssyncadd.s32 $0xFFFFD40E  }
.LBB2_1:
0x70: {  	s9 =	rddreg [dreg:$0x5]  }
0x71: {  	[spmem:s19@s21], [sflag:s10] =	dma.strided [hbm:s9@s11], $0x2710, s20, $0x10   }
0x72: {  	_ =	swait.ge [sflag:s23], $0x2710  }
0x73: {  	[sflag:s23] =	ssyncset.done $0x0  }
0x74: {  	s22 =	rddreg [dreg:$0x6];
	[sflag:s23] =	ssyncadd.s32 $0xFFFFD8F0  }
0x75: {  	[spmem:s24@s21], [sflag:s10] =	dma.strided [hbm:s22@s23], $0x4E2, s20, $0x2   }
.Ltmp2:
0x76: {  	_ =	swait.ge [sflag:s23], $0x4E2;
	(pc) =	sbr.rel @p0 .LBB2_12-.Ltmp2, $4  }
0x77: {  	[sflag:s23] =	ssyncset.done $0x0  }
0x78: {  	[sflag:s23] =	ssyncadd.s32 $0xFFFFFB1E  }
0x79: {  	[bflag:$0x0] =	sbarrier.arrive $0xFFFF  }
0x7a: {  	s16 =	simm.s32 $0x0;
	s15 =	simm.s32 $0x0  }
.LBB2_2:
0x7b: {  	s9 =	sshll.u32 s16, $0x8  }
0x7c: {  	s15 =	sadd.s32 s8, s9  }
0x7d: {  	s9 =	sshrl.u32 s15, $0x3  }
0x7e: {  	s11 =	simm.s32 $0x0;
	s9 =	sadd.s32 s1, s9  }
0x7f: {  	[tilespmem:s25], [sflag:$0x1] =	stream.linear.gather [hbm4b:s9+s11], $0x80, $0x38;
	[tilespmem:$0x1F9A0] =	vst v63  }
0x80: {  	s9 =	sshll.u32 s15, $0x4  }
0x81: {  	s13 =	simm.s32 $0x16010;
	s11 =	sadd.s32 s5, s9  }
0x82: {  	s22 =	simm.s32 $0x10;
	s17 =	simm.s32 $0x160A0;
	s18 =	sadd.s32 $0x0, s11  }
.LBB2_3:
0x83: {  	[tilespmem:s13], [sflag:$0x1] =	stream.linear.gather [hbm4b:s18+s4], $0x80, $0x38;
	[tilespmem:$0x1F9A0] =	vst v63  }
0x84: {  	s18 =	smov.u32 s22;
	s13 =	smov.u32 s17;
	p1 =	sne.s32 s22, $0x7F0  }
.Ltmp3:
0x85: {  	s22 =	sadd.s32 $0x10, s22;
	(pc) =	sbr.rel @p1 .LBB2_3-.Ltmp3, $2  }
0x86: {  	_ =	sdelay $0x2  }
0x87: {  	s17 =	sadd.s32 $0x90, s17;
	s18 =	sadd.s32 s18, s11  }
0x88: {  	[tilespmem:s13], [sflag:$0x1] =	stream.linear.gather [hbm4b:s18+s4], $0x80, $0x38;
	[tilespmem:$0x1F9A0] =	vst v63  }
0x89: {  	s9 =	sadd.s32 s7, s9;
	s11 =	simm.s32 $0x16090  }
0x8a: {  	s13 =	simm.s32 $0x10;
	s17 =	simm.s32 $0x16120;
	s18 =	sadd.s32 $0x0, s9  }
.LBB2_5:
0x8b: {  	[tilespmem:s11], [sflag:$0x1] =	stream.linear.gather [hbm4b:s18+s4], $0x8, $0x38;
	[tilespmem:$0x1F9A0] =	vst v63  }
0x8c: {  	s18 =	smov.u32 s13;
	s11 =	smov.u32 s17;
	p1 =	sne.s32 s13, $0x7F0  }
.Ltmp4:
0x8d: {  	s13 =	sadd.s32 $0x10, s13;
	(pc) =	sbr.rel @p1 .LBB2_5-.Ltmp4, $2  }
0x8e: {  	_ =	sdelay $0x2  }
0x8f: {  	s17 =	sadd.s32 $0x90, s17;
	s18 =	sadd.s32 s18, s9  }
0x90: {  	[tilespmem:s11], [sflag:$0x1] =	stream.linear.gather [hbm4b:s18+s4], $0x8, $0x38;
	[tilespmem:$0x1F9A0] =	vst v63  }
0x91: {  	s9 =	sadd.s32 $0x80, s15  }
0x92: {  	s22 =	sshrl.u32 s9, $0x3  }
0x93: {  	s13 =	simm.s32 $0x0;
	s9 =	sshll.u32 s9, $0x4;
	s11 =	sadd.s32 s1, s22  }
0x94: {  	[tilespmem:s26], [sflag:$0x1] =	stream.linear.gather [hbm4b:s11+s13], $0x80, $0x38;
	[tilespmem:$0x1F9A0] =	vst v63  }
0x95: {  	s15 =	simm.s32 $0x10;
	s11 =	sadd.s32 s5, s9  }
0x96: {  	s17 =	simm.s32 $0x1A920;
	s13 =	simm.s32 $0x1A890;
	s18 =	sadd.s32 $0x0, s11  }
.LBB2_7:
0x97: {  	[tilespmem:s13], [sflag:$0x1] =	stream.linear.gather [hbm4b:s18+s4], $0x80, $0x38;
	[tilespmem:$0x1F9A0] =	vst v63  }
0x98: {  	s18 =	smov.u32 s15;
	s13 =	smov.u32 s17;
	p1 =	sne.s32 s15, $0x7F0  }
.Ltmp5:
0x99: {  	s15 =	sadd.s32 $0x10, s15;
	(pc) =	sbr.rel @p1 .LBB2_7-.Ltmp5, $2  }
0x9a: {  	_ =	sdelay $0x2  }
0x9b: {  	s17 =	sadd.s32 $0x90, s17;
	s18 =	sadd.s32 s18, s11  }
0x9c: {  	[tilespmem:s13], [sflag:$0x1] =	stream.linear.gather [hbm4b:s18+s4], $0x80, $0x38;
	[tilespmem:$0x1F9A0] =	vst v63  }
0x9d: {  	s9 =	sadd.s32 s7, s9;
	s11 =	simm.s32 $0x1A910  }
0x9e: {  	s13 =	simm.s32 $0x10;
	s15 =	simm.s32 $0x1A9A0;
	s17 =	sadd.s32 $0x0, s9  }
.LBB2_9:
0x9f: {  	[tilespmem:s11], [sflag:$0x1] =	stream.linear.gather [hbm4b:s17+s4], $0x8, $0x38;
	[tilespmem:$0x1F9A0] =	vst v63  }
0xa0: {  	s17 =	smov.u32 s13;
	s11 =	smov.u32 s15;
	p1 =	sne.s32 s13, $0x7F0  }
.Ltmp6:
0xa1: {  	s13 =	sadd.s32 $0x10, s13;
	(pc) =	sbr.rel @p1 .LBB2_9-.Ltmp6, $2  }
0xa2: {  	_ =	sdelay $0x2  }
0xa3: {  	s15 =	sadd.s32 $0x90, s15;
	s17 =	sadd.s32 s17, s9  }
0xa4: {  	[tilespmem:s11], [sflag:$0x1] =	stream.linear.gather [hbm4b:s17+s4], $0x8, $0x38;
	[tilespmem:$0x1F9A0] =	vst v63  }
0xa5: {  	_ =	swait.ge [sflag:s20], $0x80  }
0xa6: {  	[sflag:s20] =	ssyncset.done $0x0  }
0xa7: {  	[sflag:s20] =	ssyncadd.s32 $0xFFFFFF80  }
0xa8: {  	_ =	swait.ge [sflag:s20], $0x4000  }
0xa9: {  	[sflag:s20] =	ssyncset.done $0x0  }
0xaa: {  	[sflag:s20] =	ssyncadd.s32 $0xFFFFC000  }
0xab: {  	_ =	swait.ge [sflag:s20], $0x400  }
0xac: {  	[sflag:s20] =	ssyncset.done $0x0  }
0xad: {  	[sflag:s20] =	ssyncadd.s32 $0xFFFFFC00  }
0xae: {  	[spmem:s2] =	stream.indirect.scatter.add.f32 [tilespmem:s29], [sflag:$0x2], $0x90, s25, s28, $0xb8;
	[tilespmem:$0x1F9A0] =	vst v63  }
0xaf: {  	_ =	swait.ge [sflag:s23], $0x4800  }
0xb0: {  	[sflag:s23] =	ssyncset.done $0x0  }
0xb1: {  	[sflag:s23] =	ssyncadd.s32 $0xFFFFB800  }
0xb2: {  	_ =	swait.ge [sflag:s20], $0x80  }
0xb3: {  	[sflag:s20] =	ssyncset.done $0x0  }
0xb4: {  	[sflag:s20] =	ssyncadd.s32 $0xFFFFFF80  }
0xb5: {  	_ =	swait.ge [sflag:s20], $0x4000  }
0xb6: {  	[sflag:s20] =	ssyncset.done $0x0  }
0xb7: {  	[sflag:s20] =	ssyncadd.s32 $0xFFFFC000  }
0xb8: {  	s16 =	sadd.s32 $0x1, s16;
	_ =	swait.ge [sflag:s20], $0x400  }
0xb9: {  	p1 =	seq.s32 s16, $0x27;
	[sflag:s20] =	ssyncset.done $0x0  }
.Ltmp7:
0xba: {  	[sflag:s20] =	ssyncadd.s32 $0xFFFFFC00;
	(pc) =	sbr.rel @!p1 .LBB2_2-.Ltmp7, $4  }
0xbb: {  	[spmem:s2] =	stream.indirect.scatter.add.f32 [tilespmem:s30], [sflag:$0x2], $0x90, s26, s28, $0xb8;
	[tilespmem:$0x1F9A0] =	vst v63  }
0xbc: {  	_ =	swait.ge [sflag:s23], $0x4800  }
0xbd: {  	[sflag:s23] =	ssyncset.done $0x0  }
0xbe: {  	[sflag:s23] =	ssyncadd.s32 $0xFFFFB800  }
.Ltmp8:
0xbf: {  	(pc) =	sbr.rel .LBB2_22-.Ltmp8, $2  }
0xc0: {  	_ =	sdelay $0x2  }
0xc1: {  	s9 =	smov.u32 s5;
	s15 =	rddreg [dreg:$0x9]  }
.LBB2_12:
0xc2: {  	s9 =	sshll.u32 s15, $0x8  }
0xc3: {  	s16 =	sadd.s32 s8, s9  }
0xc4: {  	s9 =	sshrl.u32 s16, $0x3  }
0xc5: {  	s11 =	simm.s32 $0x0;
	s9 =	sadd.s32 s1, s9  }
0xc6: {  	[tilespmem:s25], [sflag:$0x1] =	stream.linear.gather [hbm4b:s9+s11], $0x80, $0x38;
	[tilespmem:$0x1F9A0] =	vst v63  }
0xc7: {  	s9 =	sshll.u32 s16, $0x4  }
0xc8: {  	s13 =	simm.s32 $0x16010;
	s11 =	sadd.s32 s6, s9  }
0xc9: {  	s22 =	simm.s32 $0x10;
	s17 =	simm.s32 $0x160A0;
	s18 =	sadd.s32 $0x0, s11  }
.LBB2_13:
0xca: {  	[tilespmem:s13], [sflag:$0x1] =	stream.linear.gather [hbm4b:s18+s4], $0x80, $0x38;
	[tilespmem:$0x1F9A0] =	vst v63  }
0xcb: {  	s18 =	smov.u32 s22;
	s13 =	smov.u32 s17;
	p1 =	sne.s32 s22, $0x7F0  }
.Ltmp9:
0xcc: {  	s22 =	sadd.s32 $0x10, s22;
	(pc) =	sbr.rel @p1 .LBB2_13-.Ltmp9, $2  }
0xcd: {  	_ =	sdelay $0x2  }
0xce: {  	s17 =	sadd.s32 $0x90, s17;
	s18 =	sadd.s32 s18, s11  }
0xcf: {  	[tilespmem:s13], [sflag:$0x1] =	stream.linear.gather [hbm4b:s18+s4], $0x80, $0x38;
	[tilespmem:$0x1F9A0] =	vst v63  }
0xd0: {  	s9 =	sadd.s32 s9, s12;
	s11 =	simm.s32 $0x16090  }
0xd1: {  	s13 =	simm.s32 $0x10;
	s17 =	simm.s32 $0x16120;
	s18 =	sadd.s32 $0x0, s9  }
.LBB2_15:
0xd2: {  	[tilespmem:s11], [sflag:$0x1] =	stream.linear.gather [hbm4b:s18+s4], $0x8, $0x38;
	[tilespmem:$0x1F9A0] =	vst v63  }
0xd3: {  	s18 =	smov.u32 s13;
	s11 =	smov.u32 s17;
	p1 =	sne.s32 s13, $0x7F0  }
.Ltmp10:
0xd4: {  	s13 =	sadd.s32 $0x10, s13;
	(pc) =	sbr.rel @p1 .LBB2_15-.Ltmp10, $2  }
0xd5: {  	_ =	sdelay $0x2  }
0xd6: {  	s17 =	sadd.s32 $0x90, s17;
	s18 =	sadd.s32 s18, s9  }
0xd7: {  	[tilespmem:s11], [sflag:$0x1] =	stream.linear.gather [hbm4b:s18+s4], $0x8, $0x38;
	[tilespmem:$0x1F9A0] =	vst v63  }
0xd8: {  	s9 =	sadd.s32 $0x80, s16  }
0xd9: {  	s22 =	sshrl.u32 s9, $0x3  }
0xda: {  	s13 =	simm.s32 $0x0;
	s9 =	sshll.u32 s9, $0x4;
	s11 =	sadd.s32 s1, s22  }
0xdb: {  	[tilespmem:s26], [sflag:$0x1] =	stream.linear.gather [hbm4b:s11+s13], $0x80, $0x38;
	[tilespmem:$0x1F9A0] =	vst v63  }
0xdc: {  	s16 =	simm.s32 $0x10;
	s11 =	sadd.s32 s6, s9  }
0xdd: {  	s17 =	simm.s32 $0x1A920;
	s13 =	simm.s32 $0x1A890;
	s18 =	sadd.s32 $0x0, s11  }
.LBB2_17:
0xde: {  	[tilespmem:s13], [sflag:$0x1] =	stream.linear.gather [hbm4b:s18+s4], $0x80, $0x38;
	[tilespmem:$0x1F9A0] =	vst v63  }
0xdf: {  	s18 =	smov.u32 s16;
	s13 =	smov.u32 s17;
	p1 =	sne.s32 s16, $0x7F0  }
.Ltmp11:
0xe0: {  	s16 =	sadd.s32 $0x10, s16;
	(pc) =	sbr.rel @p1 .LBB2_17-.Ltmp11, $2  }
0xe1: {  	_ =	sdelay $0x2  }
0xe2: {  	s17 =	sadd.s32 $0x90, s17;
	s18 =	sadd.s32 s18, s11  }
0xe3: {  	[tilespmem:s13], [sflag:$0x1] =	stream.linear.gather [hbm4b:s18+s4], $0x80, $0x38;
	[tilespmem:$0x1F9A0] =	vst v63  }
0xe4: {  	s9 =	sadd.s32 s9, s12;
	s11 =	simm.s32 $0x1A910  }
0xe5: {  	s13 =	simm.s32 $0x10;
	s16 =	simm.s32 $0x1A9A0;
	s17 =	sadd.s32 $0x0, s9  }
.LBB2_19:
0xe6: {  	[tilespmem:s11], [sflag:$0x1] =	stream.linear.gather [hbm4b:s17+s4], $0x8, $0x38;
	[tilespmem:$0x1F9A0] =	vst v63  }
0xe7: {  	s17 =	smov.u32 s13;
	s11 =	smov.u32 s16;
	p1 =	sne.s32 s13, $0x7F0  }
.Ltmp12:
0xe8: {  	s13 =	sadd.s32 $0x10, s13;
	(pc) =	sbr.rel @p1 .LBB2_19-.Ltmp12, $2  }
0xe9: {  	_ =	sdelay $0x2  }
0xea: {  	s16 =	sadd.s32 $0x90, s16;
	s17 =	sadd.s32 s17, s9  }
0xeb: {  	[tilespmem:s11], [sflag:$0x1] =	stream.linear.gather [hbm4b:s17+s4], $0x8, $0x38;
	[tilespmem:$0x1F9A0] =	vst v63  }
0xec: {  	_ =	swait.ge [sflag:s20], $0x80  }
0xed: {  	[sflag:s20] =	ssyncset.done $0x0  }
0xee: {  	[sflag:s20] =	ssyncadd.s32 $0xFFFFFF80  }
0xef: {  	_ =	swait.ge [sflag:s20], $0x4000  }
0xf0: {  	[sflag:s20] =	ssyncset.done $0x0  }
0xf1: {  	[sflag:s20] =	ssyncadd.s32 $0xFFFFC000  }
0xf2: {  	_ =	swait.ge [sflag:s20], $0x400  }
0xf3: {  	[sflag:s20] =	ssyncset.done $0x0  }
0xf4: {  	[sflag:s20] =	ssyncadd.s32 $0xFFFFFC00  }
0xf5: {  	[spmem:s2] =	stream.indirect.scatter.add.f32 [tilespmem:s29], [sflag:$0x2], $0x90, s25, s28, $0xb8;
	[tilespmem:$0x1F9A0] =	vst v63  }
0xf6: {  	_ =	swait.ge [sflag:s23], $0x4800  }
0xf7: {  	[sflag:s23] =	ssyncset.done $0x0  }
0xf8: {  	[sflag:s23] =	ssyncadd.s32 $0xFFFFB800  }
0xf9: {  	_ =	swait.ge [sflag:s20], $0x80  }
0xfa: {  	[sflag:s20] =	ssyncset.done $0x0  }
0xfb: {  	[sflag:s20] =	ssyncadd.s32 $0xFFFFFF80  }
0xfc: {  	_ =	swait.ge [sflag:s20], $0x4000  }
0xfd: {  	[sflag:s20] =	ssyncset.done $0x0  }
0xfe: {  	[sflag:s20] =	ssyncadd.s32 $0xFFFFC000  }
0xff: {  	s15 =	sadd.s32 $0x1, s15;
	_ =	swait.ge [sflag:s20], $0x400  }
0x100: {  	p1 =	sne.s32 s15, $0x27;
	[sflag:s20] =	ssyncset.done $0x0  }
.Ltmp13:
0x101: {  	[sflag:s20] =	ssyncadd.s32 $0xFFFFFC00;
	(pc) =	sbr.rel @p1 .LBB2_12-.Ltmp13, $4  }
0x102: {  	[spmem:s2] =	stream.indirect.scatter.add.f32 [tilespmem:s30], [sflag:$0x2], $0x90, s26, s28, $0xb8;
	[tilespmem:$0x1F9A0] =	vst v63  }
0x103: {  	_ =	swait.ge [sflag:s23], $0x4800  }
0x104: {  	[sflag:s23] =	ssyncset.done $0x0  }
0x105: {  	[sflag:s23] =	ssyncadd.s32 $0xFFFFB800  }
.Ltmp14:
0x106: {  	(pc) =	sbr.rel .LBB2_22-.Ltmp14, $2  }
0x107: {  	_ =	sdelay $0x2  }
0x108: {  	s9 =	smov.u32 s6;
	s15 =	rddreg [dreg:$0x8]  }
.LBB2_23:
0x109: {  	_ =	sfence.sel $0x180000  }
0x10a: {  	[bflag:$0x0] =	sbarrier.arrive $0xFFFF  }
0x10b: {  	_ =	strace $0x9000004D  }
0x10c: {  	s0 =	stileid.u32;
	[bflag:$0x2] =	sbarrier.arrive $0xFFFF  }
0x10d: {  	p0 =	sne.s32 s0, $0x0;
	s0 =	rddreg [dreg:$0x4]  }
0x10e: {  	s0 =	sadd.s32 @!p0 $0x100000, s0  }
0x10f: {  	[sflag:s0] =	ssyncadd.tile.s32 @!p0 $0x1;
	_ =	shalt  }
.Lfunc_end2:
_tile_overlayer_lowered:
.L_overlay_start_2:
0x110: {  	(tag) =	ssettag $0x2  }
0x111: {  	s0 =	rddreg [dreg:$0x0];
	s2 =	stileid.u32  }
0x112: {  	s1 =	rddreg [dreg:$0x1];
	p0 =	sne.s32 s2, $0x0  }
0x113: {  	s3 =	rddreg [dreg:$0x2];
	[bflag:$0x3] =	sbarrier.arrive $0xFFFF;
	s2 =	simm.s32 @!p0 $0x1C02  }
0x114: {  	[timem:s3], [sflag:s2] =	dma.local @!p0 [hbm:s0], s1  }
0x115: {  	s0 =	simm.s32 @!p0 $0x2  }
0x116: {  	_ =	swait.ge @!p0 [sflag:s0], s1  }
0x117: {  	s1 =	ssub.s32 @!p0 $0x0, s1;
	[sflag:s0] =	ssyncset.done @!p0 $0x0  }
0x118: {  	[sflag:s0] =	ssyncadd.s32 @!p0 s1  }
0x119: {  	[bflag:$0x3] =	sbarrier.arrive $0xFFFF  }
0x11a: {  	_ =	shalt  }

// kernel: kernel.9.cloned.1.call-start
scs
__scs_entry_jumppad:
0x0: {  	(pc) =	sbr.rel $0x88, $3  }
0x1: {  	(tag) =	ssettag $0x0;
	lr =	simm.s32 $0x1  }
0x2: {  	[smem:$0x3F97] =	sst lr;
	_ =	strace $0xD0000000  }
0x3: {  	_ = 	snop  }
0x4: {  	_ = 	snop  }
0x5: {  	_ = 	snop  }
0x6: {  	_ = 	snop  }
0x7: {  	_ = 	snop  }
__scs_overlays_trampoline_lowered:
0x8: {  	[smem:$0x3FA6] =	sst s0  }
0x9: {  	[smem:$0x3FA7] =	sst s1  }
0xa: {  	[smem:$0x3FA8] =	sst s2  }
0xb: {  	[smem:$0x3FA9] =	sst s3  }
0xc: {  	[smem:$0x3FAA] =	sst s4  }
0xd: {  	[smem:$0x3FAB] =	sst s5  }
0xe: {  	[smem:$0x3FAC] =	sst s6  }
0xf: {  	[smem:$0x3FAD] =	sst s7  }
0x10: {  	[smem:$0x3FAE] =	sst s8  }
0x11: {  	[smem:$0x3FAF] =	sst s9;
	s0 =	simm.s32 @!p0 $0x0  }
0x12: {  	s1 =	sld [smem:$0x3F95];
	s0 =	simm.s32 @p0 $0x1  }
0x13: {  	[smem:$0x3FB0] =	sst s0;
	s0 =	simm.s32 @!p1 $0x0  }
0x14: {  	s2 =	sld [smem:$0x3F94];
	s0 =	simm.s32 @p1 $0x1  }
0x15: {  	[smem:$0x3FB1] =	sst s0;
	s0 =	simm.s32 @!p2 $0x0  }
0x16: {  	s3 =	sld [smem:$0x3FDB];
	s0 =	simm.s32 @p2 $0x1  }
0x17: {  	s4 =	simm.s32 $0x1BF5;
	[smem:$0x3FB3] =	sst s0  }
0x18: {  	s0 =	sld [smem:$0x3F96];
	_ =	swait.ge [sflag:s4], $0x0  }
0x19: {  	s7 =	sld [smem:$0x3F97]  }
0x1a: {  	s8 =	sadd.s32 $0xFFFFE003, lr  }
0x1b: {  	s9 =	sadd.s32 $0xFFFFFEF7, lr;
	s5 =	simm.s32 $0xFFFFFFFF;
	p2 =	slt.u32 s8, $0xFFFFF086  }
0x1c: {  	p1 =	slt.u32 s9, $0xF7A;
	s5 =	simm.s32 @!p2 $0x0  }
0x1d: {  	s5 =	simm.s32 @p1 $0x1;
	p0 =	seq.s32 s7, s2  }
0x1e: {  	s7 =	smul.u32 @!p0 $0xF7A, s2;
	p2 =	seq.s32 @!p0 s5, $0x0  }
0x1f: {  	s9 =	smul.u32 $0xF7A, s1;
	s8 =	simm.s32 @!p0 $0x1BF5;
	p2 =	por !p2, p0  }
0x20: {  	[sflag:s8] =	ssyncset.s32 @!p0 $0xFFFFF086;
	s6 =	sadd.s32 @!p0 s3, s7;
	s7 =	simm.s32 @!p0 $0x108  }
0x21: {  	s3 =	sadd.s32 s3, s9;
	s6 =	sadd.s32 @!p0 $0x88, s6;
	s7 =	simm.s32 @p2 $0x1082  }
0x22: {  	[simem:s7], [sflag:s8] =	dma.local @!p0 [hbm:s6], $0xF7A  }
0x23: {  	s9 =	sor.u32 $0xD0000000, s2;
	s6 =	simm.s32 $0x108;
	_ =	swait.ge @!p0 [sflag:s8], $0x0  }
0x24: {  	s3 =	sadd.s32 $0x88, s3;
	s6 =	simm.s32 @!p1 $0x1082;
	[sflag:s4] =	ssyncset.s32 $0xFFFFF086  }
0x25: {  	[simem:s6], [sflag:s4] =	dma.local [hbm:s3], $0xF7A  }
0x26: {  	[smem:$0x3F97] =	sst s1;
	(tag) =	ssettag s2;
	_ =	strace s9  }
0x27: {  	s1 =	sld [smem:$0x3FA7]  }
0x28: {  	s2 =	sld [smem:$0x3FA8]  }
0x29: {  	s4 =	sld [smem:$0x3FAA]  }
0x2a: {  	p0 =	seq.s32 s5, $0x0;
	s5 =	sld [smem:$0x3FAB]  }
0x2b: {  	s6 =	sld [smem:$0x3FAC]  }
0x2c: {  	s7 =	sld [smem:$0x3FAD]  }
0x2d: {  	s3 =	simm.s32 $0x108;
	s8 =	sld [smem:$0x3FAE]  }
0x2e: {  	s3 =	simm.s32 @!p0 $0x1082;
	s9 =	sld [smem:$0x3FAF]  }
0x2f: {  	lr =	sadd.s32 s0, s3;
	s0 =	sld [smem:$0x3FA6]  }
0x30: {  	s3 =	sld [smem:$0x3FA9]  }
0x31: {  	[smem:$0x3FB2] =	sst s10  }
0x32: {  	s10 =	sld [smem:$0x3FB0];
	_ =	sdelay $0x3  }
0x33: {  	p0 =	seq.s32 s10, $0x1;
	s10 =	sld [smem:$0x3FB2];
	_ =	sdelay $0x3  }
0x34: {  	[smem:$0x3FB2] =	sst s10  }
0x35: {  	s10 =	sld [smem:$0x3FB1];
	_ =	sdelay $0x3  }
0x36: {  	p1 =	seq.s32 s10, $0x1;
	s10 =	sld [smem:$0x3FB2];
	_ =	sdelay $0x3  }
0x37: {  	[smem:$0x3FB2] =	sst s10  }
0x38: {  	s10 =	sld [smem:$0x3FB3]  }
0x39: {  	_ = 	snop;
	(pc) =	sbr.ind lr, $3  }
0x3a: {  	_ = 	snop  }
0x3b: {  	_ = 	snop  }
0x3c: {  	p2 =	seq.s32 s10, $0x1;
	s10 =	sld [smem:$0x3FB2]  }
0x3d: {  	_ =	shalt  }
0x3e: {  	_ =	shalt  }
0x3f: {  	_ =	shalt  }
0x40: {  	_ =	shalt  }
0x41: {  	_ =	shalt  }
0x42: {  	_ =	shalt  }
0x43: {  	_ =	shalt  }
0x44: {  	_ =	shalt  }
0x45: {  	_ =	shalt  }
0x46: {  	_ =	shalt  }
0x47: {  	_ =	shalt  }
0x48: {  	_ =	shalt  }
0x49: {  	_ =	shalt  }
0x4a: {  	_ =	shalt  }
0x4b: {  	_ =	shalt  }
0x4c: {  	_ =	shalt  }
0x4d: {  	_ =	shalt  }
0x4e: {  	_ =	shalt  }
0x4f: {  	_ =	shalt  }
0x50: {  	_ =	shalt  }
0x51: {  	_ =	shalt  }
0x52: {  	_ =	shalt  }
0x53: {  	_ =	shalt  }
0x54: {  	_ =	shalt  }
0x55: {  	_ =	shalt  }
0x56: {  	_ =	shalt  }
0x57: {  	_ =	shalt  }
0x58: {  	_ =	shalt  }
0x59: {  	_ =	shalt  }
0x5a: {  	_ =	shalt  }
0x5b: {  	_ =	shalt  }
0x5c: {  	_ =	shalt  }
0x5d: {  	_ =	shalt  }
0x5e: {  	_ =	shalt  }
0x5f: {  	_ =	shalt  }
0x60: {  	_ =	shalt  }
0x61: {  	_ =	shalt  }
0x62: {  	_ =	shalt  }
0x63: {  	_ =	shalt  }
0x64: {  	_ =	shalt  }
0x65: {  	_ =	shalt  }
0x66: {  	_ =	shalt  }
0x67: {  	_ =	shalt  }
0x68: {  	_ =	shalt  }
0x69: {  	_ =	shalt  }
0x6a: {  	_ =	shalt  }
0x6b: {  	_ =	shalt  }
0x6c: {  	_ =	shalt  }
0x6d: {  	_ =	shalt  }
0x6e: {  	_ =	shalt  }
0x6f: {  	_ =	shalt  }
0x70: {  	_ =	shalt  }
0x71: {  	_ =	shalt  }
0x72: {  	_ =	shalt  }
0x73: {  	_ =	shalt  }
0x74: {  	_ =	shalt  }
0x75: {  	_ =	shalt  }
0x76: {  	_ =	shalt  }
0x77: {  	_ =	shalt  }
0x78: {  	_ =	shalt  }
0x79: {  	_ =	shalt  }
0x7a: {  	_ =	shalt  }
0x7b: {  	_ =	shalt  }
0x7c: {  	_ =	shalt  }
0x7d: {  	_ =	shalt  }
0x7e: {  	_ =	shalt  }
0x7f: {  	_ =	shalt  }
0x80: {  	_ =	shalt  }
0x81: {  	_ =	shalt  }
0x82: {  	_ =	shalt  }
0x83: {  	_ =	shalt  }
0x84: {  	_ =	shalt  }
0x85: {  	_ =	shalt  }
0x86: {  	_ =	shalt  }
0x87: {  	_ =	shalt  }
.Lfunc_end0:
.L_simem_size_0:
called_computation_lowered:
.L_overlay_start_0:
0x88: {  	s2 =	sld [smem:$0x3FD9]  }
0x89: {  	s3 =	sld [smem:$0x3FFE];
	_ =	sdelay $0x1  }
0x8a: {  	s1 =	srdreg.scid  }
0x8b: {  	s0 =	sand.u32 $0x1, s1  }
0x8c: {  	s14 =	sshll.u32 s0, $0xA;
	s2 =	sadd.s32 s3, s2  }
0x8d: {  	s2 =	sadd.s32 s2, s14  }
0x8e: {  	[smem:$0x3FBE] =	sst s2  }
0x8f: {  	_ = 	snop  }
0x90: {  	s2 =	sld [smem:$0x3FD0];
	_ =	sdelay $0x1  }
0x91: {  	s15 =	sld [smem:$0x3FC7]  }
0x92: {  	s5 =	simm.s32 $0xB;
	s6 =	simm.s32 $0x10;
	s4 =	sld [smem:$0x3FC6]  }
0x93: {  	[smem:s6], [sflag:s5] =	dma.local [hbm:s2], $0x1  }
0x94: {  	_ =	swait.eq [sflag:s5], $0x1  }
0x95: {  	[sflag:s5] =	ssyncset.done $0x0  }
0x96: {  	s16 =	sld [smem:$0x10];
	[sflag:s5] =	ssyncadd.s32 $0xFFFFFFFF  }
0x97: {  	s17 =	sld [smem:$0x11];
	(tm) =	ssettm $0x1  }
0x98: {  	s18 =	sld [smem:$0x3FFB];
	_ =	sdelay $0x3  }
0x99: {  	_ =	strace s18  }
0x9a: {  	s6 =	sld [smem:$0x3FFC];
	_ =	sdelay $0x3  }
0x9b: {  	_ =	strace s6  }
0x9c: {  	s6 =	sld [smem:$0x3FFD];
	_ =	sdelay $0x3  }
0x9d: {  	_ =	strace s6  }
0x9e: {  	_ =	strace $0x8FFFFFFF  }
0x9f: {  	s19 =	sld [smem:$0x3FDB];
	_ =	sdelay $0x1  }
0xa0: {  	s7 =	simm.s32 $_scs_section_size  }
0xa1: {  	s8 =	simm.s32 $_size__tile_overlayer_lowered;
	s9 =	simm.s32 $_tile_overlayer_lowered  }
0xa2: {  	s22 =	simm.s32 $0x1BFF;
	s21 =	sshll.u32 s9, $0x1;
	s6 =	sadd.s32 s7, s19  }
0xa3: {  	s10 =	simm.s32 $0x0;
	s20 =	sshll.u32 s8, $0x1;
	s8 =	sadd.s32 s21, s6  }
0xa4: {  	[timem:s10], [sflag:s22] =	dma.local [hbm:s8], s20  }
0xa5: {  	_ =	swait.ge [sflag:s22], s20  }
0xa6: {  	s7 =	ssub.s32 $0x0, s20;
	[sflag:s22] =	ssyncset.done $0x0  }
0xa7: {  	[sflag:s22] =	ssyncadd.s32 s7;
	_ =	sdelay $0x1  }
0xa8: {  	s23 =	simm.s32 $0x1B8B  }
0xa9: {  	_ =	swait.ge [sflag:s23], $0x1  }
0xaa: {  	[sflag:s23] =	ssyncset.done $0x0  }
0xab: {  	s25 =	simm.s32 $0x1B8E;
	s24 =	sld [smem:$0x3FFE];
	[sflag:s23] =	ssyncadd.s32 $0xFFFFFFFF  }
0xac: {  	s26 =	simm.s32 $execute0_lowered;
	[smem:$0x3FD2] =	sst s25  }
0xad: {  	s8 =	sshll.u32 s26, $0x1;
	_ =	strace $0x80000046;
	[dreg:$0x1] =	wrdreg $0xFFFFFFFF  }
0xae: {  	s28 =	simm.s32 $_size_execute0_lowered;
	s6 =	sadd.s32 s6, s8;
	[dreg:$0x0] =	wrdreg $0x0  }
0xaf: {  	s8 =	sshll.u32 s28, $0x1;
	[dreg:$0x2] =	wrdreg s6  }
0xb0: {  	[dreg:$0x3] =	wrdreg s8  }
0xb1: {  	[dreg:$0x4] =	wrdreg $0xC0  }
0xb2: {  	_ =	task [dreg:s10], $0x5FFFF  }
0xb3: {  	[dreg:$0x1] =	wrdreg $0xFFFFFFFF  }
0xb4: {  	[dreg:$0x0] =	wrdreg $0x60  }
0xb5: {  	[dreg:$0x2] =	wrdreg s17  }
0xb6: {  	[dreg:$0x3] =	wrdreg s16  }
0xb7: {  	[dreg:$0x4] =	wrdreg s24  }
0xb8: {  	[dreg:$0x5] =	wrdreg s15  }
0xb9: {  	[dreg:$0x6] =	wrdreg s4  }
0xba: {  	[dreg:$0x7] =	wrdreg $0x9  }
0xbb: {  	_ =	task.clear_ibuf [dreg:s10], $0x8FFFF;
	_ =	strace $0x90000046  }
0xbc: {  	s29 =	simm.s32 $0x9;
	_ =	strace $0x80000048  }
0xbd: {  	_ =	swait.ge [sflag:s29], $0x1  }
0xbe: {  	[sflag:s29] =	ssyncadd.s32 $0xFFFFFFFF  }
0xbf: {  	_ =	strace $0x90000048  }
0xc0: {  	_ =	sfence  }
0xc1: {  	s30 =	sld [smem:$0x0];
	_ =	sdelay $0x2  }
0xc2: {  	s31 =	sshll.u32 s1, $0xD;
	s1 =	sshrl.u32 s1, $0x2  }
0xc3: {  	s3 =	sand.u32 $0x4000, s31;
	s1 =	sadd.s32 s1, s30  }
0xc4: {  	s0 =	sor.u32 s3, s0;
	s1 =	sshll.u32 s1, $0x11  }
0xc5: {  	s0 =	sor.u32 s1, s0  }
0xc6: {  	s0 =	sadd.s32 $0x8F2B, s0  }
0xc7: {  	[sflag:s0] =	ssyncadd.remote.s32 $0x1  }
0xc8: {  	_ =	sfence.sel $0xFFFF  }
0xc9: {  	[dreg:$0x0] =	wrdreg $0xFFFFFFFF;
	(pc) =	sbr.abs _section_cstart, $3  }
0xca: {  	[dreg:$0x1] =	wrdreg $0xFFFFFFFF  }
0xcb: {  	_ =	task.clear_ibuf [dreg:s10], $0x2FFFF;
	_ =	strace $0x9FFFFFFF  }
0xcc: {  	(tm) =	ssettm $0x7FFFFFFF  }
0xcd: {  	_ =	shalt  }
tec
execute0_lowered:
.L_overlay_start_1:
0x0: {  	(tag) =	ssettag $0x1  }
0x1: {  	s1 =	rddreg [dreg:$0x0]  }
0x2: {  	s2 =	rddreg [dreg:$0x1]  }
0x3: {  	s6 =	rddreg [dreg:$0x2]  }
0x4: {  	s7 =	rddreg [dreg:$0x3]  }
0x5: {  	s8 =	rddreg [dreg:$0x4]  }
0x6: {  	s0 =	rddreg [dreg:$0x5]  }
0x7: {  	s5 =	srdreg.scid;
	s3 =	stileid.u32;
	s4 =	simm.s32 $0x0  }
0x8: {  	s18 =	simm.s32 $0x53B0;
	s19 =	simm.s32 $0x93B0;
	s20 =	simm.s32 $0x1  }
0x9: {  	s21 =	simm.s32 $0x2;
	s22 =	simm.s32 $0x58;
	s23 =	simm.s32 $0x980  }
0xa: {  	s24 =	simm.s32 $0x1358;
	s25 =	simm.s32 $0x0;
	s11 =	sand.u32 $0x1, s5  }
0xb: {  	s28 =	sshll.u32 s3, $0x1;
	[smem:$0x7FF] =	sst s4;
	s5 =	sadd.s32 $0x2C00, s6  }
0xc: {  	s12 =	sadd.s32 $0x164E00, s6;
	s17 =	smul.u32 $0x13B00, s3;
	s9 =	sor.u32 s11, s28  }
0xd: {  	s14 =	sadd.s32 $0x29E00, s6;
	s13 =	sadd.s32 $0x29FE00, s6;
	s10 =	smul.u32 $0x9D8, s9  }
0xe: {  	_ =	strace $0x80000047;
	s29 =	ssub.s32 $0x2, s11;
	s9 =	smul.u32 $0x4EC00, s9  }
0xf: {  	s30 =	smul.u32 $0x9D80, s11;
	s15 =	sshrl.u32 s29, $0x1;
	s31 =	sadd.s32 s17, s12  }
0x10: {  	s15 =	ssub.s32 s29, s15;
	s10 =	sshrl.u32 s10, $0x3;
	s9 =	sshrl.u32 s9, $0x3  }
0x11: {  	s11 =	smax.u32 s15, $0x1;
	s15 =	simm.s32 $0x3;
	s16 =	sadd.s32 $0x9800, s9  }
0x12: {  	s6 =	sadd.s32 s7, s10;
	s7 =	sadd.s32 s8, s10;
	s8 =	sadd.s32 s14, s16  }
0x13: {  	s9 =	sadd.s32 s12, s16;
	s10 =	sadd.s32 s13, s16;
	s13 =	sadd.s32 s17, s13  }
0x14: {  	s14 =	sadd.s32 s17, s14;
	s16 =	simm.s32 $0x80;
	s17 =	simm.s32 $0x13B0  }
0x15: {  	s12 =	sadd.s32 s30, s13;
	s13 =	sadd.s32 s30, s31;
	s14 =	sadd.s32 s30, s14  }
.LBB2_1:
0x16: {  	[tilespmem:s4], [sflag:$0x3] =	stream.linear.gather [hbm4b:s6+s4], $0x9D8, $0x38;
	[tilespmem:$0xD3B0] =	vst v63  }
0x17: {  	_ =	swait.ge [sflag:s15], $0x9D8  }
0x18: {  	[sflag:s15] =	ssyncset.done $0x0  }
0x19: {  	s26 =	simm.s32 $0x9D8;
	[sflag:s15] =	ssyncadd.s32 $0xFFFFF628  }
0x1a: {  	[tilespmem:s26], [sflag:$0x3] =	stream.linear.gather [hbm4b:s7+s4], $0x9D8, $0x38;
	[tilespmem:$0xD3B0] =	vst v63  }
0x1b: {  	_ =	swait.ge [sflag:s15], $0x9D8  }
0x1c: {  	[sflag:s15] =	ssyncset.done $0x0  }
0x1d: {  	[sflag:s15] =	ssyncadd.s32 $0xFFFFF628  }
0x1e: {  	[tilespmem:s17], [sflag:$0x1] =	stream.indirect.gather [hbm4b:s1+s16], $0x80, s4, s16, $0xb8;
	[tilespmem:$0xD3B0] =	vst v63  }
0x1f: {  	_ = 	snop  }
0x20: {  	[tilespmem:s18], [sflag:$0x1] =	stream.indirect.gather [hbm4b:s2+s16], $0x80, s26, s16, $0xb8;
	[tilespmem:$0xD3B0] =	vst v63  }
0x21: {  	_ = 	snop  }
0x22: {  	[tilespmem:s19], [sflag:$0x1] =	stream.indirect.gather [hbm4b:s5+s16], $0x80, s26, s16, $0xb8;
	[tilespmem:$0xD3B0] =	vst v63  }
0x23: {  	_ =	swait.ge [sflag:s20], $0x4000  }
0x24: {  	[sflag:s20] =	ssyncset.done $0x0  }
0x25: {  	[sflag:s20] =	ssyncadd.s32 $0xFFFFC000  }
0x26: {  	_ =	swait.ge [sflag:s20], $0x4000  }
0x27: {  	[sflag:s20] =	ssyncset.done $0x0  }
0x28: {  	[sflag:s20] =	ssyncadd.s32 $0xFFFFC000  }
0x29: {  	_ =	swait.ge [sflag:s20], $0x4000  }
0x2a: {  	[sflag:s20] =	ssyncset.done $0x0  }
0x2b: {  	s28 =	sadd.s32 $0x0, s14;
	[sflag:s20] =	ssyncadd.s32 $0xFFFFC000  }
0x2c: {  	[hbm4b:s28+s4] =	stream.linear.scatter [tilespmem:s17], [sflag:$0x2], $0x4000, $0x38;
	[tilespmem:$0xD3B0] =	vst v63  }
0x2d: {  	s28 =	sadd.s32 $0x0, s13  }
0x2e: {  	[hbm4b:s28+s4] =	stream.linear.scatter [tilespmem:s18], [sflag:$0x2], $0x4000, $0x38;
	[tilespmem:$0xD3B0] =	vst v63  }
0x2f: {  	s28 =	sadd.s32 $0x0, s12  }
0x30: {  	[hbm4b:s28+s4] =	stream.linear.scatter [tilespmem:s19], [sflag:$0x2], $0x4000, $0x38;
	[tilespmem:$0xD3B0] =	vst v63  }
0x31: {  	_ =	swait.ge [sflag:s21], $0x4000  }
0x32: {  	[sflag:s21] =	ssyncset.done $0x0  }
0x33: {  	[sflag:s21] =	ssyncadd.s32 $0xFFFFC000  }
0x34: {  	_ =	swait.ge [sflag:s21], $0x4000  }
0x35: {  	[sflag:s21] =	ssyncset.done $0x0  }
0x36: {  	[sflag:s21] =	ssyncadd.s32 $0xFFFFC000  }
0x37: {  	_ =	swait.ge [sflag:s21], $0x4000  }
0x38: {  	s29 =	simm.s32 $0x0;
	s28 =	simm.s32 $0x800;
	[sflag:s21] =	ssyncset.done $0x0  }
.LBB2_2:
0x39: {  	[sflag:s21] =	ssyncadd.s32 $0xFFFFC000;
	s29 =	sadd.s32 $0x80, s29;
	s26 =	sadd.s32 $0x80, s26  }
0x3a: {  	[tilespmem:s17], [sflag:$0x1] =	stream.indirect.gather [hbm4b:s1+s16], $0x80, s29, s16, $0xb8;
	[tilespmem:$0xD3B0] =	vst v63  }
0x3b: {  	p0 =	sne.s32 s28, $0x9000;
	s30 =	smov.u32 s28;
	s28 =	sadd.s32 $0x800, s28  }
0x3c: {  	[tilespmem:s18], [sflag:$0x1] =	stream.indirect.gather [hbm4b:s2+s16], $0x80, s26, s16, $0xb8;
	[tilespmem:$0xD3B0] =	vst v63  }
0x3d: {  	_ = 	snop  }
0x3e: {  	[tilespmem:s19], [sflag:$0x1] =	stream.indirect.gather [hbm4b:s5+s16], $0x80, s26, s16, $0xb8;
	[tilespmem:$0xD3B0] =	vst v63  }
0x3f: {  	_ =	swait.ge [sflag:s20], $0x4000  }
0x40: {  	[sflag:s20] =	ssyncset.done $0x0  }
0x41: {  	[sflag:s20] =	ssyncadd.s32 $0xFFFFC000  }
0x42: {  	_ =	swait.ge [sflag:s20], $0x4000  }
0x43: {  	[sflag:s20] =	ssyncset.done $0x0  }
0x44: {  	[sflag:s20] =	ssyncadd.s32 $0xFFFFC000  }
0x45: {  	_ =	swait.ge [sflag:s20], $0x4000  }
0x46: {  	[sflag:s20] =	ssyncset.done $0x0  }
0x47: {  	s31 =	sadd.s32 s30, s14;
	[sflag:s20] =	ssyncadd.s32 $0xFFFFC000  }
0x48: {  	[hbm4b:s31+s4] =	stream.linear.scatter [tilespmem:s17], [sflag:$0x2], $0x4000, $0x38;
	[tilespmem:$0xD3B0] =	vst v63  }
0x49: {  	s31 =	sadd.s32 s30, s13  }
0x4a: {  	[hbm4b:s31+s4] =	stream.linear.scatter [tilespmem:s18], [sflag:$0x2], $0x4000, $0x38;
	[tilespmem:$0xD3B0] =	vst v63  }
0x4b: {  	s30 =	sadd.s32 s30, s12  }
0x4c: {  	[hbm4b:s30+s4] =	stream.linear.scatter [tilespmem:s19], [sflag:$0x2], $0x4000, $0x38;
	[tilespmem:$0xD3B0] =	vst v63  }
0x4d: {  	_ =	swait.ge [sflag:s21], $0x4000  }
0x4e: {  	[sflag:s21] =	ssyncset.done $0x0  }
0x4f: {  	[sflag:s21] =	ssyncadd.s32 $0xFFFFC000  }
.Ltmp0:
0x50: {  	_ =	swait.ge [sflag:s21], $0x4000;
	(pc) =	sbr.rel @p0 .LBB2_2-.Ltmp0, $4  }
0x51: {  	[sflag:s21] =	ssyncset.done $0x0  }
0x52: {  	[sflag:s21] =	ssyncadd.s32 $0xFFFFC000  }
0x53: {  	_ =	swait.ge [sflag:s21], $0x4000  }
0x54: {  	[sflag:s21] =	ssyncset.done $0x0  }
0x55: {  	[sflag:s21] =	ssyncadd.s32 $0xFFFFC000  }
0x56: {  	[tilespmem:s17], [sflag:$0x1] =	stream.indirect.gather [hbm4b:s1+s22], $0x80, s23, s22, $0xb8;
	[tilespmem:$0xD3B0] =	vst v63  }
0x57: {  	_ = 	snop  }
0x58: {  	[tilespmem:s18], [sflag:$0x1] =	stream.indirect.gather [hbm4b:s2+s22], $0x80, s24, s22, $0xb8;
	[tilespmem:$0xD3B0] =	vst v63  }
0x59: {  	_ = 	snop  }
0x5a: {  	[tilespmem:s19], [sflag:$0x1] =	stream.indirect.gather [hbm4b:s5+s22], $0x80, s24, s22, $0xb8;
	[tilespmem:$0xD3B0] =	vst v63  }
0x5b: {  	_ =	swait.ge [sflag:s20], $0x2C00  }
0x5c: {  	[sflag:s20] =	ssyncset.done $0x0  }
0x5d: {  	[sflag:s20] =	ssyncadd.s32 $0xFFFFD400  }
0x5e: {  	_ =	swait.ge [sflag:s20], $0x2C00  }
0x5f: {  	[sflag:s20] =	ssyncset.done $0x0  }
0x60: {  	[sflag:s20] =	ssyncadd.s32 $0xFFFFD400  }
0x61: {  	_ =	swait.ge [sflag:s20], $0x2C00  }
0x62: {  	[sflag:s20] =	ssyncset.done $0x0  }
0x63: {  	[sflag:s20] =	ssyncadd.s32 $0xFFFFD400  }
0x64: {  	[hbm4b:s8+s4] =	stream.linear.scatter [tilespmem:s17], [sflag:$0x3], $0x2C00, $0x38;
	[tilespmem:$0xD3B0] =	vst v63  }
0x65: {  	_ =	swait.ge [sflag:s15], $0x2C00  }
0x66: {  	[sflag:s15] =	ssyncset.done $0x0  }
0x67: {  	[sflag:s15] =	ssyncadd.s32 $0xFFFFD400  }
0x68: {  	[hbm4b:s9+s4] =	stream.linear.scatter [tilespmem:s18], [sflag:$0x3], $0x2C00, $0x38;
	[tilespmem:$0xD3B0] =	vst v63  }
0x69: {  	s25 =	sadd.s32 $0x1, s25;
	_ =	swait.ge [sflag:s15], $0x2C00  }
0x6a: {  	p0 =	sne.s32 s25, s11;
	[sflag:s15] =	ssyncset.done $0x0  }
.Ltmp1:
0x6b: {  	[sflag:s15] =	ssyncadd.s32 $0xFFFFD400;
	(pc) =	sbr.rel @p0 .LBB2_1-.Ltmp1, $4  }
0x6c: {  	[hbm4b:s10+s4] =	stream.linear.scatter [tilespmem:s19], [sflag:$0x3], $0x2C00, $0x38;
	[tilespmem:$0xD3B0] =	vst v63  }
0x6d: {  	_ =	swait.ge [sflag:s15], $0x2C00  }
0x6e: {  	[sflag:s15] =	ssyncset.done $0x0  }
0x6f: {  	[sflag:s15] =	ssyncadd.s32 $0xFFFFD400  }
0x70: {  	_ =	sfence.sel $0x180000  }
0x71: {  	[bflag:$0x0] =	sbarrier.arrive $0xFFFF  }
0x72: {  	p0 =	sne.s32 s3, $0x0;
	_ =	strace $0x90000047  }
0x73: {  	s0 =	sadd.s32 @!p0 $0x100000, s0;
	[bflag:$0x2] =	sbarrier.arrive $0xFFFF  }
0x74: {  	[sflag:s0] =	ssyncadd.tile.s32 @!p0 $0x1;
	_ =	shalt  }
.Lfunc_end2:
_tile_overlayer_lowered:
.L_overlay_start_2:
0x75: {  	(tag) =	ssettag $0x2  }
0x76: {  	s0 =	rddreg [dreg:$0x0];
	s2 =	stileid.u32  }
0x77: {  	s1 =	rddreg [dreg:$0x1];
	p0 =	sne.s32 s2, $0x0  }
0x78: {  	s3 =	rddreg [dreg:$0x2];
	[bflag:$0x3] =	sbarrier.arrive $0xFFFF;
	s2 =	simm.s32 @!p0 $0x1C03  }
0x79: {  	[timem:s3], [sflag:s2] =	dma.local @!p0 [hbm:s0], s1  }
0x7a: {  	s0 =	simm.s32 @!p0 $0x3  }
0x7b: {  	_ =	swait.ge @!p0 [sflag:s0], s1  }
0x7c: {  	s1 =	ssub.s32 @!p0 $0x0, s1;
	[sflag:s0] =	ssyncset.done @!p0 $0x0  }
0x7d: {  	[sflag:s0] =	ssyncadd.s32 @!p0 s1  }
0x7e: {  	[bflag:$0x3] =	sbarrier.arrive $0xFFFF  }
0x7f: {  	_ =	shalt  }

</sc_bundles>
